<compile_context>
chip_gen: v7x
topology: tpu7x:2x2x1
jax: 0.10.2.dev20260603
libtpu: 0.0.44.dev20260713+nightly
codegen_flags: <defaults>
</compile_context>

<pallas_src>
import jax
import jax.numpy as jnp
from jax import lax
from jax.experimental import pallas as pl
from jax.experimental.pallas import tpu as pltpu
from jax.experimental.pallas import tpu_sc as plsc

_B = 4
_S = 4096
_C = 2048
_W = 8
_NCHUNK = 64
_RPW = _W * _NCHUNK
_WPB = 8
_NIN = 4
_HROW = 7


def _compute(buf, hbuf, obuf):
    @plsc.parallel_loop(0, _C // 16)
    def _(gi):
        o = gi * 16
        prev = hbuf[_HROW, pl.ds(o, 16)]
        for r in range(_W):
            cur = buf[r, pl.ds(o, 16)]
            obuf[r, pl.ds(o, 16)] = cur - prev
            prev = cur
        hbuf[_HROW, pl.ds(o, 16)] = prev


def _sc_body(x_hbm, out_hbm, buf0, buf1, buf2, buf3, obuf0, obuf1, hbuf,
             sem0, sem1, sem2, sem3, semo0, semo1, semh):
    cid = lax.axis_index("c")
    sid = lax.axis_index("s")
    wid = sid * 2 + cid
    b = wid // _WPB
    r0 = (wid % _WPB) * _RPW
    g0 = b * _S + r0

    bufs = (buf0, buf1, buf2, buf3)
    sems = (sem0, sem1, sem2, sem3)
    obufs = (obuf0, obuf1)
    osems = (semo0, semo1)

    def start_in(c, buf, sem):
        g = pl.multiple_of(g0 + c * _W, 8)
        pltpu.make_async_copy(x_hbm.at[pl.ds(g, _W)], buf, sem).start()

    def wait_in(buf, sem):
        pltpu.make_async_copy(x_hbm.at[pl.ds(0, _W)], buf, sem).wait()

    def start_out(c, obuf, osem):
        g = pl.multiple_of(g0 + c * _W, 8)
        pltpu.make_async_copy(obuf, out_hbm.at[pl.ds(g, _W)], osem).start()

    def wait_out(obuf, osem):
        pltpu.make_async_copy(obuf, out_hbm.at[pl.ds(g0, _W)], osem).wait()

    halo_hi = b * _S + (r0 + _S - 1) % _S + 1
    halo_lo = pl.multiple_of(halo_hi - 8, 8)
    pltpu.make_async_copy(x_hbm.at[pl.ds(halo_lo, 8)], hbuf, semh).start()
    for j in range(_NIN):
        start_in(j, bufs[j], sems[j])
    pltpu.make_async_copy(x_hbm.at[pl.ds(0, 8)], hbuf, semh).wait()

    def step(c, j, is_first):
        wait_in(bufs[j], sems[j])
        if not is_first:
            wait_out(obufs[j % 2], osems[j % 2])
        _compute(bufs[j], hbuf, obufs[j % 2])
        start_out(c, obufs[j % 2], osems[j % 2])

        @pl.when(c + _NIN < _NCHUNK)
        def _():
            start_in(c + _NIN, bufs[j], sems[j])

    def quad(k, carry):
        c0 = _NIN * k
        for j in range(_NIN):
            step(c0 + j, j, False)
        return carry

    for j in range(_NIN):
        step(j, j, j < 2)
    lax.fori_loop(1, _NCHUNK // _NIN, quad, 0)
    wait_out(obufs[0], osems[0])
    wait_out(obufs[1], osems[1])


def kernel(x):
    B, S, C = x.shape
    x2 = x.reshape(B * S, C)
    mesh = plsc.VectorSubcoreMesh(core_axis_name="c", subcore_axis_name="s")
    out = pl.kernel(
        _sc_body,
        out_type=jax.ShapeDtypeStruct((B * S, C), x.dtype),
        scratch_types=[
            pltpu.VMEM((_W, _C), jnp.float32),
            pltpu.VMEM((_W, _C), jnp.float32),
            pltpu.VMEM((_W, _C), jnp.float32),
            pltpu.VMEM((_W, _C), jnp.float32),
            pltpu.VMEM((_W, _C), jnp.float32),
            pltpu.VMEM((_W, _C), jnp.float32),
            pltpu.VMEM((8, _C), jnp.float32),
            pltpu.SemaphoreType.DMA,
            pltpu.SemaphoreType.DMA,
            pltpu.SemaphoreType.DMA,
            pltpu.SemaphoreType.DMA,
            pltpu.SemaphoreType.DMA,
            pltpu.SemaphoreType.DMA,
            pltpu.SemaphoreType.DMA,
        ],
        mesh=mesh,
    )(x2)
    return out.reshape(B, S, C)

# --- scband reference (transcript-rebuilt; emitter-appended) ---
"""Pipeline reference for scband-stochastic-8924942042037 (READ-ONLY COPY).

The authoritative reference and input builder live on the scoring server;
editing this copy changes nothing except your own understanding.
"""

import jax, jax.numpy as jnp
import numpy as np

def setup_inputs(seed: int = 0) -> dict:
    key = jax.random.key(seed)
    x = jax.random.normal(key, (4, 4096, 2048), dtype=jnp.float32)
    return {"x": x}

def reference(x):
    # Eval-mode (deterministic) path of Stochastic.forward:
    # y = torch.roll(x, 1, 1); x = x - y
    y = jnp.roll(x, 1, axis=1)
    return x - y

if __name__ == "__main__":
    import jax
    _d = setup_inputs()
    print(jax.jit(kernel)(*tuple(_d.values())))

</pallas_src>

<mosaic_0001>
#map = affine_map<(d0, d1) -> (0, 0)>
module attributes {stable_mosaic.version = 14 : i64} {
  func.func @_sc_body(%arg0: i32, %arg1: i32, %arg2: memref<16384x2048xf32, #tpu.memory_space<hbm>>, %arg3: memref<16384x2048xf32, #tpu.memory_space<hbm>>, %arg4: memref<8x2048xf32, #tpu.memory_space<vmem>>, %arg5: memref<8x2048xf32, #tpu.memory_space<vmem>>, %arg6: memref<8x2048xf32, #tpu.memory_space<vmem>>, %arg7: memref<8x2048xf32, #tpu.memory_space<vmem>>, %arg8: memref<8x2048xf32, #tpu.memory_space<vmem>>, %arg9: memref<8x2048xf32, #tpu.memory_space<vmem>>, %arg10: memref<8x2048xf32, #tpu.memory_space<vmem>>, %arg11: memref<!tpu.dma_semaphore, #tpu.memory_space<semaphore_mem>>, %arg12: memref<!tpu.dma_semaphore, #tpu.memory_space<semaphore_mem>>, %arg13: memref<!tpu.dma_semaphore, #tpu.memory_space<semaphore_mem>>, %arg14: memref<!tpu.dma_semaphore, #tpu.memory_space<semaphore_mem>>, %arg15: memref<!tpu.dma_semaphore, #tpu.memory_space<semaphore_mem>>, %arg16: memref<!tpu.dma_semaphore, #tpu.memory_space<semaphore_mem>>, %arg17: memref<!tpu.dma_semaphore, #tpu.memory_space<semaphore_mem>>) attributes {dimension_semantics = [#tpu.dimension_semantics<core_parallel>, #tpu.dimension_semantics<subcore_parallel>], iteration_bounds = array<i64: 2, 16>, scalar_prefetch = 0 : i64, scratch_operands = 14 : i64, tpu.core_type = #tpu.core_type<sc_vector_subcore>, window_params = [{transform_indices = #map}, {transform_indices = #map}]} {
    %mul3A = arith.constant 2 : i32
    %mul3A_0 = arith.muli %arg1, %mul3A : i32
    %add3A = arith.addi %mul3A_0, %arg0 : i32
    %jit3A = arith.constant 8 : i32
    %div3A = arith.divsi %add3A, %jit3A : i32
    %sign3A = arith.constant 0 : i32
    %sign3A_1 = arith.cmpi sgt, %add3A, %sign3A : i32
    %sign3A_2 = arith.extui %sign3A_1 : i1 to i32
    %sign3A_3 = arith.constant 0 : i32
    %sign3A_4 = arith.cmpi slt, %add3A, %sign3A_3 : i32
    %sign3A_5 = arith.extui %sign3A_4 : i1 to i32
    %sign3A_6 = arith.subi %sign3A_2, %sign3A_5 : i32
    %sign3A_7 = arith.constant 0 : i32
    %sign3A_8 = arith.cmpi sgt, %jit3A, %sign3A_7 : i32
    %sign3A_9 = arith.extui %sign3A_8 : i1 to i32
    %sign3A_10 = arith.constant 0 : i32
    %sign3A_11 = arith.cmpi slt, %jit3A, %sign3A_10 : i32
    %sign3A_12 = arith.extui %sign3A_11 : i1 to i32
    %sign3A_13 = arith.subi %sign3A_9, %sign3A_12 : i32
    %ne3A = arith.cmpi ne, %sign3A_6, %sign3A_13 : i32
    %rem3A = arith.remsi %add3A, %jit3A : i32
    %ne3A_14 = arith.constant 0 : i32
    %ne3A_15 = arith.cmpi ne, %rem3A, %ne3A_14 : i32
    %and3A = arith.andi %ne3A, %ne3A_15 : i1
    %sub3A = arith.constant 1 : i32
    %sub3A_16 = arith.subi %div3A, %sub3A : i32
    %select_n3A = arith.select %and3A, %sub3A_16, %div3A : i32
    %jit3A_17 = arith.constant 8 : i32
    %eq3A = arith.constant 0 : i32
    %eq3A_18 = arith.cmpi eq, %jit3A_17, %eq3A : i32
    %jit3A_19 = arith.constant 1 : i32
    %select_n3A_20 = arith.select %eq3A_18, %jit3A_19, %jit3A_17 : i32
    %rem3A_21 = arith.remsi %add3A, %select_n3A_20 : i32
    %ne3A_22 = arith.constant 0 : i32
    %ne3A_23 = arith.cmpi ne, %rem3A_21, %ne3A_22 : i32
    %lt3A = arith.constant 0 : i32
    %lt3A_24 = arith.cmpi slt, %rem3A_21, %lt3A : i32
    %lt3A_25 = arith.constant 0 : i32
    %lt3A_26 = arith.cmpi slt, %select_n3A_20, %lt3A_25 : i32
    %ne3A_27 = arith.xori %lt3A_24, %lt3A_26 : i1
    %and3A_28 = arith.andi %ne3A_27, %ne3A_23 : i1
    %add3A_29 = arith.addi %rem3A_21, %select_n3A_20 : i32
    %select_n3A_30 = arith.select %and3A_28, %add3A_29, %rem3A_21 : i32
    %mul3A_31 = arith.constant 512 : i32
    %mul3A_32 = arith.muli %select_n3A_30, %mul3A_31 : i32
    %mul3A_33 = arith.constant 4096 : i32
    %mul3A_34 = arith.muli %select_n3A, %mul3A_33 : i32
    %add3A_35 = arith.addi %mul3A_34, %mul3A_32 : i32
    %mul3A_36 = arith.constant 4096 : i32
    %mul3A_37 = arith.muli %select_n3A, %mul3A_36 : i32
    %add3A_38 = arith.constant 4096 : i32
    %add3A_39 = arith.addi %mul3A_32, %add3A_38 : i32
    %sub3A_40 = arith.constant 1 : i32
    %sub3A_41 = arith.subi %add3A_39, %sub3A_40 : i32
    %jit3A_42 = arith.constant 4096 : i32
    %eq3A_43 = arith.constant 0 : i32
    %eq3A_44 = arith.cmpi eq, %jit3A_42, %eq3A_43 : i32
    %jit3A_45 = arith.constant 1 : i32
    %select_n3A_46 = arith.select %eq3A_44, %jit3A_45, %jit3A_42 : i32
    %rem3A_47 = arith.remsi %sub3A_41, %select_n3A_46 : i32
    %ne3A_48 = arith.constant 0 : i32
    %ne3A_49 = arith.cmpi ne, %rem3A_47, %ne3A_48 : i32
    %lt3A_50 = arith.constant 0 : i32
    %lt3A_51 = arith.cmpi slt, %rem3A_47, %lt3A_50 : i32
    %lt3A_52 = arith.constant 0 : i32
    %lt3A_53 = arith.cmpi slt, %select_n3A_46, %lt3A_52 : i32
    %ne3A_54 = arith.xori %lt3A_51, %lt3A_53 : i1
    %and3A_55 = arith.andi %ne3A_54, %ne3A_49 : i1
    %add3A_56 = arith.addi %rem3A_47, %select_n3A_46 : i32
    %select_n3A_57 = arith.select %and3A_55, %add3A_56, %rem3A_47 : i32
    %add3A_58 = arith.addi %mul3A_37, %select_n3A_57 : i32
    %add3A_59 = arith.constant 1 : i32
    %add3A_60 = arith.addi %add3A_58, %add3A_59 : i32
    %sub3A_61 = arith.constant 8 : i32
    %sub3A_62 = arith.subi %add3A_60, %sub3A_61 : i32
    %multiple_of3A = tpu.assume_multiple %sub3A_62, 8 : i32
    %dma_start3A = arith.constant 0 : i32
    %dma_start3A_63 = tpu.memref_slice %arg2[%multiple_of3A, %dma_start3A] : memref<16384x2048xf32, #tpu.memory_space<hbm>> -> memref<8x2048xf32, #tpu.memory_space<hbm>>
    %dma_start3A_64 = arith.constant 0 : i32
    %dma_start3A_65 = tpu.memref_slice %arg2[%multiple_of3A, %dma_start3A_64] : memref<16384x2048xf32, #tpu.memory_space<hbm>> -> memref<8x2048xf32, #tpu.memory_space<hbm>>
    tpu.enqueue_dma source(%dma_start3A_65 : memref<8x2048xf32, #tpu.memory_space<hbm>>) target(%arg10 : memref<8x2048xf32, #tpu.memory_space<vmem>>) target_semaphore(%arg17 : memref<!tpu.dma_semaphore, #tpu.memory_space<semaphore_mem>>)
    %add3A_66 = arith.constant 0 : i32
    %add3A_67 = arith.addi %add3A_35, %add3A_66 : i32
    %multiple_of3A_68 = tpu.assume_multiple %add3A_67, 8 : i32
    %dma_start3A_69 = arith.constant 0 : i32
    %dma_start3A_70 = tpu.memref_slice %arg2[%multiple_of3A_68, %dma_start3A_69] : memref<16384x2048xf32, #tpu.memory_space<hbm>> -> memref<8x2048xf32, #tpu.memory_space<hbm>>
    %dma_start3A_71 = arith.constant 0 : i32
    %dma_start3A_72 = tpu.memref_slice %arg2[%multiple_of3A_68, %dma_start3A_71] : memref<16384x2048xf32, #tpu.memory_space<hbm>> -> memref<8x2048xf32, #tpu.memory_space<hbm>>
    tpu.enqueue_dma source(%dma_start3A_72 : memref<8x2048xf32, #tpu.memory_space<hbm>>) target(%arg4 : memref<8x2048xf32, #tpu.memory_space<vmem>>) target_semaphore(%arg11 : memref<!tpu.dma_semaphore, #tpu.memory_space<semaphore_mem>>)
    %add3A_73 = arith.constant 8 : i32
    %add3A_74 = arith.addi %add3A_35, %add3A_73 : i32
    %multiple_of3A_75 = tpu.assume_multiple %add3A_74, 8 : i32
    %dma_start3A_76 = arith.constant 0 : i32
    %dma_start3A_77 = tpu.memref_slice %arg2[%multiple_of3A_75, %dma_start3A_76] : memref<16384x2048xf32, #tpu.memory_space<hbm>> -> memref<8x2048xf32, #tpu.memory_space<hbm>>
    %dma_start3A_78 = arith.constant 0 : i32
    %dma_start3A_79 = tpu.memref_slice %arg2[%multiple_of3A_75, %dma_start3A_78] : memref<16384x2048xf32, #tpu.memory_space<hbm>> -> memref<8x2048xf32, #tpu.memory_space<hbm>>
    tpu.enqueue_dma source(%dma_start3A_79 : memref<8x2048xf32, #tpu.memory_space<hbm>>) target(%arg5 : memref<8x2048xf32, #tpu.memory_space<vmem>>) target_semaphore(%arg12 : memref<!tpu.dma_semaphore, #tpu.memory_space<semaphore_mem>>)
    %add3A_80 = arith.constant 16 : i32
    %add3A_81 = arith.addi %add3A_35, %add3A_80 : i32
    %multiple_of3A_82 = tpu.assume_multiple %add3A_81, 8 : i32
    %dma_start3A_83 = arith.constant 0 : i32
    %dma_start3A_84 = tpu.memref_slice %arg2[%multiple_of3A_82, %dma_start3A_83] : memref<16384x2048xf32, #tpu.memory_space<hbm>> -> memref<8x2048xf32, #tpu.memory_space<hbm>>
    %dma_start3A_85 = arith.constant 0 : i32
    %dma_start3A_86 = tpu.memref_slice %arg2[%multiple_of3A_82, %dma_start3A_85] : memref<16384x2048xf32, #tpu.memory_space<hbm>> -> memref<8x2048xf32, #tpu.memory_space<hbm>>
    tpu.enqueue_dma source(%dma_start3A_86 : memref<8x2048xf32, #tpu.memory_space<hbm>>) target(%arg6 : memref<8x2048xf32, #tpu.memory_space<vmem>>) target_semaphore(%arg13 : memref<!tpu.dma_semaphore, #tpu.memory_space<semaphore_mem>>)
    %add3A_87 = arith.constant 24 : i32
    %add3A_88 = arith.addi %add3A_35, %add3A_87 : i32
    %multiple_of3A_89 = tpu.assume_multiple %add3A_88, 8 : i32
    %dma_start3A_90 = arith.constant 0 : i32
    %dma_start3A_91 = tpu.memref_slice %arg2[%multiple_of3A_89, %dma_start3A_90] : memref<16384x2048xf32, #tpu.memory_space<hbm>> -> memref<8x2048xf32, #tpu.memory_space<hbm>>
    %dma_start3A_92 = arith.constant 0 : i32
    %dma_start3A_93 = tpu.memref_slice %arg2[%multiple_of3A_89, %dma_start3A_92] : memref<16384x2048xf32, #tpu.memory_space<hbm>> -> memref<8x2048xf32, #tpu.memory_space<hbm>>
    tpu.enqueue_dma source(%dma_start3A_93 : memref<8x2048xf32, #tpu.memory_space<hbm>>) target(%arg7 : memref<8x2048xf32, #tpu.memory_space<vmem>>) target_semaphore(%arg14 : memref<!tpu.dma_semaphore, #tpu.memory_space<semaphore_mem>>)
    %dma_wait3A = arith.constant 0 : i32
    %dma_wait3A_94 = arith.constant 0 : i32
    %dma_wait3A_95 = tpu.memref_slice %arg2[%dma_wait3A, %dma_wait3A_94] : memref<16384x2048xf32, #tpu.memory_space<hbm>> -> memref<8x2048xf32, #tpu.memory_space<hbm>>
    %dma_wait3A_96 = arith.constant 0 : i32
    %dma_wait3A_97 = arith.constant 0 : i32
    %dma_wait3A_98 = tpu.memref_slice %arg2[%dma_wait3A_96, %dma_wait3A_97] : memref<16384x2048xf32, #tpu.memory_space<hbm>> -> memref<8x2048xf32, #tpu.memory_space<hbm>>
    tpu.wait_dma2 semaphore(%arg17 : memref<!tpu.dma_semaphore, #tpu.memory_space<semaphore_mem>>) src(%dma_wait3A_98 : memref<8x2048xf32, #tpu.memory_space<hbm>>) dst(%arg10 : memref<8x2048xf32, #tpu.memory_space<vmem>>)
    %dma_wait3A_99 = arith.constant 0 : i32
    %dma_wait3A_100 = arith.constant 0 : i32
    %dma_wait3A_101 = tpu.memref_slice %arg2[%dma_wait3A_99, %dma_wait3A_100] : memref<16384x2048xf32, #tpu.memory_space<hbm>> -> memref<8x2048xf32, #tpu.memory_space<hbm>>
    %dma_wait3A_102 = arith.constant 0 : i32
    %dma_wait3A_103 = arith.constant 0 : i32
    %dma_wait3A_104 = tpu.memref_slice %arg2[%dma_wait3A_102, %dma_wait3A_103] : memref<16384x2048xf32, #tpu.memory_space<hbm>> -> memref<8x2048xf32, #tpu.memory_space<hbm>>
    tpu.wait_dma2 semaphore(%arg11 : memref<!tpu.dma_semaphore, #tpu.memory_space<semaphore_mem>>) src(%dma_wait3A_104 : memref<8x2048xf32, #tpu.memory_space<hbm>>) dst(%arg4 : memref<8x2048xf32, #tpu.memory_space<vmem>>)
    %parallel_loop3A = arith.constant 0 : i32
    %parallel_loop3A_105 = arith.constant 128 : i32
    %parallel_loop3A_106 = arith.constant 1 : i32
    scf.for %parallel_loop3A_211 = %parallel_loop3A to %parallel_loop3A_105 step %parallel_loop3A_106  : i32 {
      %parallel_loop3A_212 = arith.constant 16 : i32
      %parallel_loop3A_213 = arith.muli %parallel_loop3A_211, %parallel_loop3A_212 : i32
      %parallel_loop3A_214 = arith.constant 7 : i32
      %parallel_loop3A_215 = arith.index_cast %parallel_loop3A_214 : i32 to index
      %parallel_loop3A_216 = arith.index_cast %parallel_loop3A_213 : i32 to index
      %parallel_loop3A_217 = tpu.vector_load %arg10[%parallel_loop3A_215, %parallel_loop3A_216] {strides = array<i32>} : memref<8x2048xf32, #tpu.memory_space<vmem>>, vector<1x16xf32>,
      %parallel_loop3A_218 = vector.shape_cast %parallel_loop3A_217 : vector<1x16xf32> to vector<16xf32>
      %parallel_loop3A_219 = arith.constant 0 : i32
      %parallel_loop3A_220 = arith.index_cast %parallel_loop3A_219 : i32 to index
      %parallel_loop3A_221 = arith.index_cast %parallel_loop3A_213 : i32 to index
      %parallel_loop3A_222 = tpu.vector_load %arg4[%parallel_loop3A_220, %parallel_loop3A_221] {strides = array<i32>} : memref<8x2048xf32, #tpu.memory_space<vmem>>, vector<1x16xf32>,
      %parallel_loop3A_223 = vector.shape_cast %parallel_loop3A_222 : vector<1x16xf32> to vector<16xf32>
      %parallel_loop3A_224 = arith.subf %parallel_loop3A_223, %parallel_loop3A_218 : vector<16xf32>
      %parallel_loop3A_225 = arith.constant 0 : i32
      %parallel_loop3A_226 = arith.index_cast %parallel_loop3A_225 : i32 to index
      %parallel_loop3A_227 = arith.index_cast %parallel_loop3A_213 : i32 to index
      %parallel_loop3A_228 = tpu.vector_load %arg8[%parallel_loop3A_226, %parallel_loop3A_227] {strides = array<i32>} : memref<8x2048xf32, #tpu.memory_space<vmem>>, vector<1x16xf32>,
      %parallel_loop3A_229 = vector.shape_cast %parallel_loop3A_228 : vector<1x16xf32> to vector<16xf32>
      %parallel_loop3A_230 = vector.shape_cast %parallel_loop3A_224 : vector<16xf32> to vector<1x16xf32>
      tpu.vector_store %arg8[%parallel_loop3A_226, %parallel_loop3A_227], %parallel_loop3A_230 {strides = array<i32>} : memref<8x2048xf32, #tpu.memory_space<vmem>>, vector<1x16xf32>,
      %parallel_loop3A_231 = arith.constant 1 : i32
      %parallel_loop3A_232 = arith.index_cast %parallel_loop3A_231 : i32 to index
      %parallel_loop3A_233 = arith.index_cast %parallel_loop3A_213 : i32 to index
      %parallel_loop3A_234 = tpu.vector_load %arg4[%parallel_loop3A_232, %parallel_loop3A_233] {strides = array<i32>} : memref<8x2048xf32, #tpu.memory_space<vmem>>, vector<1x16xf32>,
      %parallel_loop3A_235 = vector.shape_cast %parallel_loop3A_234 : vector<1x16xf32> to vector<16xf32>
      %parallel_loop3A_236 = arith.subf %parallel_loop3A_235, %parallel_loop3A_223 : vector<16xf32>
      %parallel_loop3A_237 = arith.constant 1 : i32
      %parallel_loop3A_238 = arith.index_cast %parallel_loop3A_237 : i32 to index
      %parallel_loop3A_239 = arith.index_cast %parallel_loop3A_213 : i32 to index
      %parallel_loop3A_240 = tpu.vector_load %arg8[%parallel_loop3A_238, %parallel_loop3A_239] {strides = array<i32>} : memref<8x2048xf32, #tpu.memory_space<vmem>>, vector<1x16xf32>,
      %parallel_loop3A_241 = vector.shape_cast %parallel_loop3A_240 : vector<1x16xf32> to vector<16xf32>
      %parallel_loop3A_242 = vector.shape_cast %parallel_loop3A_236 : vector<16xf32> to vector<1x16xf32>
      tpu.vector_store %arg8[%parallel_loop3A_238, %parallel_loop3A_239], %parallel_loop3A_242 {strides = array<i32>} : memref<8x2048xf32, #tpu.memory_space<vmem>>, vector<1x16xf32>,
      %parallel_loop3A_243 = arith.constant 2 : i32
      %parallel_loop3A_244 = arith.index_cast %parallel_loop3A_243 : i32 to index
      %parallel_loop3A_245 = arith.index_cast %parallel_loop3A_213 : i32 to index
      %parallel_loop3A_246 = tpu.vector_load %arg4[%parallel_loop3A_244, %parallel_loop3A_245] {strides = array<i32>} : memref<8x2048xf32, #tpu.memory_space<vmem>>, vector<1x16xf32>,
      %parallel_loop3A_247 = vector.shape_cast %parallel_loop3A_246 : vector<1x16xf32> to vector<16xf32>
      %parallel_loop3A_248 = arith.subf %parallel_loop3A_247, %parallel_loop3A_235 : vector<16xf32>
      %parallel_loop3A_249 = arith.constant 2 : i32
      %parallel_loop3A_250 = arith.index_cast %parallel_loop3A_249 : i32 to index
      %parallel_loop3A_251 = arith.index_cast %parallel_loop3A_213 : i32 to index
      %parallel_loop3A_252 = tpu.vector_load %arg8[%parallel_loop3A_250, %parallel_loop3A_251] {strides = array<i32>} : memref<8x2048xf32, #tpu.memory_space<vmem>>, vector<1x16xf32>,
      %parallel_loop3A_253 = vector.shape_cast %parallel_loop3A_252 : vector<1x16xf32> to vector<16xf32>
      %parallel_loop3A_254 = vector.shape_cast %parallel_loop3A_248 : vector<16xf32> to vector<1x16xf32>
      tpu.vector_store %arg8[%parallel_loop3A_250, %parallel_loop3A_251], %parallel_loop3A_254 {strides = array<i32>} : memref<8x2048xf32, #tpu.memory_space<vmem>>, vector<1x16xf32>,
      %parallel_loop3A_255 = arith.constant 3 : i32
      %parallel_loop3A_256 = arith.index_cast %parallel_loop3A_255 : i32 to index
      %parallel_loop3A_257 = arith.index_cast %parallel_loop3A_213 : i32 to index
      %parallel_loop3A_258 = tpu.vector_load %arg4[%parallel_loop3A_256, %parallel_loop3A_257] {strides = array<i32>} : memref<8x2048xf32, #tpu.memory_space<vmem>>, vector<1x16xf32>,
      %parallel_loop3A_259 = vector.shape_cast %parallel_loop3A_258 : vector<1x16xf32> to vector<16xf32>
      %parallel_loop3A_260 = arith.subf %parallel_loop3A_259, %parallel_loop3A_247 : vector<16xf32>
      %parallel_loop3A_261 = arith.constant 3 : i32
      %parallel_loop3A_262 = arith.index_cast %parallel_loop3A_261 : i32 to index
      %parallel_loop3A_263 = arith.index_cast %parallel_loop3A_213 : i32 to index
      %parallel_loop3A_264 = tpu.vector_load %arg8[%parallel_loop3A_262, %parallel_loop3A_263] {strides = array<i32>} : memref<8x2048xf32, #tpu.memory_space<vmem>>, vector<1x16xf32>,
      %parallel_loop3A_265 = vector.shape_cast %parallel_loop3A_264 : vector<1x16xf32> to vector<16xf32>
      %parallel_loop3A_266 = vector.shape_cast %parallel_loop3A_260 : vector<16xf32> to vector<1x16xf32>
      tpu.vector_store %arg8[%parallel_loop3A_262, %parallel_loop3A_263], %parallel_loop3A_266 {strides = array<i32>} : memref<8x2048xf32, #tpu.memory_space<vmem>>, vector<1x16xf32>,
      %parallel_loop3A_267 = arith.constant 4 : i32
      %parallel_loop3A_268 = arith.index_cast %parallel_loop3A_267 : i32 to index
      %parallel_loop3A_269 = arith.index_cast %parallel_loop3A_213 : i32 to index
      %parallel_loop3A_270 = tpu.vector_load %arg4[%parallel_loop3A_268, %parallel_loop3A_269] {strides = array<i32>} : memref<8x2048xf32, #tpu.memory_space<vmem>>, vector<1x16xf32>,
      %parallel_loop3A_271 = vector.shape_cast %parallel_loop3A_270 : vector<1x16xf32> to vector<16xf32>
      %parallel_loop3A_272 = arith.subf %parallel_loop3A_271, %parallel_loop3A_259 : vector<16xf32>
      %parallel_loop3A_273 = arith.constant 4 : i32
      %parallel_loop3A_274 = arith.index_cast %parallel_loop3A_273 : i32 to index
      %parallel_loop3A_275 = arith.index_cast %parallel_loop3A_213 : i32 to index
      %parallel_loop3A_276 = tpu.vector_load %arg8[%parallel_loop3A_274, %parallel_loop3A_275] {strides = array<i32>} : memref<8x2048xf32, #tpu.memory_space<vmem>>, vector<1x16xf32>,
      %parallel_loop3A_277 = vector.shape_cast %parallel_loop3A_276 : vector<1x16xf32> to vector<16xf32>
      %parallel_loop3A_278 = vector.shape_cast %parallel_loop3A_272 : vector<16xf32> to vector<1x16xf32>
      tpu.vector_store %arg8[%parallel_loop3A_274, %parallel_loop3A_275], %parallel_loop3A_278 {strides = array<i32>} : memref<8x2048xf32, #tpu.memory_space<vmem>>, vector<1x16xf32>,
      %parallel_loop3A_279 = arith.constant 5 : i32
      %parallel_loop3A_280 = arith.index_cast %parallel_loop3A_279 : i32 to index
      %parallel_loop3A_281 = arith.index_cast %parallel_loop3A_213 : i32 to index
      %parallel_loop3A_282 = tpu.vector_load %arg4[%parallel_loop3A_280, %parallel_loop3A_281] {strides = array<i32>} : memref<8x2048xf32, #tpu.memory_space<vmem>>, vector<1x16xf32>,
      %parallel_loop3A_283 = vector.shape_cast %parallel_loop3A_282 : vector<1x16xf32> to vector<16xf32>
      %parallel_loop3A_284 = arith.subf %parallel_loop3A_283, %parallel_loop3A_271 : vector<16xf32>
      %parallel_loop3A_285 = arith.constant 5 : i32
      %parallel_loop3A_286 = arith.index_cast %parallel_loop3A_285 : i32 to index
      %parallel_loop3A_287 = arith.index_cast %parallel_loop3A_213 : i32 to index
      %parallel_loop3A_288 = tpu.vector_load %arg8[%parallel_loop3A_286, %parallel_loop3A_287] {strides = array<i32>} : memref<8x2048xf32, #tpu.memory_space<vmem>>, vector<1x16xf32>,
      %parallel_loop3A_289 = vector.shape_cast %parallel_loop3A_288 : vector<1x16xf32> to vector<16xf32>
      %parallel_loop3A_290 = vector.shape_cast %parallel_loop3A_284 : vector<16xf32> to vector<1x16xf32>
      tpu.vector_store %arg8[%parallel_loop3A_286, %parallel_loop3A_287], %parallel_loop3A_290 {strides = array<i32>} : memref<8x2048xf32, #tpu.memory_space<vmem>>, vector<1x16xf32>,
      %parallel_loop3A_291 = arith.constant 6 : i32
      %parallel_loop3A_292 = arith.index_cast %parallel_loop3A_291 : i32 to index
      %parallel_loop3A_293 = arith.index_cast %parallel_loop3A_213 : i32 to index
      %parallel_loop3A_294 = tpu.vector_load %arg4[%parallel_loop3A_292, %parallel_loop3A_293] {strides = array<i32>} : memref<8x2048xf32, #tpu.memory_space<vmem>>, vector<1x16xf32>,
      %parallel_loop3A_295 = vector.shape_cast %parallel_loop3A_294 : vector<1x16xf32> to vector<16xf32>
      %parallel_loop3A_296 = arith.subf %parallel_loop3A_295, %parallel_loop3A_283 : vector<16xf32>
      %parallel_loop3A_297 = arith.constant 6 : i32
      %parallel_loop3A_298 = arith.index_cast %parallel_loop3A_297 : i32 to index
      %parallel_loop3A_299 = arith.index_cast %parallel_loop3A_213 : i32 to index
      %parallel_loop3A_300 = tpu.vector_load %arg8[%parallel_loop3A_298, %parallel_loop3A_299] {strides = array<i32>} : memref<8x2048xf32, #tpu.memory_space<vmem>>, vector<1x16xf32>,
      %parallel_loop3A_301 = vector.shape_cast %parallel_loop3A_300 : vector<1x16xf32> to vector<16xf32>
      %parallel_loop3A_302 = vector.shape_cast %parallel_loop3A_296 : vector<16xf32> to vector<1x16xf32>
      tpu.vector_store %arg8[%parallel_loop3A_298, %parallel_loop3A_299], %parallel_loop3A_302 {strides = array<i32>} : memref<8x2048xf32, #tpu.memory_space<vmem>>, vector<1x16xf32>,
      %parallel_loop3A_303 = arith.constant 7 : i32
      %parallel_loop3A_304 = arith.index_cast %parallel_loop3A_303 : i32 to index
      %parallel_loop3A_305 = arith.index_cast %parallel_loop3A_213 : i32 to index
      %parallel_loop3A_306 = tpu.vector_load %arg4[%parallel_loop3A_304, %parallel_loop3A_305] {strides = array<i32>} : memref<8x2048xf32, #tpu.memory_space<vmem>>, vector<1x16xf32>,
      %parallel_loop3A_307 = vector.shape_cast %parallel_loop3A_306 : vector<1x16xf32> to vector<16xf32>
      %parallel_loop3A_308 = arith.subf %parallel_loop3A_307, %parallel_loop3A_295 : vector<16xf32>
      %parallel_loop3A_309 = arith.constant 7 : i32
      %parallel_loop3A_310 = arith.index_cast %parallel_loop3A_309 : i32 to index
      %parallel_loop3A_311 = arith.index_cast %parallel_loop3A_213 : i32 to index
      %parallel_loop3A_312 = tpu.vector_load %arg8[%parallel_loop3A_310, %parallel_loop3A_311] {strides = array<i32>} : memref<8x2048xf32, #tpu.memory_space<vmem>>, vector<1x16xf32>,
      %parallel_loop3A_313 = vector.shape_cast %parallel_loop3A_312 : vector<1x16xf32> to vector<16xf32>
      %parallel_loop3A_314 = vector.shape_cast %parallel_loop3A_308 : vector<16xf32> to vector<1x16xf32>
      tpu.vector_store %arg8[%parallel_loop3A_310, %parallel_loop3A_311], %parallel_loop3A_314 {strides = array<i32>} : memref<8x2048xf32, #tpu.memory_space<vmem>>, vector<1x16xf32>,
      %parallel_loop3A_315 = arith.constant 7 : i32
      %parallel_loop3A_316 = arith.index_cast %parallel_loop3A_315 : i32 to index
      %parallel_loop3A_317 = arith.index_cast %parallel_loop3A_213 : i32 to index
      %parallel_loop3A_318 = tpu.vector_load %arg10[%parallel_loop3A_316, %parallel_loop3A_317] {strides = array<i32>} : memref<8x2048xf32, #tpu.memory_space<vmem>>, vector<1x16xf32>,
      %parallel_loop3A_319 = vector.shape_cast %parallel_loop3A_318 : vector<1x16xf32> to vector<16xf32>
      %parallel_loop3A_320 = vector.shape_cast %parallel_loop3A_307 : vector<16xf32> to vector<1x16xf32>
      tpu.vector_store %arg10[%parallel_loop3A_316, %parallel_loop3A_317], %parallel_loop3A_320 {strides = array<i32>} : memref<8x2048xf32, #tpu.memory_space<vmem>>, vector<1x16xf32>,
    } {sc.loop_unroll_factor = 1 : i64, sc.parallel_access}
    %add3A_107 = arith.constant 0 : i32
    %add3A_108 = arith.addi %add3A_35, %add3A_107 : i32
    %multiple_of3A_109 = tpu.assume_multiple %add3A_108, 8 : i32
    %dma_start3A_110 = arith.constant 0 : i32
    %dma_start3A_111 = tpu.memref_slice %arg3[%multiple_of3A_109, %dma_start3A_110] : memref<16384x2048xf32, #tpu.memory_space<hbm>> -> memref<8x2048xf32, #tpu.memory_space<hbm>>
    %dma_start3A_112 = arith.constant 0 : i32
    %dma_start3A_113 = tpu.memref_slice %arg3[%multiple_of3A_109, %dma_start3A_112] : memref<16384x2048xf32, #tpu.memory_space<hbm>> -> memref<8x2048xf32, #tpu.memory_space<hbm>>
    tpu.enqueue_dma source(%arg8 : memref<8x2048xf32, #tpu.memory_space<vmem>>) target(%dma_start3A_113 : memref<8x2048xf32, #tpu.memory_space<hbm>>) target_semaphore(%arg15 : memref<!tpu.dma_semaphore, #tpu.memory_space<semaphore_mem>>)
    %add3A_114 = arith.constant 32 : i32
    %add3A_115 = arith.addi %add3A_35, %add3A_114 : i32
    %multiple_of3A_116 = tpu.assume_multiple %add3A_115, 8 : i32
    %dma_start3A_117 = arith.constant 0 : i32
    %dma_start3A_118 = tpu.memref_slice %arg2[%multiple_of3A_116, %dma_start3A_117] : memref<16384x2048xf32, #tpu.memory_space<hbm>> -> memref<8x2048xf32, #tpu.memory_space<hbm>>
    %dma_start3A_119 = arith.constant 0 : i32
    %dma_start3A_120 = tpu.memref_slice %arg2[%multiple_of3A_116, %dma_start3A_119] : memref<16384x2048xf32, #tpu.memory_space<hbm>> -> memref<8x2048xf32, #tpu.memory_space<hbm>>
    tpu.enqueue_dma source(%dma_start3A_120 : memref<8x2048xf32, #tpu.memory_space<hbm>>) target(%arg4 : memref<8x2048xf32, #tpu.memory_space<vmem>>) target_semaphore(%arg11 : memref<!tpu.dma_semaphore, #tpu.memory_space<semaphore_mem>>)
    %dma_wait3A_121 = arith.constant 0 : i32
    %dma_wait3A_122 = arith.constant 0 : i32
    %dma_wait3A_123 = tpu.memref_slice %arg2[%dma_wait3A_121, %dma_wait3A_122] : memref<16384x2048xf32, #tpu.memory_space<hbm>> -> memref<8x2048xf32, #tpu.memory_space<hbm>>
    %dma_wait3A_124 = arith.constant 0 : i32
    %dma_wait3A_125 = arith.constant 0 : i32
    %dma_wait3A_126 = tpu.memref_slice %arg2[%dma_wait3A_124, %dma_wait3A_125] : memref<16384x2048xf32, #tpu.memory_space<hbm>> -> memref<8x2048xf32, #tpu.memory_space<hbm>>
    tpu.wait_dma2 semaphore(%arg12 : memref<!tpu.dma_semaphore, #tpu.memory_space<semaphore_mem>>) src(%dma_wait3A_126 : memref<8x2048xf32, #tpu.memory_space<hbm>>) dst(%arg5 : memref<8x2048xf32, #tpu.memory_space<vmem>>)
    %parallel_loop3A_127 = arith.constant 0 : i32
    %parallel_loop3A_128 = arith.constant 128 : i32
    %parallel_loop3A_129 = arith.constant 1 : i32
    scf.for %parallel_loop3A_211 = %parallel_loop3A_127 to %parallel_loop3A_128 step %parallel_loop3A_129  : i32 {
      %parallel_loop3A_212 = arith.constant 16 : i32
      %parallel_loop3A_213 = arith.muli %parallel_loop3A_211, %parallel_loop3A_212 : i32
      %parallel_loop3A_214 = arith.constant 7 : i32
      %parallel_loop3A_215 = arith.index_cast %parallel_loop3A_214 : i32 to index
      %parallel_loop3A_216 = arith.index_cast %parallel_loop3A_213 : i32 to index
      %parallel_loop3A_217 = tpu.vector_load %arg10[%parallel_loop3A_215, %parallel_loop3A_216] {strides = array<i32>} : memref<8x2048xf32, #tpu.memory_space<vmem>>, vector<1x16xf32>,
      %parallel_loop3A_218 = vector.shape_cast %parallel_loop3A_217 : vector<1x16xf32> to vector<16xf32>
      %parallel_loop3A_219 = arith.constant 0 : i32
      %parallel_loop3A_220 = arith.index_cast %parallel_loop3A_219 : i32 to index
      %parallel_loop3A_221 = arith.index_cast %parallel_loop3A_213 : i32 to index
      %parallel_loop3A_222 = tpu.vector_load %arg5[%parallel_loop3A_220, %parallel_loop3A_221] {strides = array<i32>} : memref<8x2048xf32, #tpu.memory_space<vmem>>, vector<1x16xf32>,
      %parallel_loop3A_223 = vector.shape_cast %parallel_loop3A_222 : vector<1x16xf32> to vector<16xf32>
      %parallel_loop3A_224 = arith.subf %parallel_loop3A_223, %parallel_loop3A_218 : vector<16xf32>
      %parallel_loop3A_225 = arith.constant 0 : i32
      %parallel_loop3A_226 = arith.index_cast %parallel_loop3A_225 : i32 to index
      %parallel_loop3A_227 = arith.index_cast %parallel_loop3A_213 : i32 to index
      %parallel_loop3A_228 = tpu.vector_load %arg9[%parallel_loop3A_226, %parallel_loop3A_227] {strides = array<i32>} : memref<8x2048xf32, #tpu.memory_space<vmem>>, vector<1x16xf32>,
      %parallel_loop3A_229 = vector.shape_cast %parallel_loop3A_228 : vector<1x16xf32> to vector<16xf32>
      %parallel_loop3A_230 = vector.shape_cast %parallel_loop3A_224 : vector<16xf32> to vector<1x16xf32>
      tpu.vector_store %arg9[%parallel_loop3A_226, %parallel_loop3A_227], %parallel_loop3A_230 {strides = array<i32>} : memref<8x2048xf32, #tpu.memory_space<vmem>>, vector<1x16xf32>,
      %parallel_loop3A_231 = arith.constant 1 : i32
      %parallel_loop3A_232 = arith.index_cast %parallel_loop3A_231 : i32 to index
      %parallel_loop3A_233 = arith.index_cast %parallel_loop3A_213 : i32 to index
      %parallel_loop3A_234 = tpu.vector_load %arg5[%parallel_loop3A_232, %parallel_loop3A_233] {strides = array<i32>} : memref<8x2048xf32, #tpu.memory_space<vmem>>, vector<1x16xf32>,
      %parallel_loop3A_235 = vector.shape_cast %parallel_loop3A_234 : vector<1x16xf32> to vector<16xf32>
      %parallel_loop3A_236 = arith.subf %parallel_loop3A_235, %parallel_loop3A_223 : vector<16xf32>
      %parallel_loop3A_237 = arith.constant 1 : i32
      %parallel_loop3A_238 = arith.index_cast %parallel_loop3A_237 : i32 to index
      %parallel_loop3A_239 = arith.index_cast %parallel_loop3A_213 : i32 to index
      %parallel_loop3A_240 = tpu.vector_load %arg9[%parallel_loop3A_238, %parallel_loop3A_239] {strides = array<i32>} : memref<8x2048xf32, #tpu.memory_space<vmem>>, vector<1x16xf32>,
      %parallel_loop3A_241 = vector.shape_cast %parallel_loop3A_240 : vector<1x16xf32> to vector<16xf32>
      %parallel_loop3A_242 = vector.shape_cast %parallel_loop3A_236 : vector<16xf32> to vector<1x16xf32>
      tpu.vector_store %arg9[%parallel_loop3A_238, %parallel_loop3A_239], %parallel_loop3A_242 {strides = array<i32>} : memref<8x2048xf32, #tpu.memory_space<vmem>>, vector<1x16xf32>,
      %parallel_loop3A_243 = arith.constant 2 : i32
      %parallel_loop3A_244 = arith.index_cast %parallel_loop3A_243 : i32 to index
      %parallel_loop3A_245 = arith.index_cast %parallel_loop3A_213 : i32 to index
      %parallel_loop3A_246 = tpu.vector_load %arg5[%parallel_loop3A_244, %parallel_loop3A_245] {strides = array<i32>} : memref<8x2048xf32, #tpu.memory_space<vmem>>, vector<1x16xf32>,
      %parallel_loop3A_247 = vector.shape_cast %parallel_loop3A_246 : vector<1x16xf32> to vector<16xf32>
      %parallel_loop3A_248 = arith.subf %parallel_loop3A_247, %parallel_loop3A_235 : vector<16xf32>
      %parallel_loop3A_249 = arith.constant 2 : i32
      %parallel_loop3A_250 = arith.index_cast %parallel_loop3A_249 : i32 to index
      %parallel_loop3A_251 = arith.index_cast %parallel_loop3A_213 : i32 to index
      %parallel_loop3A_252 = tpu.vector_load %arg9[%parallel_loop3A_250, %parallel_loop3A_251] {strides = array<i32>} : memref<8x2048xf32, #tpu.memory_space<vmem>>, vector<1x16xf32>,
      %parallel_loop3A_253 = vector.shape_cast %parallel_loop3A_252 : vector<1x16xf32> to vector<16xf32>
      %parallel_loop3A_254 = vector.shape_cast %parallel_loop3A_248 : vector<16xf32> to vector<1x16xf32>
      tpu.vector_store %arg9[%parallel_loop3A_250, %parallel_loop3A_251], %parallel_loop3A_254 {strides = array<i32>} : memref<8x2048xf32, #tpu.memory_space<vmem>>, vector<1x16xf32>,
      %parallel_loop3A_255 = arith.constant 3 : i32
      %parallel_loop3A_256 = arith.index_cast %parallel_loop3A_255 : i32 to index
      %parallel_loop3A_257 = arith.index_cast %parallel_loop3A_213 : i32 to index
      %parallel_loop3A_258 = tpu.vector_load %arg5[%parallel_loop3A_256, %parallel_loop3A_257] {strides = array<i32>} : memref<8x2048xf32, #tpu.memory_space<vmem>>, vector<1x16xf32>,
      %parallel_loop3A_259 = vector.shape_cast %parallel_loop3A_258 : vector<1x16xf32> to vector<16xf32>
      %parallel_loop3A_260 = arith.subf %parallel_loop3A_259, %parallel_loop3A_247 : vector<16xf32>
      %parallel_loop3A_261 = arith.constant 3 : i32
      %parallel_loop3A_262 = arith.index_cast %parallel_loop3A_261 : i32 to index
      %parallel_loop3A_263 = arith.index_cast %parallel_loop3A_213 : i32 to index
      %parallel_loop3A_264 = tpu.vector_load %arg9[%parallel_loop3A_262, %parallel_loop3A_263] {strides = array<i32>} : memref<8x2048xf32, #tpu.memory_space<vmem>>, vector<1x16xf32>,
      %parallel_loop3A_265 = vector.shape_cast %parallel_loop3A_264 : vector<1x16xf32> to vector<16xf32>
      %parallel_loop3A_266 = vector.shape_cast %parallel_loop3A_260 : vector<16xf32> to vector<1x16xf32>
      tpu.vector_store %arg9[%parallel_loop3A_262, %parallel_loop3A_263], %parallel_loop3A_266 {strides = array<i32>} : memref<8x2048xf32, #tpu.memory_space<vmem>>, vector<1x16xf32>,
      %parallel_loop3A_267 = arith.constant 4 : i32
      %parallel_loop3A_268 = arith.index_cast %parallel_loop3A_267 : i32 to index
      %parallel_loop3A_269 = arith.index_cast %parallel_loop3A_213 : i32 to index
      %parallel_loop3A_270 = tpu.vector_load %arg5[%parallel_loop3A_268, %parallel_loop3A_269] {strides = array<i32>} : memref<8x2048xf32, #tpu.memory_space<vmem>>, vector<1x16xf32>,
      %parallel_loop3A_271 = vector.shape_cast %parallel_loop3A_270 : vector<1x16xf32> to vector<16xf32>
      %parallel_loop3A_272 = arith.subf %parallel_loop3A_271, %parallel_loop3A_259 : vector<16xf32>
      %parallel_loop3A_273 = arith.constant 4 : i32
      %parallel_loop3A_274 = arith.index_cast %parallel_loop3A_273 : i32 to index
      %parallel_loop3A_275 = arith.index_cast %parallel_loop3A_213 : i32 to index
      %parallel_loop3A_276 = tpu.vector_load %arg9[%parallel_loop3A_274, %parallel_loop3A_275] {strides = array<i32>} : memref<8x2048xf32, #tpu.memory_space<vmem>>, vector<1x16xf32>,
      %parallel_loop3A_277 = vector.shape_cast %parallel_loop3A_276 : vector<1x16xf32> to vector<16xf32>
      %parallel_loop3A_278 = vector.shape_cast %parallel_loop3A_272 : vector<16xf32> to vector<1x16xf32>
      tpu.vector_store %arg9[%parallel_loop3A_274, %parallel_loop3A_275], %parallel_loop3A_278 {strides = array<i32>} : memref<8x2048xf32, #tpu.memory_space<vmem>>, vector<1x16xf32>,
      %parallel_loop3A_279 = arith.constant 5 : i32
      %parallel_loop3A_280 = arith.index_cast %parallel_loop3A_279 : i32 to index
      %parallel_loop3A_281 = arith.index_cast %parallel_loop3A_213 : i32 to index
      %parallel_loop3A_282 = tpu.vector_load %arg5[%parallel_loop3A_280, %parallel_loop3A_281] {strides = array<i32>} : memref<8x2048xf32, #tpu.memory_space<vmem>>, vector<1x16xf32>,
      %parallel_loop3A_283 = vector.shape_cast %parallel_loop3A_282 : vector<1x16xf32> to vector<16xf32>
      %parallel_loop3A_284 = arith.subf %parallel_loop3A_283, %parallel_loop3A_271 : vector<16xf32>
      %parallel_loop3A_285 = arith.constant 5 : i32
      %parallel_loop3A_286 = arith.index_cast %parallel_loop3A_285 : i32 to index
      %parallel_loop3A_287 = arith.index_cast %parallel_loop3A_213 : i32 to index
      %parallel_loop3A_288 = tpu.vector_load %arg9[%parallel_loop3A_286, %parallel_loop3A_287] {strides = array<i32>} : memref<8x2048xf32, #tpu.memory_space<vmem>>, vector<1x16xf32>,
      %parallel_loop3A_289 = vector.shape_cast %parallel_loop3A_288 : vector<1x16xf32> to vector<16xf32>
      %parallel_loop3A_290 = vector.shape_cast %parallel_loop3A_284 : vector<16xf32> to vector<1x16xf32>
      tpu.vector_store %arg9[%parallel_loop3A_286, %parallel_loop3A_287], %parallel_loop3A_290 {strides = array<i32>} : memref<8x2048xf32, #tpu.memory_space<vmem>>, vector<1x16xf32>,
      %parallel_loop3A_291 = arith.constant 6 : i32
      %parallel_loop3A_292 = arith.index_cast %parallel_loop3A_291 : i32 to index
      %parallel_loop3A_293 = arith.index_cast %parallel_loop3A_213 : i32 to index
      %parallel_loop3A_294 = tpu.vector_load %arg5[%parallel_loop3A_292, %parallel_loop3A_293] {strides = array<i32>} : memref<8x2048xf32, #tpu.memory_space<vmem>>, vector<1x16xf32>,
      %parallel_loop3A_295 = vector.shape_cast %parallel_loop3A_294 : vector<1x16xf32> to vector<16xf32>
      %parallel_loop3A_296 = arith.subf %parallel_loop3A_295, %parallel_loop3A_283 : vector<16xf32>
      %parallel_loop3A_297 = arith.constant 6 : i32
      %parallel_loop3A_298 = arith.index_cast %parallel_loop3A_297 : i32 to index
      %parallel_loop3A_299 = arith.index_cast %parallel_loop3A_213 : i32 to index
      %parallel_loop3A_300 = tpu.vector_load %arg9[%parallel_loop3A_298, %parallel_loop3A_299] {strides = array<i32>} : memref<8x2048xf32, #tpu.memory_space<vmem>>, vector<1x16xf32>,
      %parallel_loop3A_301 = vector.shape_cast %parallel_loop3A_300 : vector<1x16xf32> to vector<16xf32>
      %parallel_loop3A_302 = vector.shape_cast %parallel_loop3A_296 : vector<16xf32> to vector<1x16xf32>
      tpu.vector_store %arg9[%parallel_loop3A_298, %parallel_loop3A_299], %parallel_loop3A_302 {strides = array<i32>} : memref<8x2048xf32, #tpu.memory_space<vmem>>, vector<1x16xf32>,
      %parallel_loop3A_303 = arith.constant 7 : i32
      %parallel_loop3A_304 = arith.index_cast %parallel_loop3A_303 : i32 to index
      %parallel_loop3A_305 = arith.index_cast %parallel_loop3A_213 : i32 to index
      %parallel_loop3A_306 = tpu.vector_load %arg5[%parallel_loop3A_304, %parallel_loop3A_305] {strides = array<i32>} : memref<8x2048xf32, #tpu.memory_space<vmem>>, vector<1x16xf32>,
      %parallel_loop3A_307 = vector.shape_cast %parallel_loop3A_306 : vector<1x16xf32> to vector<16xf32>
      %parallel_loop3A_308 = arith.subf %parallel_loop3A_307, %parallel_loop3A_295 : vector<16xf32>
      %parallel_loop3A_309 = arith.constant 7 : i32
      %parallel_loop3A_310 = arith.index_cast %parallel_loop3A_309 : i32 to index
      %parallel_loop3A_311 = arith.index_cast %parallel_loop3A_213 : i32 to index
      %parallel_loop3A_312 = tpu.vector_load %arg9[%parallel_loop3A_310, %parallel_loop3A_311] {strides = array<i32>} : memref<8x2048xf32, #tpu.memory_space<vmem>>, vector<1x16xf32>,
      %parallel_loop3A_313 = vector.shape_cast %parallel_loop3A_312 : vector<1x16xf32> to vector<16xf32>
      %parallel_loop3A_314 = vector.shape_cast %parallel_loop3A_308 : vector<16xf32> to vector<1x16xf32>
      tpu.vector_store %arg9[%parallel_loop3A_310, %parallel_loop3A_311], %parallel_loop3A_314 {strides = array<i32>} : memref<8x2048xf32, #tpu.memory_space<vmem>>, vector<1x16xf32>,
      %parallel_loop3A_315 = arith.constant 7 : i32
      %parallel_loop3A_316 = arith.index_cast %parallel_loop3A_315 : i32 to index
      %parallel_loop3A_317 = arith.index_cast %parallel_loop3A_213 : i32 to index
      %parallel_loop3A_318 = tpu.vector_load %arg10[%parallel_loop3A_316, %parallel_loop3A_317] {strides = array<i32>} : memref<8x2048xf32, #tpu.memory_space<vmem>>, vector<1x16xf32>,
      %parallel_loop3A_319 = vector.shape_cast %parallel_loop3A_318 : vector<1x16xf32> to vector<16xf32>
      %parallel_loop3A_320 = vector.shape_cast %parallel_loop3A_307 : vector<16xf32> to vector<1x16xf32>
      tpu.vector_store %arg10[%parallel_loop3A_316, %parallel_loop3A_317], %parallel_loop3A_320 {strides = array<i32>} : memref<8x2048xf32, #tpu.memory_space<vmem>>, vector<1x16xf32>,
    } {sc.loop_unroll_factor = 1 : i64, sc.parallel_access}
    %add3A_130 = arith.constant 8 : i32
    %add3A_131 = arith.addi %add3A_35, %add3A_130 : i32
    %multiple_of3A_132 = tpu.assume_multiple %add3A_131, 8 : i32
    %dma_start3A_133 = arith.constant 0 : i32
    %dma_start3A_134 = tpu.memref_slice %arg3[%multiple_of3A_132, %dma_start3A_133] : memref<16384x2048xf32, #tpu.memory_space<hbm>> -> memref<8x2048xf32, #tpu.memory_space<hbm>>
    %dma_start3A_135 = arith.constant 0 : i32
    %dma_start3A_136 = tpu.memref_slice %arg3[%multiple_of3A_132, %dma_start3A_135] : memref<16384x2048xf32, #tpu.memory_space<hbm>> -> memref<8x2048xf32, #tpu.memory_space<hbm>>
    tpu.enqueue_dma source(%arg9 : memref<8x2048xf32, #tpu.memory_space<vmem>>) target(%dma_start3A_136 : memref<8x2048xf32, #tpu.memory_space<hbm>>) target_semaphore(%arg16 : memref<!tpu.dma_semaphore, #tpu.memory_space<semaphore_mem>>)
    %add3A_137 = arith.constant 40 : i32
    %add3A_138 = arith.addi %add3A_35, %add3A_137 : i32
    %multiple_of3A_139 = tpu.assume_multiple %add3A_138, 8 : i32
    %dma_start3A_140 = arith.constant 0 : i32
    %dma_start3A_141 = tpu.memref_slice %arg2[%multiple_of3A_139, %dma_start3A_140] : memref<16384x2048xf32, #tpu.memory_space<hbm>> -> memref<8x2048xf32, #tpu.memory_space<hbm>>
    %dma_start3A_142 = arith.constant 0 : i32
    %dma_start3A_143 = tpu.memref_slice %arg2[%multiple_of3A_139, %dma_start3A_142] : memref<16384x2048xf32, #tpu.memory_space<hbm>> -> memref<8x2048xf32, #tpu.memory_space<hbm>>
    tpu.enqueue_dma source(%dma_start3A_143 : memref<8x2048xf32, #tpu.memory_space<hbm>>) target(%arg5 : memref<8x2048xf32, #tpu.memory_space<vmem>>) target_semaphore(%arg12 : memref<!tpu.dma_semaphore, #tpu.memory_space<semaphore_mem>>)
    %dma_wait3A_144 = arith.constant 0 : i32
    %dma_wait3A_145 = arith.constant 0 : i32
    %dma_wait3A_146 = tpu.memref_slice %arg2[%dma_wait3A_144, %dma_wait3A_145] : memref<16384x2048xf32, #tpu.memory_space<hbm>> -> memref<8x2048xf32, #tpu.memory_space<hbm>>
    %dma_wait3A_147 = arith.constant 0 : i32
    %dma_wait3A_148 = arith.constant 0 : i32
    %dma_wait3A_149 = tpu.memref_slice %arg2[%dma_wait3A_147, %dma_wait3A_148] : memref<16384x2048xf32, #tpu.memory_space<hbm>> -> memref<8x2048xf32, #tpu.memory_space<hbm>>
    tpu.wait_dma2 semaphore(%arg13 : memref<!tpu.dma_semaphore, #tpu.memory_space<semaphore_mem>>) src(%dma_wait3A_149 : memref<8x2048xf32, #tpu.memory_space<hbm>>) dst(%arg6 : memref<8x2048xf32, #tpu.memory_space<vmem>>)
    %dma_wait3A_150 = arith.constant 0 : i32
    %dma_wait3A_151 = tpu.memref_slice %arg3[%add3A_35, %dma_wait3A_150] : memref<16384x2048xf32, #tpu.memory_space<hbm>> -> memref<8x2048xf32, #tpu.memory_space<hbm>>
    %dma_wait3A_152 = arith.constant 0 : i32
    %dma_wait3A_153 = tpu.memref_slice %arg3[%add3A_35, %dma_wait3A_152] : memref<16384x2048xf32, #tpu.memory_space<hbm>> -> memref<8x2048xf32, #tpu.memory_space<hbm>>
    tpu.wait_dma2 semaphore(%arg15 : memref<!tpu.dma_semaphore, #tpu.memory_space<semaphore_mem>>) src(%arg8 : memref<8x2048xf32, #tpu.memory_space<vmem>>) dst(%dma_wait3A_153 : memref<8x2048xf32, #tpu.memory_space<hbm>>)
    %parallel_loop3A_154 = arith.constant 0 : i32
    %parallel_loop3A_155 = arith.constant 128 : i32
    %parallel_loop3A_156 = arith.constant 1 : i32
    scf.for %parallel_loop3A_211 = %parallel_loop3A_154 to %parallel_loop3A_155 step %parallel_loop3A_156  : i32 {
      %parallel_loop3A_212 = arith.constant 16 : i32
      %parallel_loop3A_213 = arith.muli %parallel_loop3A_211, %parallel_loop3A_212 : i32
      %parallel_loop3A_214 = arith.constant 7 : i32
      %parallel_loop3A_215 = arith.index_cast %parallel_loop3A_214 : i32 to index
      %parallel_loop3A_216 = arith.index_cast %parallel_loop3A_213 : i32 to index
      %parallel_loop3A_217 = tpu.vector_load %arg10[%parallel_loop3A_215, %parallel_loop3A_216] {strides = array<i32>} : memref<8x2048xf32, #tpu.memory_space<vmem>>, vector<1x16xf32>,
      %parallel_loop3A_218 = vector.shape_cast %parallel_loop3A_217 : vector<1x16xf32> to vector<16xf32>
      %parallel_loop3A_219 = arith.constant 0 : i32
      %parallel_loop3A_220 = arith.index_cast %parallel_loop3A_219 : i32 to index
      %parallel_loop3A_221 = arith.index_cast %parallel_loop3A_213 : i32 to index
      %parallel_loop3A_222 = tpu.vector_load %arg6[%parallel_loop3A_220, %parallel_loop3A_221] {strides = array<i32>} : memref<8x2048xf32, #tpu.memory_space<vmem>>, vector<1x16xf32>,
      %parallel_loop3A_223 = vector.shape_cast %parallel_loop3A_222 : vector<1x16xf32> to vector<16xf32>
      %parallel_loop3A_224 = arith.subf %parallel_loop3A_223, %parallel_loop3A_218 : vector<16xf32>
      %parallel_loop3A_225 = arith.constant 0 : i32
      %parallel_loop3A_226 = arith.index_cast %parallel_loop3A_225 : i32 to index
      %parallel_loop3A_227 = arith.index_cast %parallel_loop3A_213 : i32 to index
      %parallel_loop3A_228 = tpu.vector_load %arg8[%parallel_loop3A_226, %parallel_loop3A_227] {strides = array<i32>} : memref<8x2048xf32, #tpu.memory_space<vmem>>, vector<1x16xf32>,
      %parallel_loop3A_229 = vector.shape_cast %parallel_loop3A_228 : vector<1x16xf32> to vector<16xf32>
      %parallel_loop3A_230 = vector.shape_cast %parallel_loop3A_224 : vector<16xf32> to vector<1x16xf32>
      tpu.vector_store %arg8[%parallel_loop3A_226, %parallel_loop3A_227], %parallel_loop3A_230 {strides = array<i32>} : memref<8x2048xf32, #tpu.memory_space<vmem>>, vector<1x16xf32>,
      %parallel_loop3A_231 = arith.constant 1 : i32
      %parallel_loop3A_232 = arith.index_cast %parallel_loop3A_231 : i32 to index
      %parallel_loop3A_233 = arith.index_cast %parallel_loop3A_213 : i32 to index
      %parallel_loop3A_234 = tpu.vector_load %arg6[%parallel_loop3A_232, %parallel_loop3A_233] {strides = array<i32>} : memref<8x2048xf32, #tpu.memory_space<vmem>>, vector<1x16xf32>,
      %parallel_loop3A_235 = vector.shape_cast %parallel_loop3A_234 : vector<1x16xf32> to vector<16xf32>
      %parallel_loop3A_236 = arith.subf %parallel_loop3A_235, %parallel_loop3A_223 : vector<16xf32>
      %parallel_loop3A_237 = arith.constant 1 : i32
      %parallel_loop3A_238 = arith.index_cast %parallel_loop3A_237 : i32 to index
      %parallel_loop3A_239 = arith.index_cast %parallel_loop3A_213 : i32 to index
      %parallel_loop3A_240 = tpu.vector_load %arg8[%parallel_loop3A_238, %parallel_loop3A_239] {strides = array<i32>} : memref<8x2048xf32, #tpu.memory_space<vmem>>, vector<1x16xf32>,
      %parallel_loop3A_241 = vector.shape_cast %parallel_loop3A_240 : vector<1x16xf32> to vector<16xf32>
      %parallel_loop3A_242 = vector.shape_cast %parallel_loop3A_236 : vector<16xf32> to vector<1x16xf32>
      tpu.vector_store %arg8[%parallel_loop3A_238, %parallel_loop3A_239], %parallel_loop3A_242 {strides = array<i32>} : memref<8x2048xf32, #tpu.memory_space<vmem>>, vector<1x16xf32>,
      %parallel_loop3A_243 = arith.constant 2 : i32
      %parallel_loop3A_244 = arith.index_cast %parallel_loop3A_243 : i32 to index
      %parallel_loop3A_245 = arith.index_cast %parallel_loop3A_213 : i32 to index
      %parallel_loop3A_246 = tpu.vector_load %arg6[%parallel_loop3A_244, %parallel_loop3A_245] {strides = array<i32>} : memref<8x2048xf32, #tpu.memory_space<vmem>>, vector<1x16xf32>,
      %parallel_loop3A_247 = vector.shape_cast %parallel_loop3A_246 : vector<1x16xf32> to vector<16xf32>
      %parallel_loop3A_248 = arith.subf %parallel_loop3A_247, %parallel_loop3A_235 : vector<16xf32>
      %parallel_loop3A_249 = arith.constant 2 : i32
      %parallel_loop3A_250 = arith.index_cast %parallel_loop3A_249 : i32 to index
      %parallel_loop3A_251 = arith.index_cast %parallel_loop3A_213 : i32 to index
      %parallel_loop3A_252 = tpu.vector_load %arg8[%parallel_loop3A_250, %parallel_loop3A_251] {strides = array<i32>} : memref<8x2048xf32, #tpu.memory_space<vmem>>, vector<1x16xf32>,
      %parallel_loop3A_253 = vector.shape_cast %parallel_loop3A_252 : vector<1x16xf32> to vector<16xf32>
      %parallel_loop3A_254 = vector.shape_cast %parallel_loop3A_248 : vector<16xf32> to vector<1x16xf32>
      tpu.vector_store %arg8[%parallel_loop3A_250, %parallel_loop3A_251], %parallel_loop3A_254 {strides = array<i32>} : memref<8x2048xf32, #tpu.memory_space<vmem>>, vector<1x16xf32>,
      %parallel_loop3A_255 = arith.constant 3 : i32
      %parallel_loop3A_256 = arith.index_cast %parallel_loop3A_255 : i32 to index
      %parallel_loop3A_257 = arith.index_cast %parallel_loop3A_213 : i32 to index
      %parallel_loop3A_258 = tpu.vector_load %arg6[%parallel_loop3A_256, %parallel_loop3A_257] {strides = array<i32>} : memref<8x2048xf32, #tpu.memory_space<vmem>>, vector<1x16xf32>,
      %parallel_loop3A_259 = vector.shape_cast %parallel_loop3A_258 : vector<1x16xf32> to vector<16xf32>
      %parallel_loop3A_260 = arith.subf %parallel_loop3A_259, %parallel_loop3A_247 : vector<16xf32>
      %parallel_loop3A_261 = arith.constant 3 : i32
      %parallel_loop3A_262 = arith.index_cast %parallel_loop3A_261 : i32 to index
      %parallel_loop3A_263 = arith.index_cast %parallel_loop3A_213 : i32 to index
      %parallel_loop3A_264 = tpu.vector_load %arg8[%parallel_loop3A_262, %parallel_loop3A_263] {strides = array<i32>} : memref<8x2048xf32, #tpu.memory_space<vmem>>, vector<1x16xf32>,
      %parallel_loop3A_265 = vector.shape_cast %parallel_loop3A_264 : vector<1x16xf32> to vector<16xf32>
      %parallel_loop3A_266 = vector.shape_cast %parallel_loop3A_260 : vector<16xf32> to vector<1x16xf32>
      tpu.vector_store %arg8[%parallel_loop3A_262, %parallel_loop3A_263], %parallel_loop3A_266 {strides = array<i32>} : memref<8x2048xf32, #tpu.memory_space<vmem>>, vector<1x16xf32>,
      %parallel_loop3A_267 = arith.constant 4 : i32
      %parallel_loop3A_268 = arith.index_cast %parallel_loop3A_267 : i32 to index
      %parallel_loop3A_269 = arith.index_cast %parallel_loop3A_213 : i32 to index
      %parallel_loop3A_270 = tpu.vector_load %arg6[%parallel_loop3A_268, %parallel_loop3A_269] {strides = array<i32>} : memref<8x2048xf32, #tpu.memory_space<vmem>>, vector<1x16xf32>,
      %parallel_loop3A_271 = vector.shape_cast %parallel_loop3A_270 : vector<1x16xf32> to vector<16xf32>
      %parallel_loop3A_272 = arith.subf %parallel_loop3A_271, %parallel_loop3A_259 : vector<16xf32>
      %parallel_loop3A_273 = arith.constant 4 : i32
      %parallel_loop3A_274 = arith.index_cast %parallel_loop3A_273 : i32 to index
      %parallel_loop3A_275 = arith.index_cast %parallel_loop3A_213 : i32 to index
      %parallel_loop3A_276 = tpu.vector_load %arg8[%parallel_loop3A_274, %parallel_loop3A_275] {strides = array<i32>} : memref<8x2048xf32, #tpu.memory_space<vmem>>, vector<1x16xf32>,
      %parallel_loop3A_277 = vector.shape_cast %parallel_loop3A_276 : vector<1x16xf32> to vector<16xf32>
      %parallel_loop3A_278 = vector.shape_cast %parallel_loop3A_272 : vector<16xf32> to vector<1x16xf32>
      tpu.vector_store %arg8[%parallel_loop3A_274, %parallel_loop3A_275], %parallel_loop3A_278 {strides = array<i32>} : memref<8x2048xf32, #tpu.memory_space<vmem>>, vector<1x16xf32>,
      %parallel_loop3A_279 = arith.constant 5 : i32
      %parallel_loop3A_280 = arith.index_cast %parallel_loop3A_279 : i32 to index
      %parallel_loop3A_281 = arith.index_cast %parallel_loop3A_213 : i32 to index
      %parallel_loop3A_282 = tpu.vector_load %arg6[%parallel_loop3A_280, %parallel_loop3A_281] {strides = array<i32>} : memref<8x2048xf32, #tpu.memory_space<vmem>>, vector<1x16xf32>,
      %parallel_loop3A_283 = vector.shape_cast %parallel_loop3A_282 : vector<1x16xf32> to vector<16xf32>
      %parallel_loop3A_284 = arith.subf %parallel_loop3A_283, %parallel_loop3A_271 : vector<16xf32>
      %parallel_loop3A_285 = arith.constant 5 : i32
      %parallel_loop3A_286 = arith.index_cast %parallel_loop3A_285 : i32 to index
      %parallel_loop3A_287 = arith.index_cast %parallel_loop3A_213 : i32 to index
      %parallel_loop3A_288 = tpu.vector_load %arg8[%parallel_loop3A_286, %parallel_loop3A_287] {strides = array<i32>} : memref<8x2048xf32, #tpu.memory_space<vmem>>, vector<1x16xf32>,
      %parallel_loop3A_289 = vector.shape_cast %parallel_loop3A_288 : vector<1x16xf32> to vector<16xf32>
      %parallel_loop3A_290 = vector.shape_cast %parallel_loop3A_284 : vector<16xf32> to vector<1x16xf32>
      tpu.vector_store %arg8[%parallel_loop3A_286, %parallel_loop3A_287], %parallel_loop3A_290 {strides = array<i32>} : memref<8x2048xf32, #tpu.memory_space<vmem>>, vector<1x16xf32>,
      %parallel_loop3A_291 = arith.constant 6 : i32
      %parallel_loop3A_292 = arith.index_cast %parallel_loop3A_291 : i32 to index
      %parallel_loop3A_293 = arith.index_cast %parallel_loop3A_213 : i32 to index
      %parallel_loop3A_294 = tpu.vector_load %arg6[%parallel_loop3A_292, %parallel_loop3A_293] {strides = array<i32>} : memref<8x2048xf32, #tpu.memory_space<vmem>>, vector<1x16xf32>,
      %parallel_loop3A_295 = vector.shape_cast %parallel_loop3A_294 : vector<1x16xf32> to vector<16xf32>
      %parallel_loop3A_296 = arith.subf %parallel_loop3A_295, %parallel_loop3A_283 : vector<16xf32>
      %parallel_loop3A_297 = arith.constant 6 : i32
      %parallel_loop3A_298 = arith.index_cast %parallel_loop3A_297 : i32 to index
      %parallel_loop3A_299 = arith.index_cast %parallel_loop3A_213 : i32 to index
      %parallel_loop3A_300 = tpu.vector_load %arg8[%parallel_loop3A_298, %parallel_loop3A_299] {strides = array<i32>} : memref<8x2048xf32, #tpu.memory_space<vmem>>, vector<1x16xf32>,
      %parallel_loop3A_301 = vector.shape_cast %parallel_loop3A_300 : vector<1x16xf32> to vector<16xf32>
      %parallel_loop3A_302 = vector.shape_cast %parallel_loop3A_296 : vector<16xf32> to vector<1x16xf32>
      tpu.vector_store %arg8[%parallel_loop3A_298, %parallel_loop3A_299], %parallel_loop3A_302 {strides = array<i32>} : memref<8x2048xf32, #tpu.memory_space<vmem>>, vector<1x16xf32>,
      %parallel_loop3A_303 = arith.constant 7 : i32
      %parallel_loop3A_304 = arith.index_cast %parallel_loop3A_303 : i32 to index
      %parallel_loop3A_305 = arith.index_cast %parallel_loop3A_213 : i32 to index
      %parallel_loop3A_306 = tpu.vector_load %arg6[%parallel_loop3A_304, %parallel_loop3A_305] {strides = array<i32>} : memref<8x2048xf32, #tpu.memory_space<vmem>>, vector<1x16xf32>,
      %parallel_loop3A_307 = vector.shape_cast %parallel_loop3A_306 : vector<1x16xf32> to vector<16xf32>
      %parallel_loop3A_308 = arith.subf %parallel_loop3A_307, %parallel_loop3A_295 : vector<16xf32>
      %parallel_loop3A_309 = arith.constant 7 : i32
      %parallel_loop3A_310 = arith.index_cast %parallel_loop3A_309 : i32 to index
      %parallel_loop3A_311 = arith.index_cast %parallel_loop3A_213 : i32 to index
      %parallel_loop3A_312 = tpu.vector_load %arg8[%parallel_loop3A_310, %parallel_loop3A_311] {strides = array<i32>} : memref<8x2048xf32, #tpu.memory_space<vmem>>, vector<1x16xf32>,
      %parallel_loop3A_313 = vector.shape_cast %parallel_loop3A_312 : vector<1x16xf32> to vector<16xf32>
      %parallel_loop3A_314 = vector.shape_cast %parallel_loop3A_308 : vector<16xf32> to vector<1x16xf32>
      tpu.vector_store %arg8[%parallel_loop3A_310, %parallel_loop3A_311], %parallel_loop3A_314 {strides = array<i32>} : memref<8x2048xf32, #tpu.memory_space<vmem>>, vector<1x16xf32>,
      %parallel_loop3A_315 = arith.constant 7 : i32
      %parallel_loop3A_316 = arith.index_cast %parallel_loop3A_315 : i32 to index
      %parallel_loop3A_317 = arith.index_cast %parallel_loop3A_213 : i32 to index
      %parallel_loop3A_318 = tpu.vector_load %arg10[%parallel_loop3A_316, %parallel_loop3A_317] {strides = array<i32>} : memref<8x2048xf32, #tpu.memory_space<vmem>>, vector<1x16xf32>,
      %parallel_loop3A_319 = vector.shape_cast %parallel_loop3A_318 : vector<1x16xf32> to vector<16xf32>
      %parallel_loop3A_320 = vector.shape_cast %parallel_loop3A_307 : vector<16xf32> to vector<1x16xf32>
      tpu.vector_store %arg10[%parallel_loop3A_316, %parallel_loop3A_317], %parallel_loop3A_320 {strides = array<i32>} : memref<8x2048xf32, #tpu.memory_space<vmem>>, vector<1x16xf32>,
    } {sc.loop_unroll_factor = 1 : i64, sc.parallel_access}
    %add3A_157 = arith.constant 16 : i32
    %add3A_158 = arith.addi %add3A_35, %add3A_157 : i32
    %multiple_of3A_159 = tpu.assume_multiple %add3A_158, 8 : i32
    %dma_start3A_160 = arith.constant 0 : i32
    %dma_start3A_161 = tpu.memref_slice %arg3[%multiple_of3A_159, %dma_start3A_160] : memref<16384x2048xf32, #tpu.memory_space<hbm>> -> memref<8x2048xf32, #tpu.memory_space<hbm>>
    %dma_start3A_162 = arith.constant 0 : i32
    %dma_start3A_163 = tpu.memref_slice %arg3[%multiple_of3A_159, %dma_start3A_162] : memref<16384x2048xf32, #tpu.memory_space<hbm>> -> memref<8x2048xf32, #tpu.memory_space<hbm>>
    tpu.enqueue_dma source(%arg8 : memref<8x2048xf32, #tpu.memory_space<vmem>>) target(%dma_start3A_163 : memref<8x2048xf32, #tpu.memory_space<hbm>>) target_semaphore(%arg15 : memref<!tpu.dma_semaphore, #tpu.memory_space<semaphore_mem>>)
    %add3A_164 = arith.constant 48 : i32
    %add3A_165 = arith.addi %add3A_35, %add3A_164 : i32
    %multiple_of3A_166 = tpu.assume_multiple %add3A_165, 8 : i32
    %dma_start3A_167 = arith.constant 0 : i32
    %dma_start3A_168 = tpu.memref_slice %arg2[%multiple_of3A_166, %dma_start3A_167] : memref<16384x2048xf32, #tpu.memory_space<hbm>> -> memref<8x2048xf32, #tpu.memory_space<hbm>>
    %dma_start3A_169 = arith.constant 0 : i32
    %dma_start3A_170 = tpu.memref_slice %arg2[%multiple_of3A_166, %dma_start3A_169] : memref<16384x2048xf32, #tpu.memory_space<hbm>> -> memref<8x2048xf32, #tpu.memory_space<hbm>>
    tpu.enqueue_dma source(%dma_start3A_170 : memref<8x2048xf32, #tpu.memory_space<hbm>>) target(%arg6 : memref<8x2048xf32, #tpu.memory_space<vmem>>) target_semaphore(%arg13 : memref<!tpu.dma_semaphore, #tpu.memory_space<semaphore_mem>>)
    %dma_wait3A_171 = arith.constant 0 : i32
    %dma_wait3A_172 = arith.constant 0 : i32
    %dma_wait3A_173 = tpu.memref_slice %arg2[%dma_wait3A_171, %dma_wait3A_172] : memref<16384x2048xf32, #tpu.memory_space<hbm>> -> memref<8x2048xf32, #tpu.memory_space<hbm>>
    %dma_wait3A_174 = arith.constant 0 : i32
    %dma_wait3A_175 = arith.constant 0 : i32
    %dma_wait3A_176 = tpu.memref_slice %arg2[%dma_wait3A_174, %dma_wait3A_175] : memref<16384x2048xf32, #tpu.memory_space<hbm>> -> memref<8x2048xf32, #tpu.memory_space<hbm>>
    tpu.wait_dma2 semaphore(%arg14 : memref<!tpu.dma_semaphore, #tpu.memory_space<semaphore_mem>>) src(%dma_wait3A_176 : memref<8x2048xf32, #tpu.memory_space<hbm>>) dst(%arg7 : memref<8x2048xf32, #tpu.memory_space<vmem>>)
    %dma_wait3A_177 = arith.constant 0 : i32
    %dma_wait3A_178 = tpu.memref_slice %arg3[%add3A_35, %dma_wait3A_177] : memref<16384x2048xf32, #tpu.memory_space<hbm>> -> memref<8x2048xf32, #tpu.memory_space<hbm>>
    %dma_wait3A_179 = arith.constant 0 : i32
    %dma_wait3A_180 = tpu.memref_slice %arg3[%add3A_35, %dma_wait3A_179] : memref<16384x2048xf32, #tpu.memory_space<hbm>> -> memref<8x2048xf32, #tpu.memory_space<hbm>>
    tpu.wait_dma2 semaphore(%arg16 : memref<!tpu.dma_semaphore, #tpu.memory_space<semaphore_mem>>) src(%arg9 : memref<8x2048xf32, #tpu.memory_space<vmem>>) dst(%dma_wait3A_180 : memref<8x2048xf32, #tpu.memory_space<hbm>>)
    %parallel_loop3A_181 = arith.constant 0 : i32
    %parallel_loop3A_182 = arith.constant 128 : i32
    %parallel_loop3A_183 = arith.constant 1 : i32
    scf.for %parallel_loop3A_211 = %parallel_loop3A_181 to %parallel_loop3A_182 step %parallel_loop3A_183  : i32 {
      %parallel_loop3A_212 = arith.constant 16 : i32
      %parallel_loop3A_213 = arith.muli %parallel_loop3A_211, %parallel_loop3A_212 : i32
      %parallel_loop3A_214 = arith.constant 7 : i32
      %parallel_loop3A_215 = arith.index_cast %parallel_loop3A_214 : i32 to index
      %parallel_loop3A_216 = arith.index_cast %parallel_loop3A_213 : i32 to index
      %parallel_loop3A_217 = tpu.vector_load %arg10[%parallel_loop3A_215, %parallel_loop3A_216] {strides = array<i32>} : memref<8x2048xf32, #tpu.memory_space<vmem>>, vector<1x16xf32>,
      %parallel_loop3A_218 = vector.shape_cast %parallel_loop3A_217 : vector<1x16xf32> to vector<16xf32>
      %parallel_loop3A_219 = arith.constant 0 : i32
      %parallel_loop3A_220 = arith.index_cast %parallel_loop3A_219 : i32 to index
      %parallel_loop3A_221 = arith.index_cast %parallel_loop3A_213 : i32 to index
      %parallel_loop3A_222 = tpu.vector_load %arg7[%parallel_loop3A_220, %parallel_loop3A_221] {strides = array<i32>} : memref<8x2048xf32, #tpu.memory_space<vmem>>, vector<1x16xf32>,
      %parallel_loop3A_223 = vector.shape_cast %parallel_loop3A_222 : vector<1x16xf32> to vector<16xf32>
      %parallel_loop3A_224 = arith.subf %parallel_loop3A_223, %parallel_loop3A_218 : vector<16xf32>
      %parallel_loop3A_225 = arith.constant 0 : i32
      %parallel_loop3A_226 = arith.index_cast %parallel_loop3A_225 : i32 to index
      %parallel_loop3A_227 = arith.index_cast %parallel_loop3A_213 : i32 to index
      %parallel_loop3A_228 = tpu.vector_load %arg9[%parallel_loop3A_226, %parallel_loop3A_227] {strides = array<i32>} : memref<8x2048xf32, #tpu.memory_space<vmem>>, vector<1x16xf32>,
      %parallel_loop3A_229 = vector.shape_cast %parallel_loop3A_228 : vector<1x16xf32> to vector<16xf32>
      %parallel_loop3A_230 = vector.shape_cast %parallel_loop3A_224 : vector<16xf32> to vector<1x16xf32>
      tpu.vector_store %arg9[%parallel_loop3A_226, %parallel_loop3A_227], %parallel_loop3A_230 {strides = array<i32>} : memref<8x2048xf32, #tpu.memory_space<vmem>>, vector<1x16xf32>,
      %parallel_loop3A_231 = arith.constant 1 : i32
      %parallel_loop3A_232 = arith.index_cast %parallel_loop3A_231 : i32 to index
      %parallel_loop3A_233 = arith.index_cast %parallel_loop3A_213 : i32 to index
      %parallel_loop3A_234 = tpu.vector_load %arg7[%parallel_loop3A_232, %parallel_loop3A_233] {strides = array<i32>} : memref<8x2048xf32, #tpu.memory_space<vmem>>, vector<1x16xf32>,
      %parallel_loop3A_235 = vector.shape_cast %parallel_loop3A_234 : vector<1x16xf32> to vector<16xf32>
      %parallel_loop3A_236 = arith.subf %parallel_loop3A_235, %parallel_loop3A_223 : vector<16xf32>
      %parallel_loop3A_237 = arith.constant 1 : i32
      %parallel_loop3A_238 = arith.index_cast %parallel_loop3A_237 : i32 to index
      %parallel_loop3A_239 = arith.index_cast %parallel_loop3A_213 : i32 to index
      %parallel_loop3A_240 = tpu.vector_load %arg9[%parallel_loop3A_238, %parallel_loop3A_239] {strides = array<i32>} : memref<8x2048xf32, #tpu.memory_space<vmem>>, vector<1x16xf32>,
      %parallel_loop3A_241 = vector.shape_cast %parallel_loop3A_240 : vector<1x16xf32> to vector<16xf32>
      %parallel_loop3A_242 = vector.shape_cast %parallel_loop3A_236 : vector<16xf32> to vector<1x16xf32>
      tpu.vector_store %arg9[%parallel_loop3A_238, %parallel_loop3A_239], %parallel_loop3A_242 {strides = array<i32>} : memref<8x2048xf32, #tpu.memory_space<vmem>>, vector<1x16xf32>,
      %parallel_loop3A_243 = arith.constant 2 : i32
      %parallel_loop3A_244 = arith.index_cast %parallel_loop3A_243 : i32 to index
      %parallel_loop3A_245 = arith.index_cast %parallel_loop3A_213 : i32 to index
      %parallel_loop3A_246 = tpu.vector_load %arg7[%parallel_loop3A_244, %parallel_loop3A_245] {strides = array<i32>} : memref<8x2048xf32, #tpu.memory_space<vmem>>, vector<1x16xf32>,
      %parallel_loop3A_247 = vector.shape_cast %parallel_loop3A_246 : vector<1x16xf32> to vector<16xf32>
      %parallel_loop3A_248 = arith.subf %parallel_loop3A_247, %parallel_loop3A_235 : vector<16xf32>
      %parallel_loop3A_249 = arith.constant 2 : i32
      %parallel_loop3A_250 = arith.index_cast %parallel_loop3A_249 : i32 to index
      %parallel_loop3A_251 = arith.index_cast %parallel_loop3A_213 : i32 to index
      %parallel_loop3A_252 = tpu.vector_load %arg9[%parallel_loop3A_250, %parallel_loop3A_251] {strides = array<i32>} : memref<8x2048xf32, #tpu.memory_space<vmem>>, vector<1x16xf32>,
      %parallel_loop3A_253 = vector.shape_cast %parallel_loop3A_252 : vector<1x16xf32> to vector<16xf32>
      %parallel_loop3A_254 = vector.shape_cast %parallel_loop3A_248 : vector<16xf32> to vector<1x16xf32>
      tpu.vector_store %arg9[%parallel_loop3A_250, %parallel_loop3A_251], %parallel_loop3A_254 {strides = array<i32>} : memref<8x2048xf32, #tpu.memory_space<vmem>>, vector<1x16xf32>,
      %parallel_loop3A_255 = arith.constant 3 : i32
      %parallel_loop3A_256 = arith.index_cast %parallel_loop3A_255 : i32 to index
      %parallel_loop3A_257 = arith.index_cast %parallel_loop3A_213 : i32 to index
      %parallel_loop3A_258 = tpu.vector_load %arg7[%parallel_loop3A_256, %parallel_loop3A_257] {strides = array<i32>} : memref<8x2048xf32, #tpu.memory_space<vmem>>, vector<1x16xf32>,
      %parallel_loop3A_259 = vector.shape_cast %parallel_loop3A_258 : vector<1x16xf32> to vector<16xf32>
      %parallel_loop3A_260 = arith.subf %parallel_loop3A_259, %parallel_loop3A_247 : vector<16xf32>
      %parallel_loop3A_261 = arith.constant 3 : i32
      %parallel_loop3A_262 = arith.index_cast %parallel_loop3A_261 : i32 to index
      %parallel_loop3A_263 = arith.index_cast %parallel_loop3A_213 : i32 to index
      %parallel_loop3A_264 = tpu.vector_load %arg9[%parallel_loop3A_262, %parallel_loop3A_263] {strides = array<i32>} : memref<8x2048xf32, #tpu.memory_space<vmem>>, vector<1x16xf32>,
      %parallel_loop3A_265 = vector.shape_cast %parallel_loop3A_264 : vector<1x16xf32> to vector<16xf32>
      %parallel_loop3A_266 = vector.shape_cast %parallel_loop3A_260 : vector<16xf32> to vector<1x16xf32>
      tpu.vector_store %arg9[%parallel_loop3A_262, %parallel_loop3A_263], %parallel_loop3A_266 {strides = array<i32>} : memref<8x2048xf32, #tpu.memory_space<vmem>>, vector<1x16xf32>,
      %parallel_loop3A_267 = arith.constant 4 : i32
      %parallel_loop3A_268 = arith.index_cast %parallel_loop3A_267 : i32 to index
      %parallel_loop3A_269 = arith.index_cast %parallel_loop3A_213 : i32 to index
      %parallel_loop3A_270 = tpu.vector_load %arg7[%parallel_loop3A_268, %parallel_loop3A_269] {strides = array<i32>} : memref<8x2048xf32, #tpu.memory_space<vmem>>, vector<1x16xf32>,
      %parallel_loop3A_271 = vector.shape_cast %parallel_loop3A_270 : vector<1x16xf32> to vector<16xf32>
      %parallel_loop3A_272 = arith.subf %parallel_loop3A_271, %parallel_loop3A_259 : vector<16xf32>
      %parallel_loop3A_273 = arith.constant 4 : i32
      %parallel_loop3A_274 = arith.index_cast %parallel_loop3A_273 : i32 to index
      %parallel_loop3A_275 = arith.index_cast %parallel_loop3A_213 : i32 to index
      %parallel_loop3A_276 = tpu.vector_load %arg9[%parallel_loop3A_274, %parallel_loop3A_275] {strides = array<i32>} : memref<8x2048xf32, #tpu.memory_space<vmem>>, vector<1x16xf32>,
      %parallel_loop3A_277 = vector.shape_cast %parallel_loop3A_276 : vector<1x16xf32> to vector<16xf32>
      %parallel_loop3A_278 = vector.shape_cast %parallel_loop3A_272 : vector<16xf32> to vector<1x16xf32>
      tpu.vector_store %arg9[%parallel_loop3A_274, %parallel_loop3A_275], %parallel_loop3A_278 {strides = array<i32>} : memref<8x2048xf32, #tpu.memory_space<vmem>>, vector<1x16xf32>,
      %parallel_loop3A_279 = arith.constant 5 : i32
      %parallel_loop3A_280 = arith.index_cast %parallel_loop3A_279 : i32 to index
      %parallel_loop3A_281 = arith.index_cast %parallel_loop3A_213 : i32 to index
      %parallel_loop3A_282 = tpu.vector_load %arg7[%parallel_loop3A_280, %parallel_loop3A_281] {strides = array<i32>} : memref<8x2048xf32, #tpu.memory_space<vmem>>, vector<1x16xf32>,
      %parallel_loop3A_283 = vector.shape_cast %parallel_loop3A_282 : vector<1x16xf32> to vector<16xf32>
      %parallel_loop3A_284 = arith.subf %parallel_loop3A_283, %parallel_loop3A_271 : vector<16xf32>
      %parallel_loop3A_285 = arith.constant 5 : i32
      %parallel_loop3A_286 = arith.index_cast %parallel_loop3A_285 : i32 to index
      %parallel_loop3A_287 = arith.index_cast %parallel_loop3A_213 : i32 to index
      %parallel_loop3A_288 = tpu.vector_load %arg9[%parallel_loop3A_286, %parallel_loop3A_287] {strides = array<i32>} : memref<8x2048xf32, #tpu.memory_space<vmem>>, vector<1x16xf32>,
      %parallel_loop3A_289 = vector.shape_cast %parallel_loop3A_288 : vector<1x16xf32> to vector<16xf32>
      %parallel_loop3A_290 = vector.shape_cast %parallel_loop3A_284 : vector<16xf32> to vector<1x16xf32>
      tpu.vector_store %arg9[%parallel_loop3A_286, %parallel_loop3A_287], %parallel_loop3A_290 {strides = array<i32>} : memref<8x2048xf32, #tpu.memory_space<vmem>>, vector<1x16xf32>,
      %parallel_loop3A_291 = arith.constant 6 : i32
      %parallel_loop3A_292 = arith.index_cast %parallel_loop3A_291 : i32 to index
      %parallel_loop3A_293 = arith.index_cast %parallel_loop3A_213 : i32 to index
      %parallel_loop3A_294 = tpu.vector_load %arg7[%parallel_loop3A_292, %parallel_loop3A_293] {strides = array<i32>} : memref<8x2048xf32, #tpu.memory_space<vmem>>, vector<1x16xf32>,
      %parallel_loop3A_295 = vector.shape_cast %parallel_loop3A_294 : vector<1x16xf32> to vector<16xf32>
      %parallel_loop3A_296 = arith.subf %parallel_loop3A_295, %parallel_loop3A_283 : vector<16xf32>
      %parallel_loop3A_297 = arith.constant 6 : i32
      %parallel_loop3A_298 = arith.index_cast %parallel_loop3A_297 : i32 to index
      %parallel_loop3A_299 = arith.index_cast %parallel_loop3A_213 : i32 to index
      %parallel_loop3A_300 = tpu.vector_load %arg9[%parallel_loop3A_298, %parallel_loop3A_299] {strides = array<i32>} : memref<8x2048xf32, #tpu.memory_space<vmem>>, vector<1x16xf32>,
      %parallel_loop3A_301 = vector.shape_cast %parallel_loop3A_300 : vector<1x16xf32> to vector<16xf32>
      %parallel_loop3A_302 = vector.shape_cast %parallel_loop3A_296 : vector<16xf32> to vector<1x16xf32>
      tpu.vector_store %arg9[%parallel_loop3A_298, %parallel_loop3A_299], %parallel_loop3A_302 {strides = array<i32>} : memref<8x2048xf32, #tpu.memory_space<vmem>>, vector<1x16xf32>,
      %parallel_loop3A_303 = arith.constant 7 : i32
      %parallel_loop3A_304 = arith.index_cast %parallel_loop3A_303 : i32 to index
      %parallel_loop3A_305 = arith.index_cast %parallel_loop3A_213 : i32 to index
      %parallel_loop3A_306 = tpu.vector_load %arg7[%parallel_loop3A_304, %parallel_loop3A_305] {strides = array<i32>} : memref<8x2048xf32, #tpu.memory_space<vmem>>, vector<1x16xf32>,
      %parallel_loop3A_307 = vector.shape_cast %parallel_loop3A_306 : vector<1x16xf32> to vector<16xf32>
      %parallel_loop3A_308 = arith.subf %parallel_loop3A_307, %parallel_loop3A_295 : vector<16xf32>
      %parallel_loop3A_309 = arith.constant 7 : i32
      %parallel_loop3A_310 = arith.index_cast %parallel_loop3A_309 : i32 to index
      %parallel_loop3A_311 = arith.index_cast %parallel_loop3A_213 : i32 to index
      %parallel_loop3A_312 = tpu.vector_load %arg9[%parallel_loop3A_310, %parallel_loop3A_311] {strides = array<i32>} : memref<8x2048xf32, #tpu.memory_space<vmem>>, vector<1x16xf32>,
      %parallel_loop3A_313 = vector.shape_cast %parallel_loop3A_312 : vector<1x16xf32> to vector<16xf32>
      %parallel_loop3A_314 = vector.shape_cast %parallel_loop3A_308 : vector<16xf32> to vector<1x16xf32>
      tpu.vector_store %arg9[%parallel_loop3A_310, %parallel_loop3A_311], %parallel_loop3A_314 {strides = array<i32>} : memref<8x2048xf32, #tpu.memory_space<vmem>>, vector<1x16xf32>,
      %parallel_loop3A_315 = arith.constant 7 : i32
      %parallel_loop3A_316 = arith.index_cast %parallel_loop3A_315 : i32 to index
      %parallel_loop3A_317 = arith.index_cast %parallel_loop3A_213 : i32 to index
      %parallel_loop3A_318 = tpu.vector_load %arg10[%parallel_loop3A_316, %parallel_loop3A_317] {strides = array<i32>} : memref<8x2048xf32, #tpu.memory_space<vmem>>, vector<1x16xf32>,
      %parallel_loop3A_319 = vector.shape_cast %parallel_loop3A_318 : vector<1x16xf32> to vector<16xf32>
      %parallel_loop3A_320 = vector.shape_cast %parallel_loop3A_307 : vector<16xf32> to vector<1x16xf32>
      tpu.vector_store %arg10[%parallel_loop3A_316, %parallel_loop3A_317], %parallel_loop3A_320 {strides = array<i32>} : memref<8x2048xf32, #tpu.memory_space<vmem>>, vector<1x16xf32>,
    } {sc.loop_unroll_factor = 1 : i64, sc.parallel_access}
    %add3A_184 = arith.constant 24 : i32
    %add3A_185 = arith.addi %add3A_35, %add3A_184 : i32
    %multiple_of3A_186 = tpu.assume_multiple %add3A_185, 8 : i32
    %dma_start3A_187 = arith.constant 0 : i32
    %dma_start3A_188 = tpu.memref_slice %arg3[%multiple_of3A_186, %dma_start3A_187] : memref<16384x2048xf32, #tpu.memory_space<hbm>> -> memref<8x2048xf32, #tpu.memory_space<hbm>>
    %dma_start3A_189 = arith.constant 0 : i32
    %dma_start3A_190 = tpu.memref_slice %arg3[%multiple_of3A_186, %dma_start3A_189] : memref<16384x2048xf32, #tpu.memory_space<hbm>> -> memref<8x2048xf32, #tpu.memory_space<hbm>>
    tpu.enqueue_dma source(%arg9 : memref<8x2048xf32, #tpu.memory_space<vmem>>) target(%dma_start3A_190 : memref<8x2048xf32, #tpu.memory_space<hbm>>) target_semaphore(%arg16 : memref<!tpu.dma_semaphore, #tpu.memory_space<semaphore_mem>>)
    %add3A_191 = arith.constant 56 : i32
    %add3A_192 = arith.addi %add3A_35, %add3A_191 : i32
    %multiple_of3A_193 = tpu.assume_multiple %add3A_192, 8 : i32
    %dma_start3A_194 = arith.constant 0 : i32
    %dma_start3A_195 = tpu.memref_slice %arg2[%multiple_of3A_193, %dma_start3A_194] : memref<16384x2048xf32, #tpu.memory_space<hbm>> -> memref<8x2048xf32, #tpu.memory_space<hbm>>
    %dma_start3A_196 = arith.constant 0 : i32
    %dma_start3A_197 = tpu.memref_slice %arg2[%multiple_of3A_193, %dma_start3A_196] : memref<16384x2048xf32, #tpu.memory_space<hbm>> -> memref<8x2048xf32, #tpu.memory_space<hbm>>
    tpu.enqueue_dma source(%dma_start3A_197 : memref<8x2048xf32, #tpu.memory_space<hbm>>) target(%arg7 : memref<8x2048xf32, #tpu.memory_space<vmem>>) target_semaphore(%arg14 : memref<!tpu.dma_semaphore, #tpu.memory_space<semaphore_mem>>)
    %scan3A = arith.constant 0 : i32
    %scan3A_198 = arith.constant 1 : i32
    %scan3A_199 = arith.constant 15 : i32
    %scan3A_200 = arith.addi %scan3A_198, %scan3A_199 : i32
    %scan3A_201 = arith.constant 1 : i32
    scf.for %scan3A_211 = %scan3A_198 to %scan3A_200 step %scan3A_201  : i32 {
      %mul3A_212 = arith.constant 4 : i32
      %mul3A_213 = arith.muli %mul3A_212, %scan3A_211 : i32
      %add3A_214 = arith.constant 0 : i32
      %add3A_215 = arith.addi %mul3A_213, %add3A_214 : i32
      %dma_wait3A_216 = arith.constant 0 : i32
      %dma_wait3A_217 = arith.constant 0 : i32
      %dma_wait3A_218 = tpu.memref_slice %arg2[%dma_wait3A_216, %dma_wait3A_217] : memref<16384x2048xf32, #tpu.memory_space<hbm>> -> memref<8x2048xf32, #tpu.memory_space<hbm>>
      %dma_wait3A_219 = arith.constant 0 : i32
      %dma_wait3A_220 = arith.constant 0 : i32
      %dma_wait3A_221 = tpu.memref_slice %arg2[%dma_wait3A_219, %dma_wait3A_220] : memref<16384x2048xf32, #tpu.memory_space<hbm>> -> memref<8x2048xf32, #tpu.memory_space<hbm>>
      tpu.wait_dma2 semaphore(%arg11 : memref<!tpu.dma_semaphore, #tpu.memory_space<semaphore_mem>>) src(%dma_wait3A_221 : memref<8x2048xf32, #tpu.memory_space<hbm>>) dst(%arg4 : memref<8x2048xf32, #tpu.memory_space<vmem>>)
      %dma_wait3A_222 = arith.constant 0 : i32
      %dma_wait3A_223 = tpu.memref_slice %arg3[%add3A_35, %dma_wait3A_222] : memref<16384x2048xf32, #tpu.memory_space<hbm>> -> memref<8x2048xf32, #tpu.memory_space<hbm>>
      %dma_wait3A_224 = arith.constant 0 : i32
      %dma_wait3A_225 = tpu.memref_slice %arg3[%add3A_35, %dma_wait3A_224] : memref<16384x2048xf32, #tpu.memory_space<hbm>> -> memref<8x2048xf32, #tpu.memory_space<hbm>>
      tpu.wait_dma2 semaphore(%arg15 : memref<!tpu.dma_semaphore, #tpu.memory_space<semaphore_mem>>) src(%arg8 : memref<8x2048xf32, #tpu.memory_space<vmem>>) dst(%dma_wait3A_225 : memref<8x2048xf32, #tpu.memory_space<hbm>>)
      %parallel_loop3A_226 = arith.constant 0 : i32
      %parallel_loop3A_227 = arith.constant 128 : i32
      %parallel_loop3A_228 = arith.constant 1 : i32
      scf.for %parallel_loop3A_332 = %parallel_loop3A_226 to %parallel_loop3A_227 step %parallel_loop3A_228  : i32 {
        %parallel_loop3A_333 = arith.constant 16 : i32
        %parallel_loop3A_334 = arith.muli %parallel_loop3A_332, %parallel_loop3A_333 : i32
        %parallel_loop3A_335 = arith.constant 7 : i32
        %parallel_loop3A_336 = arith.index_cast %parallel_loop3A_335 : i32 to index
        %parallel_loop3A_337 = arith.index_cast %parallel_loop3A_334 : i32 to index
        %parallel_loop3A_338 = tpu.vector_load %arg10[%parallel_loop3A_336, %parallel_loop3A_337] {strides = array<i32>} : memref<8x2048xf32, #tpu.memory_space<vmem>>, vector<1x16xf32>,
        %parallel_loop3A_339 = vector.shape_cast %parallel_loop3A_338 : vector<1x16xf32> to vector<16xf32>
        %parallel_loop3A_340 = arith.constant 0 : i32
        %parallel_loop3A_341 = arith.index_cast %parallel_loop3A_340 : i32 to index
        %parallel_loop3A_342 = arith.index_cast %parallel_loop3A_334 : i32 to index
        %parallel_loop3A_343 = tpu.vector_load %arg4[%parallel_loop3A_341, %parallel_loop3A_342] {strides = array<i32>} : memref<8x2048xf32, #tpu.memory_space<vmem>>, vector<1x16xf32>,
        %parallel_loop3A_344 = vector.shape_cast %parallel_loop3A_343 : vector<1x16xf32> to vector<16xf32>
        %parallel_loop3A_345 = arith.subf %parallel_loop3A_344, %parallel_loop3A_339 : vector<16xf32>
        %parallel_loop3A_346 = arith.constant 0 : i32
        %parallel_loop3A_347 = arith.index_cast %parallel_loop3A_346 : i32 to index
        %parallel_loop3A_348 = arith.index_cast %parallel_loop3A_334 : i32 to index
        %parallel_loop3A_349 = tpu.vector_load %arg8[%parallel_loop3A_347, %parallel_loop3A_348] {strides = array<i32>} : memref<8x2048xf32, #tpu.memory_space<vmem>>, vector<1x16xf32>,
        %parallel_loop3A_350 = vector.shape_cast %parallel_loop3A_349 : vector<1x16xf32> to vector<16xf32>
        %parallel_loop3A_351 = vector.shape_cast %parallel_loop3A_345 : vector<16xf32> to vector<1x16xf32>
        tpu.vector_store %arg8[%parallel_loop3A_347, %parallel_loop3A_348], %parallel_loop3A_351 {strides = array<i32>} : memref<8x2048xf32, #tpu.memory_space<vmem>>, vector<1x16xf32>,
        %parallel_loop3A_352 = arith.constant 1 : i32
        %parallel_loop3A_353 = arith.index_cast %parallel_loop3A_352 : i32 to index
        %parallel_loop3A_354 = arith.index_cast %parallel_loop3A_334 : i32 to index
        %parallel_loop3A_355 = tpu.vector_load %arg4[%parallel_loop3A_353, %parallel_loop3A_354] {strides = array<i32>} : memref<8x2048xf32, #tpu.memory_space<vmem>>, vector<1x16xf32>,
        %parallel_loop3A_356 = vector.shape_cast %parallel_loop3A_355 : vector<1x16xf32> to vector<16xf32>
        %parallel_loop3A_357 = arith.subf %parallel_loop3A_356, %parallel_loop3A_344 : vector<16xf32>
        %parallel_loop3A_358 = arith.constant 1 : i32
        %parallel_loop3A_359 = arith.index_cast %parallel_loop3A_358 : i32 to index
        %parallel_loop3A_360 = arith.index_cast %parallel_loop3A_334 : i32 to index
        %parallel_loop3A_361 = tpu.vector_load %arg8[%parallel_loop3A_359, %parallel_loop3A_360] {strides = array<i32>} : memref<8x2048xf32, #tpu.memory_space<vmem>>, vector<1x16xf32>,
        %parallel_loop3A_362 = vector.shape_cast %parallel_loop3A_361 : vector<1x16xf32> to vector<16xf32>
        %parallel_loop3A_363 = vector.shape_cast %parallel_loop3A_357 : vector<16xf32> to vector<1x16xf32>
        tpu.vector_store %arg8[%parallel_loop3A_359, %parallel_loop3A_360], %parallel_loop3A_363 {strides = array<i32>} : memref<8x2048xf32, #tpu.memory_space<vmem>>, vector<1x16xf32>,
        %parallel_loop3A_364 = arith.constant 2 : i32
        %parallel_loop3A_365 = arith.index_cast %parallel_loop3A_364 : i32 to index
        %parallel_loop3A_366 = arith.index_cast %parallel_loop3A_334 : i32 to index
        %parallel_loop3A_367 = tpu.vector_load %arg4[%parallel_loop3A_365, %parallel_loop3A_366] {strides = array<i32>} : memref<8x2048xf32, #tpu.memory_space<vmem>>, vector<1x16xf32>,
        %parallel_loop3A_368 = vector.shape_cast %parallel_loop3A_367 : vector<1x16xf32> to vector<16xf32>
        %parallel_loop3A_369 = arith.subf %parallel_loop3A_368, %parallel_loop3A_356 : vector<16xf32>
        %parallel_loop3A_370 = arith.constant 2 : i32
        %parallel_loop3A_371 = arith.index_cast %parallel_loop3A_370 : i32 to index
        %parallel_loop3A_372 = arith.index_cast %parallel_loop3A_334 : i32 to index
        %parallel_loop3A_373 = tpu.vector_load %arg8[%parallel_loop3A_371, %parallel_loop3A_372] {strides = array<i32>} : memref<8x2048xf32, #tpu.memory_space<vmem>>, vector<1x16xf32>,
        %parallel_loop3A_374 = vector.shape_cast %parallel_loop3A_373 : vector<1x16xf32> to vector<16xf32>
        %parallel_loop3A_375 = vector.shape_cast %parallel_loop3A_369 : vector<16xf32> to vector<1x16xf32>
        tpu.vector_store %arg8[%parallel_loop3A_371, %parallel_loop3A_372], %parallel_loop3A_375 {strides = array<i32>} : memref<8x2048xf32, #tpu.memory_space<vmem>>, vector<1x16xf32>,
        %parallel_loop3A_376 = arith.constant 3 : i32
        %parallel_loop3A_377 = arith.index_cast %parallel_loop3A_376 : i32 to index
        %parallel_loop3A_378 = arith.index_cast %parallel_loop3A_334 : i32 to index
        %parallel_loop3A_379 = tpu.vector_load %arg4[%parallel_loop3A_377, %parallel_loop3A_378] {strides = array<i32>} : memref<8x2048xf32, #tpu.memory_space<vmem>>, vector<1x16xf32>,
        %parallel_loop3A_380 = vector.shape_cast %parallel_loop3A_379 : vector<1x16xf32> to vector<16xf32>
        %parallel_loop3A_381 = arith.subf %parallel_loop3A_380, %parallel_loop3A_368 : vector<16xf32>
        %parallel_loop3A_382 = arith.constant 3 : i32
        %parallel_loop3A_383 = arith.index_cast %parallel_loop3A_382 : i32 to index
        %parallel_loop3A_384 = arith.index_cast %parallel_loop3A_334 : i32 to index
        %parallel_loop3A_385 = tpu.vector_load %arg8[%parallel_loop3A_383, %parallel_loop3A_384] {strides = array<i32>} : memref<8x2048xf32, #tpu.memory_space<vmem>>, vector<1x16xf32>,
        %parallel_loop3A_386 = vector.shape_cast %parallel_loop3A_385 : vector<1x16xf32> to vector<16xf32>
        %parallel_loop3A_387 = vector.shape_cast %parallel_loop3A_381 : vector<16xf32> to vector<1x16xf32>
        tpu.vector_store %arg8[%parallel_loop3A_383, %parallel_loop3A_384], %parallel_loop3A_387 {strides = array<i32>} : memref<8x2048xf32, #tpu.memory_space<vmem>>, vector<1x16xf32>,
        %parallel_loop3A_388 = arith.constant 4 : i32
        %parallel_loop3A_389 = arith.index_cast %parallel_loop3A_388 : i32 to index
        %parallel_loop3A_390 = arith.index_cast %parallel_loop3A_334 : i32 to index
        %parallel_loop3A_391 = tpu.vector_load %arg4[%parallel_loop3A_389, %parallel_loop3A_390] {strides = array<i32>} : memref<8x2048xf32, #tpu.memory_space<vmem>>, vector<1x16xf32>,
        %parallel_loop3A_392 = vector.shape_cast %parallel_loop3A_391 : vector<1x16xf32> to vector<16xf32>
        %parallel_loop3A_393 = arith.subf %parallel_loop3A_392, %parallel_loop3A_380 : vector<16xf32>
        %parallel_loop3A_394 = arith.constant 4 : i32
        %parallel_loop3A_395 = arith.index_cast %parallel_loop3A_394 : i32 to index
        %parallel_loop3A_396 = arith.index_cast %parallel_loop3A_334 : i32 to index
        %parallel_loop3A_397 = tpu.vector_load %arg8[%parallel_loop3A_395, %parallel_loop3A_396] {strides = array<i32>} : memref<8x2048xf32, #tpu.memory_space<vmem>>, vector<1x16xf32>,
        %parallel_loop3A_398 = vector.shape_cast %parallel_loop3A_397 : vector<1x16xf32> to vector<16xf32>
        %parallel_loop3A_399 = vector.shape_cast %parallel_loop3A_393 : vector<16xf32> to vector<1x16xf32>
        tpu.vector_store %arg8[%parallel_loop3A_395, %parallel_loop3A_396], %parallel_loop3A_399 {strides = array<i32>} : memref<8x2048xf32, #tpu.memory_space<vmem>>, vector<1x16xf32>,
        %parallel_loop3A_400 = arith.constant 5 : i32
        %parallel_loop3A_401 = arith.index_cast %parallel_loop3A_400 : i32 to index
        %parallel_loop3A_402 = arith.index_cast %parallel_loop3A_334 : i32 to index
        %parallel_loop3A_403 = tpu.vector_load %arg4[%parallel_loop3A_401, %parallel_loop3A_402] {strides = array<i32>} : memref<8x2048xf32, #tpu.memory_space<vmem>>, vector<1x16xf32>,
        %parallel_loop3A_404 = vector.shape_cast %parallel_loop3A_403 : vector<1x16xf32> to vector<16xf32>
        %parallel_loop3A_405 = arith.subf %parallel_loop3A_404, %parallel_loop3A_392 : vector<16xf32>
        %parallel_loop3A_406 = arith.constant 5 : i32
        %parallel_loop3A_407 = arith.index_cast %parallel_loop3A_406 : i32 to index
        %parallel_loop3A_408 = arith.index_cast %parallel_loop3A_334 : i32 to index
        %parallel_loop3A_409 = tpu.vector_load %arg8[%parallel_loop3A_407, %parallel_loop3A_408] {strides = array<i32>} : memref<8x2048xf32, #tpu.memory_space<vmem>>, vector<1x16xf32>,
        %parallel_loop3A_410 = vector.shape_cast %parallel_loop3A_409 : vector<1x16xf32> to vector<16xf32>
        %parallel_loop3A_411 = vector.shape_cast %parallel_loop3A_405 : vector<16xf32> to vector<1x16xf32>
        tpu.vector_store %arg8[%parallel_loop3A_407, %parallel_loop3A_408], %parallel_loop3A_411 {strides = array<i32>} : memref<8x2048xf32, #tpu.memory_space<vmem>>, vector<1x16xf32>,
        %parallel_loop3A_412 = arith.constant 6 : i32
        %parallel_loop3A_413 = arith.index_cast %parallel_loop3A_412 : i32 to index
        %parallel_loop3A_414 = arith.index_cast %parallel_loop3A_334 : i32 to index
        %parallel_loop3A_415 = tpu.vector_load %arg4[%parallel_loop3A_413, %parallel_loop3A_414] {strides = array<i32>} : memref<8x2048xf32, #tpu.memory_space<vmem>>, vector<1x16xf32>,
        %parallel_loop3A_416 = vector.shape_cast %parallel_loop3A_415 : vector<1x16xf32> to vector<16xf32>
        %parallel_loop3A_417 = arith.subf %parallel_loop3A_416, %parallel_loop3A_404 : vector<16xf32>
        %parallel_loop3A_418 = arith.constant 6 : i32
        %parallel_loop3A_419 = arith.index_cast %parallel_loop3A_418 : i32 to index
        %parallel_loop3A_420 = arith.index_cast %parallel_loop3A_334 : i32 to index
        %parallel_loop3A_421 = tpu.vector_load %arg8[%parallel_loop3A_419, %parallel_loop3A_420] {strides = array<i32>} : memref<8x2048xf32, #tpu.memory_space<vmem>>, vector<1x16xf32>,
        %parallel_loop3A_422 = vector.shape_cast %parallel_loop3A_421 : vector<1x16xf32> to vector<16xf32>
        %parallel_loop3A_423 = vector.shape_cast %parallel_loop3A_417 : vector<16xf32> to vector<1x16xf32>
        tpu.vector_store %arg8[%parallel_loop3A_419, %parallel_loop3A_420], %parallel_loop3A_423 {strides = array<i32>} : memref<8x2048xf32, #tpu.memory_space<vmem>>, vector<1x16xf32>,
        %parallel_loop3A_424 = arith.constant 7 : i32
        %parallel_loop3A_425 = arith.index_cast %parallel_loop3A_424 : i32 to index
        %parallel_loop3A_426 = arith.index_cast %parallel_loop3A_334 : i32 to index
        %parallel_loop3A_427 = tpu.vector_load %arg4[%parallel_loop3A_425, %parallel_loop3A_426] {strides = array<i32>} : memref<8x2048xf32, #tpu.memory_space<vmem>>, vector<1x16xf32>,
        %parallel_loop3A_428 = vector.shape_cast %parallel_loop3A_427 : vector<1x16xf32> to vector<16xf32>
        %parallel_loop3A_429 = arith.subf %parallel_loop3A_428, %parallel_loop3A_416 : vector<16xf32>
        %parallel_loop3A_430 = arith.constant 7 : i32
        %parallel_loop3A_431 = arith.index_cast %parallel_loop3A_430 : i32 to index
        %parallel_loop3A_432 = arith.index_cast %parallel_loop3A_334 : i32 to index
        %parallel_loop3A_433 = tpu.vector_load %arg8[%parallel_loop3A_431, %parallel_loop3A_432] {strides = array<i32>} : memref<8x2048xf32, #tpu.memory_space<vmem>>, vector<1x16xf32>,
        %parallel_loop3A_434 = vector.shape_cast %parallel_loop3A_433 : vector<1x16xf32> to vector<16xf32>
        %parallel_loop3A_435 = vector.shape_cast %parallel_loop3A_429 : vector<16xf32> to vector<1x16xf32>
        tpu.vector_store %arg8[%parallel_loop3A_431, %parallel_loop3A_432], %parallel_loop3A_435 {strides = array<i32>} : memref<8x2048xf32, #tpu.memory_space<vmem>>, vector<1x16xf32>,
        %parallel_loop3A_436 = arith.constant 7 : i32
        %parallel_loop3A_437 = arith.index_cast %parallel_loop3A_436 : i32 to index
        %parallel_loop3A_438 = arith.index_cast %parallel_loop3A_334 : i32 to index
        %parallel_loop3A_439 = tpu.vector_load %arg10[%parallel_loop3A_437, %parallel_loop3A_438] {strides = array<i32>} : memref<8x2048xf32, #tpu.memory_space<vmem>>, vector<1x16xf32>,
        %parallel_loop3A_440 = vector.shape_cast %parallel_loop3A_439 : vector<1x16xf32> to vector<16xf32>
        %parallel_loop3A_441 = vector.shape_cast %parallel_loop3A_428 : vector<16xf32> to vector<1x16xf32>
        tpu.vector_store %arg10[%parallel_loop3A_437, %parallel_loop3A_438], %parallel_loop3A_441 {strides = array<i32>} : memref<8x2048xf32, #tpu.memory_space<vmem>>, vector<1x16xf32>,
      } {sc.loop_unroll_factor = 1 : i64, sc.parallel_access}
      %mul3A_229 = arith.constant 8 : i32
      %mul3A_230 = arith.muli %add3A_215, %mul3A_229 : i32
      %add3A_231 = arith.addi %add3A_35, %mul3A_230 : i32
      %multiple_of3A_232 = tpu.assume_multiple %add3A_231, 8 : i32
      %dma_start3A_233 = arith.constant 0 : i32
      %dma_start3A_234 = tpu.memref_slice %arg3[%multiple_of3A_232, %dma_start3A_233] : memref<16384x2048xf32, #tpu.memory_space<hbm>> -> memref<8x2048xf32, #tpu.memory_space<hbm>>
      %dma_start3A_235 = arith.constant 0 : i32
      %dma_start3A_236 = tpu.memref_slice %arg3[%multiple_of3A_232, %dma_start3A_235] : memref<16384x2048xf32, #tpu.memory_space<hbm>> -> memref<8x2048xf32, #tpu.memory_space<hbm>>
      tpu.enqueue_dma source(%arg8 : memref<8x2048xf32, #tpu.memory_space<vmem>>) target(%dma_start3A_236 : memref<8x2048xf32, #tpu.memory_space<hbm>>) target_semaphore(%arg15 : memref<!tpu.dma_semaphore, #tpu.memory_space<semaphore_mem>>)
      %add3A_237 = arith.constant 4 : i32
      %add3A_238 = arith.addi %add3A_215, %add3A_237 : i32
      %lt3A_239 = arith.constant 64 : i32
      %lt3A_240 = arith.cmpi slt, %add3A_238, %lt3A_239 : i32
      %convert_element_type3A = arith.extui %lt3A_240 : i1 to i32
      %cond3A = arith.constant 0 : i32
      %cond3A_241 = arith.cmpi ne, %convert_element_type3A, %cond3A : i32
      scf.if %cond3A_241 {
        %add3A_332 = arith.constant 4 : i32
        %add3A_333 = arith.addi %add3A_215, %add3A_332 : i32
        %mul3A_334 = arith.constant 8 : i32
        %mul3A_335 = arith.muli %add3A_333, %mul3A_334 : i32
        %add3A_336 = arith.addi %add3A_35, %mul3A_335 : i32
        %multiple_of3A_337 = tpu.assume_multiple %add3A_336, 8 : i32
        %dma_start3A_338 = arith.constant 0 : i32
        %dma_start3A_339 = tpu.memref_slice %arg2[%multiple_of3A_337, %dma_start3A_338] : memref<16384x2048xf32, #tpu.memory_space<hbm>> -> memref<8x2048xf32, #tpu.memory_space<hbm>>
        %dma_start3A_340 = arith.constant 0 : i32
        %dma_start3A_341 = tpu.memref_slice %arg2[%multiple_of3A_337, %dma_start3A_340] : memref<16384x2048xf32, #tpu.memory_space<hbm>> -> memref<8x2048xf32, #tpu.memory_space<hbm>>
        tpu.enqueue_dma source(%dma_start3A_341 : memref<8x2048xf32, #tpu.memory_space<hbm>>) target(%arg4 : memref<8x2048xf32, #tpu.memory_space<vmem>>) target_semaphore(%arg11 : memref<!tpu.dma_semaphore, #tpu.memory_space<semaphore_mem>>)
      } else {
      }
      %add3A_242 = arith.constant 1 : i32
      %add3A_243 = arith.addi %mul3A_213, %add3A_242 : i32
      %dma_wait3A_244 = arith.constant 0 : i32
      %dma_wait3A_245 = arith.constant 0 : i32
      %dma_wait3A_246 = tpu.memref_slice %arg2[%dma_wait3A_244, %dma_wait3A_245] : memref<16384x2048xf32, #tpu.memory_space<hbm>> -> memref<8x2048xf32, #tpu.memory_space<hbm>>
      %dma_wait3A_247 = arith.constant 0 : i32
      %dma_wait3A_248 = arith.constant 0 : i32
      %dma_wait3A_249 = tpu.memref_slice %arg2[%dma_wait3A_247, %dma_wait3A_248] : memref<16384x2048xf32, #tpu.memory_space<hbm>> -> memref<8x2048xf32, #tpu.memory_space<hbm>>
      tpu.wait_dma2 semaphore(%arg12 : memref<!tpu.dma_semaphore, #tpu.memory_space<semaphore_mem>>) src(%dma_wait3A_249 : memref<8x2048xf32, #tpu.memory_space<hbm>>) dst(%arg5 : memref<8x2048xf32, #tpu.memory_space<vmem>>)
      %dma_wait3A_250 = arith.constant 0 : i32
      %dma_wait3A_251 = tpu.memref_slice %arg3[%add3A_35, %dma_wait3A_250] : memref<16384x2048xf32, #tpu.memory_space<hbm>> -> memref<8x2048xf32, #tpu.memory_space<hbm>>
      %dma_wait3A_252 = arith.constant 0 : i32
      %dma_wait3A_253 = tpu.memref_slice %arg3[%add3A_35, %dma_wait3A_252] : memref<16384x2048xf32, #tpu.memory_space<hbm>> -> memref<8x2048xf32, #tpu.memory_space<hbm>>
      tpu.wait_dma2 semaphore(%arg16 : memref<!tpu.dma_semaphore, #tpu.memory_space<semaphore_mem>>) src(%arg9 : memref<8x2048xf32, #tpu.memory_space<vmem>>) dst(%dma_wait3A_253 : memref<8x2048xf32, #tpu.memory_space<hbm>>)
      %parallel_loop3A_254 = arith.constant 0 : i32
      %parallel_loop3A_255 = arith.constant 128 : i32
      %parallel_loop3A_256 = arith.constant 1 : i32
      scf.for %parallel_loop3A_332 = %parallel_loop3A_254 to %parallel_loop3A_255 step %parallel_loop3A_256  : i32 {
        %parallel_loop3A_333 = arith.constant 16 : i32
        %parallel_loop3A_334 = arith.muli %parallel_loop3A_332, %parallel_loop3A_333 : i32
        %parallel_loop3A_335 = arith.constant 7 : i32
        %parallel_loop3A_336 = arith.index_cast %parallel_loop3A_335 : i32 to index
        %parallel_loop3A_337 = arith.index_cast %parallel_loop3A_334 : i32 to index
        %parallel_loop3A_338 = tpu.vector_load %arg10[%parallel_loop3A_336, %parallel_loop3A_337] {strides = array<i32>} : memref<8x2048xf32, #tpu.memory_space<vmem>>, vector<1x16xf32>,
        %parallel_loop3A_339 = vector.shape_cast %parallel_loop3A_338 : vector<1x16xf32> to vector<16xf32>
        %parallel_loop3A_340 = arith.constant 0 : i32
        %parallel_loop3A_341 = arith.index_cast %parallel_loop3A_340 : i32 to index
        %parallel_loop3A_342 = arith.index_cast %parallel_loop3A_334 : i32 to index
        %parallel_loop3A_343 = tpu.vector_load %arg5[%parallel_loop3A_341, %parallel_loop3A_342] {strides = array<i32>} : memref<8x2048xf32, #tpu.memory_space<vmem>>, vector<1x16xf32>,
        %parallel_loop3A_344 = vector.shape_cast %parallel_loop3A_343 : vector<1x16xf32> to vector<16xf32>
        %parallel_loop3A_345 = arith.subf %parallel_loop3A_344, %parallel_loop3A_339 : vector<16xf32>
        %parallel_loop3A_346 = arith.constant 0 : i32
        %parallel_loop3A_347 = arith.index_cast %parallel_loop3A_346 : i32 to index
        %parallel_loop3A_348 = arith.index_cast %parallel_loop3A_334 : i32 to index
        %parallel_loop3A_349 = tpu.vector_load %arg9[%parallel_loop3A_347, %parallel_loop3A_348] {strides = array<i32>} : memref<8x2048xf32, #tpu.memory_space<vmem>>, vector<1x16xf32>,
        %parallel_loop3A_350 = vector.shape_cast %parallel_loop3A_349 : vector<1x16xf32> to vector<16xf32>
        %parallel_loop3A_351 = vector.shape_cast %parallel_loop3A_345 : vector<16xf32> to vector<1x16xf32>
        tpu.vector_store %arg9[%parallel_loop3A_347, %parallel_loop3A_348], %parallel_loop3A_351 {strides = array<i32>} : memref<8x2048xf32, #tpu.memory_space<vmem>>, vector<1x16xf32>,
        %parallel_loop3A_352 = arith.constant 1 : i32
        %parallel_loop3A_353 = arith.index_cast %parallel_loop3A_352 : i32 to index
        %parallel_loop3A_354 = arith.index_cast %parallel_loop3A_334 : i32 to index
        %parallel_loop3A_355 = tpu.vector_load %arg5[%parallel_loop3A_353, %parallel_loop3A_354] {strides = array<i32>} : memref<8x2048xf32, #tpu.memory_space<vmem>>, vector<1x16xf32>,
        %parallel_loop3A_356 = vector.shape_cast %parallel_loop3A_355 : vector<1x16xf32> to vector<16xf32>
        %parallel_loop3A_357 = arith.subf %parallel_loop3A_356, %parallel_loop3A_344 : vector<16xf32>
        %parallel_loop3A_358 = arith.constant 1 : i32
        %parallel_loop3A_359 = arith.index_cast %parallel_loop3A_358 : i32 to index
        %parallel_loop3A_360 = arith.index_cast %parallel_loop3A_334 : i32 to index
        %parallel_loop3A_361 = tpu.vector_load %arg9[%parallel_loop3A_359, %parallel_loop3A_360] {strides = array<i32>} : memref<8x2048xf32, #tpu.memory_space<vmem>>, vector<1x16xf32>,
        %parallel_loop3A_362 = vector.shape_cast %parallel_loop3A_361 : vector<1x16xf32> to vector<16xf32>
        %parallel_loop3A_363 = vector.shape_cast %parallel_loop3A_357 : vector<16xf32> to vector<1x16xf32>
        tpu.vector_store %arg9[%parallel_loop3A_359, %parallel_loop3A_360], %parallel_loop3A_363 {strides = array<i32>} : memref<8x2048xf32, #tpu.memory_space<vmem>>, vector<1x16xf32>,
        %parallel_loop3A_364 = arith.constant 2 : i32
        %parallel_loop3A_365 = arith.index_cast %parallel_loop3A_364 : i32 to index
        %parallel_loop3A_366 = arith.index_cast %parallel_loop3A_334 : i32 to index
        %parallel_loop3A_367 = tpu.vector_load %arg5[%parallel_loop3A_365, %parallel_loop3A_366] {strides = array<i32>} : memref<8x2048xf32, #tpu.memory_space<vmem>>, vector<1x16xf32>,
        %parallel_loop3A_368 = vector.shape_cast %parallel_loop3A_367 : vector<1x16xf32> to vector<16xf32>
        %parallel_loop3A_369 = arith.subf %parallel_loop3A_368, %parallel_loop3A_356 : vector<16xf32>
        %parallel_loop3A_370 = arith.constant 2 : i32
        %parallel_loop3A_371 = arith.index_cast %parallel_loop3A_370 : i32 to index
        %parallel_loop3A_372 = arith.index_cast %parallel_loop3A_334 : i32 to index
        %parallel_loop3A_373 = tpu.vector_load %arg9[%parallel_loop3A_371, %parallel_loop3A_372] {strides = array<i32>} : memref<8x2048xf32, #tpu.memory_space<vmem>>, vector<1x16xf32>,
        %parallel_loop3A_374 = vector.shape_cast %parallel_loop3A_373 : vector<1x16xf32> to vector<16xf32>
        %parallel_loop3A_375 = vector.shape_cast %parallel_loop3A_369 : vector<16xf32> to vector<1x16xf32>
        tpu.vector_store %arg9[%parallel_loop3A_371, %parallel_loop3A_372], %parallel_loop3A_375 {strides = array<i32>} : memref<8x2048xf32, #tpu.memory_space<vmem>>, vector<1x16xf32>,
        %parallel_loop3A_376 = arith.constant 3 : i32
        %parallel_loop3A_377 = arith.index_cast %parallel_loop3A_376 : i32 to index
        %parallel_loop3A_378 = arith.index_cast %parallel_loop3A_334 : i32 to index
        %parallel_loop3A_379 = tpu.vector_load %arg5[%parallel_loop3A_377, %parallel_loop3A_378] {strides = array<i32>} : memref<8x2048xf32, #tpu.memory_space<vmem>>, vector<1x16xf32>,
        %parallel_loop3A_380 = vector.shape_cast %parallel_loop3A_379 : vector<1x16xf32> to vector<16xf32>
        %parallel_loop3A_381 = arith.subf %parallel_loop3A_380, %parallel_loop3A_368 : vector<16xf32>
        %parallel_loop3A_382 = arith.constant 3 : i32
        %parallel_loop3A_383 = arith.index_cast %parallel_loop3A_382 : i32 to index
        %parallel_loop3A_384 = arith.index_cast %parallel_loop3A_334 : i32 to index
        %parallel_loop3A_385 = tpu.vector_load %arg9[%parallel_loop3A_383, %parallel_loop3A_384] {strides = array<i32>} : memref<8x2048xf32, #tpu.memory_space<vmem>>, vector<1x16xf32>,
        %parallel_loop3A_386 = vector.shape_cast %parallel_loop3A_385 : vector<1x16xf32> to vector<16xf32>
        %parallel_loop3A_387 = vector.shape_cast %parallel_loop3A_381 : vector<16xf32> to vector<1x16xf32>
        tpu.vector_store %arg9[%parallel_loop3A_383, %parallel_loop3A_384], %parallel_loop3A_387 {strides = array<i32>} : memref<8x2048xf32, #tpu.memory_space<vmem>>, vector<1x16xf32>,
        %parallel_loop3A_388 = arith.constant 4 : i32
        %parallel_loop3A_389 = arith.index_cast %parallel_loop3A_388 : i32 to index
        %parallel_loop3A_390 = arith.index_cast %parallel_loop3A_334 : i32 to index
        %parallel_loop3A_391 = tpu.vector_load %arg5[%parallel_loop3A_389, %parallel_loop3A_390] {strides = array<i32>} : memref<8x2048xf32, #tpu.memory_space<vmem>>, vector<1x16xf32>,
        %parallel_loop3A_392 = vector.shape_cast %parallel_loop3A_391 : vector<1x16xf32> to vector<16xf32>
        %parallel_loop3A_393 = arith.subf %parallel_loop3A_392, %parallel_loop3A_380 : vector<16xf32>
        %parallel_loop3A_394 = arith.constant 4 : i32
        %parallel_loop3A_395 = arith.index_cast %parallel_loop3A_394 : i32 to index
        %parallel_loop3A_396 = arith.index_cast %parallel_loop3A_334 : i32 to index
        %parallel_loop3A_397 = tpu.vector_load %arg9[%parallel_loop3A_395, %parallel_loop3A_396] {strides = array<i32>} : memref<8x2048xf32, #tpu.memory_space<vmem>>, vector<1x16xf32>,
        %parallel_loop3A_398 = vector.shape_cast %parallel_loop3A_397 : vector<1x16xf32> to vector<16xf32>
        %parallel_loop3A_399 = vector.shape_cast %parallel_loop3A_393 : vector<16xf32> to vector<1x16xf32>
        tpu.vector_store %arg9[%parallel_loop3A_395, %parallel_loop3A_396], %parallel_loop3A_399 {strides = array<i32>} : memref<8x2048xf32, #tpu.memory_space<vmem>>, vector<1x16xf32>,
        %parallel_loop3A_400 = arith.constant 5 : i32
        %parallel_loop3A_401 = arith.index_cast %parallel_loop3A_400 : i32 to index
        %parallel_loop3A_402 = arith.index_cast %parallel_loop3A_334 : i32 to index
        %parallel_loop3A_403 = tpu.vector_load %arg5[%parallel_loop3A_401, %parallel_loop3A_402] {strides = array<i32>} : memref<8x2048xf32, #tpu.memory_space<vmem>>, vector<1x16xf32>,
        %parallel_loop3A_404 = vector.shape_cast %parallel_loop3A_403 : vector<1x16xf32> to vector<16xf32>
        %parallel_loop3A_405 = arith.subf %parallel_loop3A_404, %parallel_loop3A_392 : vector<16xf32>
        %parallel_loop3A_406 = arith.constant 5 : i32
        %parallel_loop3A_407 = arith.index_cast %parallel_loop3A_406 : i32 to index
        %parallel_loop3A_408 = arith.index_cast %parallel_loop3A_334 : i32 to index
        %parallel_loop3A_409 = tpu.vector_load %arg9[%parallel_loop3A_407, %parallel_loop3A_408] {strides = array<i32>} : memref<8x2048xf32, #tpu.memory_space<vmem>>, vector<1x16xf32>,
        %parallel_loop3A_410 = vector.shape_cast %parallel_loop3A_409 : vector<1x16xf32> to vector<16xf32>
        %parallel_loop3A_411 = vector.shape_cast %parallel_loop3A_405 : vector<16xf32> to vector<1x16xf32>
        tpu.vector_store %arg9[%parallel_loop3A_407, %parallel_loop3A_408], %parallel_loop3A_411 {strides = array<i32>} : memref<8x2048xf32, #tpu.memory_space<vmem>>, vector<1x16xf32>,
        %parallel_loop3A_412 = arith.constant 6 : i32
        %parallel_loop3A_413 = arith.index_cast %parallel_loop3A_412 : i32 to index
        %parallel_loop3A_414 = arith.index_cast %parallel_loop3A_334 : i32 to index
        %parallel_loop3A_415 = tpu.vector_load %arg5[%parallel_loop3A_413, %parallel_loop3A_414] {strides = array<i32>} : memref<8x2048xf32, #tpu.memory_space<vmem>>, vector<1x16xf32>,
        %parallel_loop3A_416 = vector.shape_cast %parallel_loop3A_415 : vector<1x16xf32> to vector<16xf32>
        %parallel_loop3A_417 = arith.subf %parallel_loop3A_416, %parallel_loop3A_404 : vector<16xf32>
        %parallel_loop3A_418 = arith.constant 6 : i32
        %parallel_loop3A_419 = arith.index_cast %parallel_loop3A_418 : i32 to index
        %parallel_loop3A_420 = arith.index_cast %parallel_loop3A_334 : i32 to index
        %parallel_loop3A_421 = tpu.vector_load %arg9[%parallel_loop3A_419, %parallel_loop3A_420] {strides = array<i32>} : memref<8x2048xf32, #tpu.memory_space<vmem>>, vector<1x16xf32>,
        %parallel_loop3A_422 = vector.shape_cast %parallel_loop3A_421 : vector<1x16xf32> to vector<16xf32>
        %parallel_loop3A_423 = vector.shape_cast %parallel_loop3A_417 : vector<16xf32> to vector<1x16xf32>
        tpu.vector_store %arg9[%parallel_loop3A_419, %parallel_loop3A_420], %parallel_loop3A_423 {strides = array<i32>} : memref<8x2048xf32, #tpu.memory_space<vmem>>, vector<1x16xf32>,
        %parallel_loop3A_424 = arith.constant 7 : i32
        %parallel_loop3A_425 = arith.index_cast %parallel_loop3A_424 : i32 to index
        %parallel_loop3A_426 = arith.index_cast %parallel_loop3A_334 : i32 to index
        %parallel_loop3A_427 = tpu.vector_load %arg5[%parallel_loop3A_425, %parallel_loop3A_426] {strides = array<i32>} : memref<8x2048xf32, #tpu.memory_space<vmem>>, vector<1x16xf32>,
        %parallel_loop3A_428 = vector.shape_cast %parallel_loop3A_427 : vector<1x16xf32> to vector<16xf32>
        %parallel_loop3A_429 = arith.subf %parallel_loop3A_428, %parallel_loop3A_416 : vector<16xf32>
        %parallel_loop3A_430 = arith.constant 7 : i32
        %parallel_loop3A_431 = arith.index_cast %parallel_loop3A_430 : i32 to index
        %parallel_loop3A_432 = arith.index_cast %parallel_loop3A_334 : i32 to index
        %parallel_loop3A_433 = tpu.vector_load %arg9[%parallel_loop3A_431, %parallel_loop3A_432] {strides = array<i32>} : memref<8x2048xf32, #tpu.memory_space<vmem>>, vector<1x16xf32>,
        %parallel_loop3A_434 = vector.shape_cast %parallel_loop3A_433 : vector<1x16xf32> to vector<16xf32>
        %parallel_loop3A_435 = vector.shape_cast %parallel_loop3A_429 : vector<16xf32> to vector<1x16xf32>
        tpu.vector_store %arg9[%parallel_loop3A_431, %parallel_loop3A_432], %parallel_loop3A_435 {strides = array<i32>} : memref<8x2048xf32, #tpu.memory_space<vmem>>, vector<1x16xf32>,
        %parallel_loop3A_436 = arith.constant 7 : i32
        %parallel_loop3A_437 = arith.index_cast %parallel_loop3A_436 : i32 to index
        %parallel_loop3A_438 = arith.index_cast %parallel_loop3A_334 : i32 to index
        %parallel_loop3A_439 = tpu.vector_load %arg10[%parallel_loop3A_437, %parallel_loop3A_438] {strides = array<i32>} : memref<8x2048xf32, #tpu.memory_space<vmem>>, vector<1x16xf32>,
        %parallel_loop3A_440 = vector.shape_cast %parallel_loop3A_439 : vector<1x16xf32> to vector<16xf32>
        %parallel_loop3A_441 = vector.shape_cast %parallel_loop3A_428 : vector<16xf32> to vector<1x16xf32>
        tpu.vector_store %arg10[%parallel_loop3A_437, %parallel_loop3A_438], %parallel_loop3A_441 {strides = array<i32>} : memref<8x2048xf32, #tpu.memory_space<vmem>>, vector<1x16xf32>,
      } {sc.loop_unroll_factor = 1 : i64, sc.parallel_access}
      %mul3A_257 = arith.constant 8 : i32
      %mul3A_258 = arith.muli %add3A_243, %mul3A_257 : i32
      %add3A_259 = arith.addi %add3A_35, %mul3A_258 : i32
      %multiple_of3A_260 = tpu.assume_multiple %add3A_259, 8 : i32
      %dma_start3A_261 = arith.constant 0 : i32
      %dma_start3A_262 = tpu.memref_slice %arg3[%multiple_of3A_260, %dma_start3A_261] : memref<16384x2048xf32, #tpu.memory_space<hbm>> -> memref<8x2048xf32, #tpu.memory_space<hbm>>
      %dma_start3A_263 = arith.constant 0 : i32
      %dma_start3A_264 = tpu.memref_slice %arg3[%multiple_of3A_260, %dma_start3A_263] : memref<16384x2048xf32, #tpu.memory_space<hbm>> -> memref<8x2048xf32, #tpu.memory_space<hbm>>
      tpu.enqueue_dma source(%arg9 : memref<8x2048xf32, #tpu.memory_space<vmem>>) target(%dma_start3A_264 : memref<8x2048xf32, #tpu.memory_space<hbm>>) target_semaphore(%arg16 : memref<!tpu.dma_semaphore, #tpu.memory_space<semaphore_mem>>)
      %add3A_265 = arith.constant 4 : i32
      %add3A_266 = arith.addi %add3A_243, %add3A_265 : i32
      %lt3A_267 = arith.constant 64 : i32
      %lt3A_268 = arith.cmpi slt, %add3A_266, %lt3A_267 : i32
      %convert_element_type3A_269 = arith.extui %lt3A_268 : i1 to i32
      %cond3A_270 = arith.constant 0 : i32
      %cond3A_271 = arith.cmpi ne, %convert_element_type3A_269, %cond3A_270 : i32
      scf.if %cond3A_271 {
        %add3A_332 = arith.constant 4 : i32
        %add3A_333 = arith.addi %add3A_243, %add3A_332 : i32
        %mul3A_334 = arith.constant 8 : i32
        %mul3A_335 = arith.muli %add3A_333, %mul3A_334 : i32
        %add3A_336 = arith.addi %add3A_35, %mul3A_335 : i32
        %multiple_of3A_337 = tpu.assume_multiple %add3A_336, 8 : i32
        %dma_start3A_338 = arith.constant 0 : i32
        %dma_start3A_339 = tpu.memref_slice %arg2[%multiple_of3A_337, %dma_start3A_338] : memref<16384x2048xf32, #tpu.memory_space<hbm>> -> memref<8x2048xf32, #tpu.memory_space<hbm>>
        %dma_start3A_340 = arith.constant 0 : i32
        %dma_start3A_341 = tpu.memref_slice %arg2[%multiple_of3A_337, %dma_start3A_340] : memref<16384x2048xf32, #tpu.memory_space<hbm>> -> memref<8x2048xf32, #tpu.memory_space<hbm>>
        tpu.enqueue_dma source(%dma_start3A_341 : memref<8x2048xf32, #tpu.memory_space<hbm>>) target(%arg5 : memref<8x2048xf32, #tpu.memory_space<vmem>>) target_semaphore(%arg12 : memref<!tpu.dma_semaphore, #tpu.memory_space<semaphore_mem>>)
      } else {
      }
      %add3A_272 = arith.constant 2 : i32
      %add3A_273 = arith.addi %mul3A_213, %add3A_272 : i32
      %dma_wait3A_274 = arith.constant 0 : i32
      %dma_wait3A_275 = arith.constant 0 : i32
      %dma_wait3A_276 = tpu.memref_slice %arg2[%dma_wait3A_274, %dma_wait3A_275] : memref<16384x2048xf32, #tpu.memory_space<hbm>> -> memref<8x2048xf32, #tpu.memory_space<hbm>>
      %dma_wait3A_277 = arith.constant 0 : i32
      %dma_wait3A_278 = arith.constant 0 : i32
      %dma_wait3A_279 = tpu.memref_slice %arg2[%dma_wait3A_277, %dma_wait3A_278] : memref<16384x2048xf32, #tpu.memory_space<hbm>> -> memref<8x2048xf32, #tpu.memory_space<hbm>>
      tpu.wait_dma2 semaphore(%arg13 : memref<!tpu.dma_semaphore, #tpu.memory_space<semaphore_mem>>) src(%dma_wait3A_279 : memref<8x2048xf32, #tpu.memory_space<hbm>>) dst(%arg6 : memref<8x2048xf32, #tpu.memory_space<vmem>>)
      %dma_wait3A_280 = arith.constant 0 : i32
      %dma_wait3A_281 = tpu.memref_slice %arg3[%add3A_35, %dma_wait3A_280] : memref<16384x2048xf32, #tpu.memory_space<hbm>> -> memref<8x2048xf32, #tpu.memory_space<hbm>>
      %dma_wait3A_282 = arith.constant 0 : i32
      %dma_wait3A_283 = tpu.memref_slice %arg3[%add3A_35, %dma_wait3A_282] : memref<16384x2048xf32, #tpu.memory_space<hbm>> -> memref<8x2048xf32, #tpu.memory_space<hbm>>
      tpu.wait_dma2 semaphore(%arg15 : memref<!tpu.dma_semaphore, #tpu.memory_space<semaphore_mem>>) src(%arg8 : memref<8x2048xf32, #tpu.memory_space<vmem>>) dst(%dma_wait3A_283 : memref<8x2048xf32, #tpu.memory_space<hbm>>)
      %parallel_loop3A_284 = arith.constant 0 : i32
      %parallel_loop3A_285 = arith.constant 128 : i32
      %parallel_loop3A_286 = arith.constant 1 : i32
      scf.for %parallel_loop3A_332 = %parallel_loop3A_284 to %parallel_loop3A_285 step %parallel_loop3A_286  : i32 {
        %parallel_loop3A_333 = arith.constant 16 : i32
        %parallel_loop3A_334 = arith.muli %parallel_loop3A_332, %parallel_loop3A_333 : i32
        %parallel_loop3A_335 = arith.constant 7 : i32
        %parallel_loop3A_336 = arith.index_cast %parallel_loop3A_335 : i32 to index
        %parallel_loop3A_337 = arith.index_cast %parallel_loop3A_334 : i32 to index
        %parallel_loop3A_338 = tpu.vector_load %arg10[%parallel_loop3A_336, %parallel_loop3A_337] {strides = array<i32>} : memref<8x2048xf32, #tpu.memory_space<vmem>>, vector<1x16xf32>,
        %parallel_loop3A_339 = vector.shape_cast %parallel_loop3A_338 : vector<1x16xf32> to vector<16xf32>
        %parallel_loop3A_340 = arith.constant 0 : i32
        %parallel_loop3A_341 = arith.index_cast %parallel_loop3A_340 : i32 to index
        %parallel_loop3A_342 = arith.index_cast %parallel_loop3A_334 : i32 to index
        %parallel_loop3A_343 = tpu.vector_load %arg6[%parallel_loop3A_341, %parallel_loop3A_342] {strides = array<i32>} : memref<8x2048xf32, #tpu.memory_space<vmem>>, vector<1x16xf32>,
        %parallel_loop3A_344 = vector.shape_cast %parallel_loop3A_343 : vector<1x16xf32> to vector<16xf32>
        %parallel_loop3A_345 = arith.subf %parallel_loop3A_344, %parallel_loop3A_339 : vector<16xf32>
        %parallel_loop3A_346 = arith.constant 0 : i32
        %parallel_loop3A_347 = arith.index_cast %parallel_loop3A_346 : i32 to index
        %parallel_loop3A_348 = arith.index_cast %parallel_loop3A_334 : i32 to index
        %parallel_loop3A_349 = tpu.vector_load %arg8[%parallel_loop3A_347, %parallel_loop3A_348] {strides = array<i32>} : memref<8x2048xf32, #tpu.memory_space<vmem>>, vector<1x16xf32>,
        %parallel_loop3A_350 = vector.shape_cast %parallel_loop3A_349 : vector<1x16xf32> to vector<16xf32>
        %parallel_loop3A_351 = vector.shape_cast %parallel_loop3A_345 : vector<16xf32> to vector<1x16xf32>
        tpu.vector_store %arg8[%parallel_loop3A_347, %parallel_loop3A_348], %parallel_loop3A_351 {strides = array<i32>} : memref<8x2048xf32, #tpu.memory_space<vmem>>, vector<1x16xf32>,
        %parallel_loop3A_352 = arith.constant 1 : i32
        %parallel_loop3A_353 = arith.index_cast %parallel_loop3A_352 : i32 to index
        %parallel_loop3A_354 = arith.index_cast %parallel_loop3A_334 : i32 to index
        %parallel_loop3A_355 = tpu.vector_load %arg6[%parallel_loop3A_353, %parallel_loop3A_354] {strides = array<i32>} : memref<8x2048xf32, #tpu.memory_space<vmem>>, vector<1x16xf32>,
        %parallel_loop3A_356 = vector.shape_cast %parallel_loop3A_355 : vector<1x16xf32> to vector<16xf32>
        %parallel_loop3A_357 = arith.subf %parallel_loop3A_356, %parallel_loop3A_344 : vector<16xf32>
        %parallel_loop3A_358 = arith.constant 1 : i32
        %parallel_loop3A_359 = arith.index_cast %parallel_loop3A_358 : i32 to index
        %parallel_loop3A_360 = arith.index_cast %parallel_loop3A_334 : i32 to index
        %parallel_loop3A_361 = tpu.vector_load %arg8[%parallel_loop3A_359, %parallel_loop3A_360] {strides = array<i32>} : memref<8x2048xf32, #tpu.memory_space<vmem>>, vector<1x16xf32>,
        %parallel_loop3A_362 = vector.shape_cast %parallel_loop3A_361 : vector<1x16xf32> to vector<16xf32>
        %parallel_loop3A_363 = vector.shape_cast %parallel_loop3A_357 : vector<16xf32> to vector<1x16xf32>
        tpu.vector_store %arg8[%parallel_loop3A_359, %parallel_loop3A_360], %parallel_loop3A_363 {strides = array<i32>} : memref<8x2048xf32, #tpu.memory_space<vmem>>, vector<1x16xf32>,
        %parallel_loop3A_364 = arith.constant 2 : i32
        %parallel_loop3A_365 = arith.index_cast %parallel_loop3A_364 : i32 to index
        %parallel_loop3A_366 = arith.index_cast %parallel_loop3A_334 : i32 to index
        %parallel_loop3A_367 = tpu.vector_load %arg6[%parallel_loop3A_365, %parallel_loop3A_366] {strides = array<i32>} : memref<8x2048xf32, #tpu.memory_space<vmem>>, vector<1x16xf32>,
        %parallel_loop3A_368 = vector.shape_cast %parallel_loop3A_367 : vector<1x16xf32> to vector<16xf32>
        %parallel_loop3A_369 = arith.subf %parallel_loop3A_368, %parallel_loop3A_356 : vector<16xf32>
        %parallel_loop3A_370 = arith.constant 2 : i32
        %parallel_loop3A_371 = arith.index_cast %parallel_loop3A_370 : i32 to index
        %parallel_loop3A_372 = arith.index_cast %parallel_loop3A_334 : i32 to index
        %parallel_loop3A_373 = tpu.vector_load %arg8[%parallel_loop3A_371, %parallel_loop3A_372] {strides = array<i32>} : memref<8x2048xf32, #tpu.memory_space<vmem>>, vector<1x16xf32>,
        %parallel_loop3A_374 = vector.shape_cast %parallel_loop3A_373 : vector<1x16xf32> to vector<16xf32>
        %parallel_loop3A_375 = vector.shape_cast %parallel_loop3A_369 : vector<16xf32> to vector<1x16xf32>
        tpu.vector_store %arg8[%parallel_loop3A_371, %parallel_loop3A_372], %parallel_loop3A_375 {strides = array<i32>} : memref<8x2048xf32, #tpu.memory_space<vmem>>, vector<1x16xf32>,
        %parallel_loop3A_376 = arith.constant 3 : i32
        %parallel_loop3A_377 = arith.index_cast %parallel_loop3A_376 : i32 to index
        %parallel_loop3A_378 = arith.index_cast %parallel_loop3A_334 : i32 to index
        %parallel_loop3A_379 = tpu.vector_load %arg6[%parallel_loop3A_377, %parallel_loop3A_378] {strides = array<i32>} : memref<8x2048xf32, #tpu.memory_space<vmem>>, vector<1x16xf32>,
        %parallel_loop3A_380 = vector.shape_cast %parallel_loop3A_379 : vector<1x16xf32> to vector<16xf32>
        %parallel_loop3A_381 = arith.subf %parallel_loop3A_380, %parallel_loop3A_368 : vector<16xf32>
        %parallel_loop3A_382 = arith.constant 3 : i32
        %parallel_loop3A_383 = arith.index_cast %parallel_loop3A_382 : i32 to index
        %parallel_loop3A_384 = arith.index_cast %parallel_loop3A_334 : i32 to index
        %parallel_loop3A_385 = tpu.vector_load %arg8[%parallel_loop3A_383, %parallel_loop3A_384] {strides = array<i32>} : memref<8x2048xf32, #tpu.memory_space<vmem>>, vector<1x16xf32>,
        %parallel_loop3A_386 = vector.shape_cast %parallel_loop3A_385 : vector<1x16xf32> to vector<16xf32>
        %parallel_loop3A_387 = vector.shape_cast %parallel_loop3A_381 : vector<16xf32> to vector<1x16xf32>
        tpu.vector_store %arg8[%parallel_loop3A_383, %parallel_loop3A_384], %parallel_loop3A_387 {strides = array<i32>} : memref<8x2048xf32, #tpu.memory_space<vmem>>, vector<1x16xf32>,
        %parallel_loop3A_388 = arith.constant 4 : i32
        %parallel_loop3A_389 = arith.index_cast %parallel_loop3A_388 : i32 to index
        %parallel_loop3A_390 = arith.index_cast %parallel_loop3A_334 : i32 to index
        %parallel_loop3A_391 = tpu.vector_load %arg6[%parallel_loop3A_389, %parallel_loop3A_390] {strides = array<i32>} : memref<8x2048xf32, #tpu.memory_space<vmem>>, vector<1x16xf32>,
        %parallel_loop3A_392 = vector.shape_cast %parallel_loop3A_391 : vector<1x16xf32> to vector<16xf32>
        %parallel_loop3A_393 = arith.subf %parallel_loop3A_392, %parallel_loop3A_380 : vector<16xf32>
        %parallel_loop3A_394 = arith.constant 4 : i32
        %parallel_loop3A_395 = arith.index_cast %parallel_loop3A_394 : i32 to index
        %parallel_loop3A_396 = arith.index_cast %parallel_loop3A_334 : i32 to index
        %parallel_loop3A_397 = tpu.vector_load %arg8[%parallel_loop3A_395, %parallel_loop3A_396] {strides = array<i32>} : memref<8x2048xf32, #tpu.memory_space<vmem>>, vector<1x16xf32>,
        %parallel_loop3A_398 = vector.shape_cast %parallel_loop3A_397 : vector<1x16xf32> to vector<16xf32>
        %parallel_loop3A_399 = vector.shape_cast %parallel_loop3A_393 : vector<16xf32> to vector<1x16xf32>
        tpu.vector_store %arg8[%parallel_loop3A_395, %parallel_loop3A_396], %parallel_loop3A_399 {strides = array<i32>} : memref<8x2048xf32, #tpu.memory_space<vmem>>, vector<1x16xf32>,
        %parallel_loop3A_400 = arith.constant 5 : i32
        %parallel_loop3A_401 = arith.index_cast %parallel_loop3A_400 : i32 to index
        %parallel_loop3A_402 = arith.index_cast %parallel_loop3A_334 : i32 to index
        %parallel_loop3A_403 = tpu.vector_load %arg6[%parallel_loop3A_401, %parallel_loop3A_402] {strides = array<i32>} : memref<8x2048xf32, #tpu.memory_space<vmem>>, vector<1x16xf32>,
        %parallel_loop3A_404 = vector.shape_cast %parallel_loop3A_403 : vector<1x16xf32> to vector<16xf32>
        %parallel_loop3A_405 = arith.subf %parallel_loop3A_404, %parallel_loop3A_392 : vector<16xf32>
        %parallel_loop3A_406 = arith.constant 5 : i32
        %parallel_loop3A_407 = arith.index_cast %parallel_loop3A_406 : i32 to index
        %parallel_loop3A_408 = arith.index_cast %parallel_loop3A_334 : i32 to index
        %parallel_loop3A_409 = tpu.vector_load %arg8[%parallel_loop3A_407, %parallel_loop3A_408] {strides = array<i32>} : memref<8x2048xf32, #tpu.memory_space<vmem>>, vector<1x16xf32>,
        %parallel_loop3A_410 = vector.shape_cast %parallel_loop3A_409 : vector<1x16xf32> to vector<16xf32>
        %parallel_loop3A_411 = vector.shape_cast %parallel_loop3A_405 : vector<16xf32> to vector<1x16xf32>
        tpu.vector_store %arg8[%parallel_loop3A_407, %parallel_loop3A_408], %parallel_loop3A_411 {strides = array<i32>} : memref<8x2048xf32, #tpu.memory_space<vmem>>, vector<1x16xf32>,
        %parallel_loop3A_412 = arith.constant 6 : i32
        %parallel_loop3A_413 = arith.index_cast %parallel_loop3A_412 : i32 to index
        %parallel_loop3A_414 = arith.index_cast %parallel_loop3A_334 : i32 to index
        %parallel_loop3A_415 = tpu.vector_load %arg6[%parallel_loop3A_413, %parallel_loop3A_414] {strides = array<i32>} : memref<8x2048xf32, #tpu.memory_space<vmem>>, vector<1x16xf32>,
        %parallel_loop3A_416 = vector.shape_cast %parallel_loop3A_415 : vector<1x16xf32> to vector<16xf32>
        %parallel_loop3A_417 = arith.subf %parallel_loop3A_416, %parallel_loop3A_404 : vector<16xf32>
        %parallel_loop3A_418 = arith.constant 6 : i32
        %parallel_loop3A_419 = arith.index_cast %parallel_loop3A_418 : i32 to index
        %parallel_loop3A_420 = arith.index_cast %parallel_loop3A_334 : i32 to index
        %parallel_loop3A_421 = tpu.vector_load %arg8[%parallel_loop3A_419, %parallel_loop3A_420] {strides = array<i32>} : memref<8x2048xf32, #tpu.memory_space<vmem>>, vector<1x16xf32>,
        %parallel_loop3A_422 = vector.shape_cast %parallel_loop3A_421 : vector<1x16xf32> to vector<16xf32>
        %parallel_loop3A_423 = vector.shape_cast %parallel_loop3A_417 : vector<16xf32> to vector<1x16xf32>
        tpu.vector_store %arg8[%parallel_loop3A_419, %parallel_loop3A_420], %parallel_loop3A_423 {strides = array<i32>} : memref<8x2048xf32, #tpu.memory_space<vmem>>, vector<1x16xf32>,
        %parallel_loop3A_424 = arith.constant 7 : i32
        %parallel_loop3A_425 = arith.index_cast %parallel_loop3A_424 : i32 to index
        %parallel_loop3A_426 = arith.index_cast %parallel_loop3A_334 : i32 to index
        %parallel_loop3A_427 = tpu.vector_load %arg6[%parallel_loop3A_425, %parallel_loop3A_426] {strides = array<i32>} : memref<8x2048xf32, #tpu.memory_space<vmem>>, vector<1x16xf32>,
        %parallel_loop3A_428 = vector.shape_cast %parallel_loop3A_427 : vector<1x16xf32> to vector<16xf32>
        %parallel_loop3A_429 = arith.subf %parallel_loop3A_428, %parallel_loop3A_416 : vector<16xf32>
        %parallel_loop3A_430 = arith.constant 7 : i32
        %parallel_loop3A_431 = arith.index_cast %parallel_loop3A_430 : i32 to index
        %parallel_loop3A_432 = arith.index_cast %parallel_loop3A_334 : i32 to index
        %parallel_loop3A_433 = tpu.vector_load %arg8[%parallel_loop3A_431, %parallel_loop3A_432] {strides = array<i32>} : memref<8x2048xf32, #tpu.memory_space<vmem>>, vector<1x16xf32>,
        %parallel_loop3A_434 = vector.shape_cast %parallel_loop3A_433 : vector<1x16xf32> to vector<16xf32>
        %parallel_loop3A_435 = vector.shape_cast %parallel_loop3A_429 : vector<16xf32> to vector<1x16xf32>
        tpu.vector_store %arg8[%parallel_loop3A_431, %parallel_loop3A_432], %parallel_loop3A_435 {strides = array<i32>} : memref<8x2048xf32, #tpu.memory_space<vmem>>, vector<1x16xf32>,
        %parallel_loop3A_436 = arith.constant 7 : i32
        %parallel_loop3A_437 = arith.index_cast %parallel_loop3A_436 : i32 to index
        %parallel_loop3A_438 = arith.index_cast %parallel_loop3A_334 : i32 to index
        %parallel_loop3A_439 = tpu.vector_load %arg10[%parallel_loop3A_437, %parallel_loop3A_438] {strides = array<i32>} : memref<8x2048xf32, #tpu.memory_space<vmem>>, vector<1x16xf32>,
        %parallel_loop3A_440 = vector.shape_cast %parallel_loop3A_439 : vector<1x16xf32> to vector<16xf32>
        %parallel_loop3A_441 = vector.shape_cast %parallel_loop3A_428 : vector<16xf32> to vector<1x16xf32>
        tpu.vector_store %arg10[%parallel_loop3A_437, %parallel_loop3A_438], %parallel_loop3A_441 {strides = array<i32>} : memref<8x2048xf32, #tpu.memory_space<vmem>>, vector<1x16xf32>,
      } {sc.loop_unroll_factor = 1 : i64, sc.parallel_access}
      %mul3A_287 = arith.constant 8 : i32
      %mul3A_288 = arith.muli %add3A_273, %mul3A_287 : i32
      %add3A_289 = arith.addi %add3A_35, %mul3A_288 : i32
      %multiple_of3A_290 = tpu.assume_multiple %add3A_289, 8 : i32
      %dma_start3A_291 = arith.constant 0 : i32
      %dma_start3A_292 = tpu.memref_slice %arg3[%multiple_of3A_290, %dma_start3A_291] : memref<16384x2048xf32, #tpu.memory_space<hbm>> -> memref<8x2048xf32, #tpu.memory_space<hbm>>
      %dma_start3A_293 = arith.constant 0 : i32
      %dma_start3A_294 = tpu.memref_slice %arg3[%multiple_of3A_290, %dma_start3A_293] : memref<16384x2048xf32, #tpu.memory_space<hbm>> -> memref<8x2048xf32, #tpu.memory_space<hbm>>
      tpu.enqueue_dma source(%arg8 : memref<8x2048xf32, #tpu.memory_space<vmem>>) target(%dma_start3A_294 : memref<8x2048xf32, #tpu.memory_space<hbm>>) target_semaphore(%arg15 : memref<!tpu.dma_semaphore, #tpu.memory_space<semaphore_mem>>)
      %add3A_295 = arith.constant 4 : i32
      %add3A_296 = arith.addi %add3A_273, %add3A_295 : i32
      %lt3A_297 = arith.constant 64 : i32
      %lt3A_298 = arith.cmpi slt, %add3A_296, %lt3A_297 : i32
      %convert_element_type3A_299 = arith.extui %lt3A_298 : i1 to i32
      %cond3A_300 = arith.constant 0 : i32
      %cond3A_301 = arith.cmpi ne, %convert_element_type3A_299, %cond3A_300 : i32
      scf.if %cond3A_301 {
        %add3A_332 = arith.constant 4 : i32
        %add3A_333 = arith.addi %add3A_273, %add3A_332 : i32
        %mul3A_334 = arith.constant 8 : i32
        %mul3A_335 = arith.muli %add3A_333, %mul3A_334 : i32
        %add3A_336 = arith.addi %add3A_35, %mul3A_335 : i32
        %multiple_of3A_337 = tpu.assume_multiple %add3A_336, 8 : i32
        %dma_start3A_338 = arith.constant 0 : i32
        %dma_start3A_339 = tpu.memref_slice %arg2[%multiple_of3A_337, %dma_start3A_338] : memref<16384x2048xf32, #tpu.memory_space<hbm>> -> memref<8x2048xf32, #tpu.memory_space<hbm>>
        %dma_start3A_340 = arith.constant 0 : i32
        %dma_start3A_341 = tpu.memref_slice %arg2[%multiple_of3A_337, %dma_start3A_340] : memref<16384x2048xf32, #tpu.memory_space<hbm>> -> memref<8x2048xf32, #tpu.memory_space<hbm>>
        tpu.enqueue_dma source(%dma_start3A_341 : memref<8x2048xf32, #tpu.memory_space<hbm>>) target(%arg6 : memref<8x2048xf32, #tpu.memory_space<vmem>>) target_semaphore(%arg13 : memref<!tpu.dma_semaphore, #tpu.memory_space<semaphore_mem>>)
      } else {
      }
      %add3A_302 = arith.constant 3 : i32
      %add3A_303 = arith.addi %mul3A_213, %add3A_302 : i32
      %dma_wait3A_304 = arith.constant 0 : i32
      %dma_wait3A_305 = arith.constant 0 : i32
      %dma_wait3A_306 = tpu.memref_slice %arg2[%dma_wait3A_304, %dma_wait3A_305] : memref<16384x2048xf32, #tpu.memory_space<hbm>> -> memref<8x2048xf32, #tpu.memory_space<hbm>>
      %dma_wait3A_307 = arith.constant 0 : i32
      %dma_wait3A_308 = arith.constant 0 : i32
      %dma_wait3A_309 = tpu.memref_slice %arg2[%dma_wait3A_307, %dma_wait3A_308] : memref<16384x2048xf32, #tpu.memory_space<hbm>> -> memref<8x2048xf32, #tpu.memory_space<hbm>>
      tpu.wait_dma2 semaphore(%arg14 : memref<!tpu.dma_semaphore, #tpu.memory_space<semaphore_mem>>) src(%dma_wait3A_309 : memref<8x2048xf32, #tpu.memory_space<hbm>>) dst(%arg7 : memref<8x2048xf32, #tpu.memory_space<vmem>>)
      %dma_wait3A_310 = arith.constant 0 : i32
      %dma_wait3A_311 = tpu.memref_slice %arg3[%add3A_35, %dma_wait3A_310] : memref<16384x2048xf32, #tpu.memory_space<hbm>> -> memref<8x2048xf32, #tpu.memory_space<hbm>>
      %dma_wait3A_312 = arith.constant 0 : i32
      %dma_wait3A_313 = tpu.memref_slice %arg3[%add3A_35, %dma_wait3A_312] : memref<16384x2048xf32, #tpu.memory_space<hbm>> -> memref<8x2048xf32, #tpu.memory_space<hbm>>
      tpu.wait_dma2 semaphore(%arg16 : memref<!tpu.dma_semaphore, #tpu.memory_space<semaphore_mem>>) src(%arg9 : memref<8x2048xf32, #tpu.memory_space<vmem>>) dst(%dma_wait3A_313 : memref<8x2048xf32, #tpu.memory_space<hbm>>)
      %parallel_loop3A_314 = arith.constant 0 : i32
      %parallel_loop3A_315 = arith.constant 128 : i32
      %parallel_loop3A_316 = arith.constant 1 : i32
      scf.for %parallel_loop3A_332 = %parallel_loop3A_314 to %parallel_loop3A_315 step %parallel_loop3A_316  : i32 {
        %parallel_loop3A_333 = arith.constant 16 : i32
        %parallel_loop3A_334 = arith.muli %parallel_loop3A_332, %parallel_loop3A_333 : i32
        %parallel_loop3A_335 = arith.constant 7 : i32
        %parallel_loop3A_336 = arith.index_cast %parallel_loop3A_335 : i32 to index
        %parallel_loop3A_337 = arith.index_cast %parallel_loop3A_334 : i32 to index
        %parallel_loop3A_338 = tpu.vector_load %arg10[%parallel_loop3A_336, %parallel_loop3A_337] {strides = array<i32>} : memref<8x2048xf32, #tpu.memory_space<vmem>>, vector<1x16xf32>,
        %parallel_loop3A_339 = vector.shape_cast %parallel_loop3A_338 : vector<1x16xf32> to vector<16xf32>
        %parallel_loop3A_340 = arith.constant 0 : i32
        %parallel_loop3A_341 = arith.index_cast %parallel_loop3A_340 : i32 to index
        %parallel_loop3A_342 = arith.index_cast %parallel_loop3A_334 : i32 to index
        %parallel_loop3A_343 = tpu.vector_load %arg7[%parallel_loop3A_341, %parallel_loop3A_342] {strides = array<i32>} : memref<8x2048xf32, #tpu.memory_space<vmem>>, vector<1x16xf32>,
        %parallel_loop3A_344 = vector.shape_cast %parallel_loop3A_343 : vector<1x16xf32> to vector<16xf32>
        %parallel_loop3A_345 = arith.subf %parallel_loop3A_344, %parallel_loop3A_339 : vector<16xf32>
        %parallel_loop3A_346 = arith.constant 0 : i32
        %parallel_loop3A_347 = arith.index_cast %parallel_loop3A_346 : i32 to index
        %parallel_loop3A_348 = arith.index_cast %parallel_loop3A_334 : i32 to index
        %parallel_loop3A_349 = tpu.vector_load %arg9[%parallel_loop3A_347, %parallel_loop3A_348] {strides = array<i32>} : memref<8x2048xf32, #tpu.memory_space<vmem>>, vector<1x16xf32>,
        %parallel_loop3A_350 = vector.shape_cast %parallel_loop3A_349 : vector<1x16xf32> to vector<16xf32>
        %parallel_loop3A_351 = vector.shape_cast %parallel_loop3A_345 : vector<16xf32> to vector<1x16xf32>
        tpu.vector_store %arg9[%parallel_loop3A_347, %parallel_loop3A_348], %parallel_loop3A_351 {strides = array<i32>} : memref<8x2048xf32, #tpu.memory_space<vmem>>, vector<1x16xf32>,
        %parallel_loop3A_352 = arith.constant 1 : i32
        %parallel_loop3A_353 = arith.index_cast %parallel_loop3A_352 : i32 to index
        %parallel_loop3A_354 = arith.index_cast %parallel_loop3A_334 : i32 to index
        %parallel_loop3A_355 = tpu.vector_load %arg7[%parallel_loop3A_353, %parallel_loop3A_354] {strides = array<i32>} : memref<8x2048xf32, #tpu.memory_space<vmem>>, vector<1x16xf32>,
        %parallel_loop3A_356 = vector.shape_cast %parallel_loop3A_355 : vector<1x16xf32> to vector<16xf32>
        %parallel_loop3A_357 = arith.subf %parallel_loop3A_356, %parallel_loop3A_344 : vector<16xf32>
        %parallel_loop3A_358 = arith.constant 1 : i32
        %parallel_loop3A_359 = arith.index_cast %parallel_loop3A_358 : i32 to index
        %parallel_loop3A_360 = arith.index_cast %parallel_loop3A_334 : i32 to index
        %parallel_loop3A_361 = tpu.vector_load %arg9[%parallel_loop3A_359, %parallel_loop3A_360] {strides = array<i32>} : memref<8x2048xf32, #tpu.memory_space<vmem>>, vector<1x16xf32>,
        %parallel_loop3A_362 = vector.shape_cast %parallel_loop3A_361 : vector<1x16xf32> to vector<16xf32>
        %parallel_loop3A_363 = vector.shape_cast %parallel_loop3A_357 : vector<16xf32> to vector<1x16xf32>
        tpu.vector_store %arg9[%parallel_loop3A_359, %parallel_loop3A_360], %parallel_loop3A_363 {strides = array<i32>} : memref<8x2048xf32, #tpu.memory_space<vmem>>, vector<1x16xf32>,
        %parallel_loop3A_364 = arith.constant 2 : i32
        %parallel_loop3A_365 = arith.index_cast %parallel_loop3A_364 : i32 to index
        %parallel_loop3A_366 = arith.index_cast %parallel_loop3A_334 : i32 to index
        %parallel_loop3A_367 = tpu.vector_load %arg7[%parallel_loop3A_365, %parallel_loop3A_366] {strides = array<i32>} : memref<8x2048xf32, #tpu.memory_space<vmem>>, vector<1x16xf32>,
        %parallel_loop3A_368 = vector.shape_cast %parallel_loop3A_367 : vector<1x16xf32> to vector<16xf32>
        %parallel_loop3A_369 = arith.subf %parallel_loop3A_368, %parallel_loop3A_356 : vector<16xf32>
        %parallel_loop3A_370 = arith.constant 2 : i32
        %parallel_loop3A_371 = arith.index_cast %parallel_loop3A_370 : i32 to index
        %parallel_loop3A_372 = arith.index_cast %parallel_loop3A_334 : i32 to index
        %parallel_loop3A_373 = tpu.vector_load %arg9[%parallel_loop3A_371, %parallel_loop3A_372] {strides = array<i32>} : memref<8x2048xf32, #tpu.memory_space<vmem>>, vector<1x16xf32>,
        %parallel_loop3A_374 = vector.shape_cast %parallel_loop3A_373 : vector<1x16xf32> to vector<16xf32>
        %parallel_loop3A_375 = vector.shape_cast %parallel_loop3A_369 : vector<16xf32> to vector<1x16xf32>
        tpu.vector_store %arg9[%parallel_loop3A_371, %parallel_loop3A_372], %parallel_loop3A_375 {strides = array<i32>} : memref<8x2048xf32, #tpu.memory_space<vmem>>, vector<1x16xf32>,
        %parallel_loop3A_376 = arith.constant 3 : i32
        %parallel_loop3A_377 = arith.index_cast %parallel_loop3A_376 : i32 to index
        %parallel_loop3A_378 = arith.index_cast %parallel_loop3A_334 : i32 to index
        %parallel_loop3A_379 = tpu.vector_load %arg7[%parallel_loop3A_377, %parallel_loop3A_378] {strides = array<i32>} : memref<8x2048xf32, #tpu.memory_space<vmem>>, vector<1x16xf32>,
        %parallel_loop3A_380 = vector.shape_cast %parallel_loop3A_379 : vector<1x16xf32> to vector<16xf32>
        %parallel_loop3A_381 = arith.subf %parallel_loop3A_380, %parallel_loop3A_368 : vector<16xf32>
        %parallel_loop3A_382 = arith.constant 3 : i32
        %parallel_loop3A_383 = arith.index_cast %parallel_loop3A_382 : i32 to index
        %parallel_loop3A_384 = arith.index_cast %parallel_loop3A_334 : i32 to index
        %parallel_loop3A_385 = tpu.vector_load %arg9[%parallel_loop3A_383, %parallel_loop3A_384] {strides = array<i32>} : memref<8x2048xf32, #tpu.memory_space<vmem>>, vector<1x16xf32>,
        %parallel_loop3A_386 = vector.shape_cast %parallel_loop3A_385 : vector<1x16xf32> to vector<16xf32>
        %parallel_loop3A_387 = vector.shape_cast %parallel_loop3A_381 : vector<16xf32> to vector<1x16xf32>
        tpu.vector_store %arg9[%parallel_loop3A_383, %parallel_loop3A_384], %parallel_loop3A_387 {strides = array<i32>} : memref<8x2048xf32, #tpu.memory_space<vmem>>, vector<1x16xf32>,
        %parallel_loop3A_388 = arith.constant 4 : i32
        %parallel_loop3A_389 = arith.index_cast %parallel_loop3A_388 : i32 to index
        %parallel_loop3A_390 = arith.index_cast %parallel_loop3A_334 : i32 to index
        %parallel_loop3A_391 = tpu.vector_load %arg7[%parallel_loop3A_389, %parallel_loop3A_390] {strides = array<i32>} : memref<8x2048xf32, #tpu.memory_space<vmem>>, vector<1x16xf32>,
        %parallel_loop3A_392 = vector.shape_cast %parallel_loop3A_391 : vector<1x16xf32> to vector<16xf32>
        %parallel_loop3A_393 = arith.subf %parallel_loop3A_392, %parallel_loop3A_380 : vector<16xf32>
        %parallel_loop3A_394 = arith.constant 4 : i32
        %parallel_loop3A_395 = arith.index_cast %parallel_loop3A_394 : i32 to index
        %parallel_loop3A_396 = arith.index_cast %parallel_loop3A_334 : i32 to index
        %parallel_loop3A_397 = tpu.vector_load %arg9[%parallel_loop3A_395, %parallel_loop3A_396] {strides = array<i32>} : memref<8x2048xf32, #tpu.memory_space<vmem>>, vector<1x16xf32>,
        %parallel_loop3A_398 = vector.shape_cast %parallel_loop3A_397 : vector<1x16xf32> to vector<16xf32>
        %parallel_loop3A_399 = vector.shape_cast %parallel_loop3A_393 : vector<16xf32> to vector<1x16xf32>
        tpu.vector_store %arg9[%parallel_loop3A_395, %parallel_loop3A_396], %parallel_loop3A_399 {strides = array<i32>} : memref<8x2048xf32, #tpu.memory_space<vmem>>, vector<1x16xf32>,
        %parallel_loop3A_400 = arith.constant 5 : i32
        %parallel_loop3A_401 = arith.index_cast %parallel_loop3A_400 : i32 to index
        %parallel_loop3A_402 = arith.index_cast %parallel_loop3A_334 : i32 to index
        %parallel_loop3A_403 = tpu.vector_load %arg7[%parallel_loop3A_401, %parallel_loop3A_402] {strides = array<i32>} : memref<8x2048xf32, #tpu.memory_space<vmem>>, vector<1x16xf32>,
        %parallel_loop3A_404 = vector.shape_cast %parallel_loop3A_403 : vector<1x16xf32> to vector<16xf32>
        %parallel_loop3A_405 = arith.subf %parallel_loop3A_404, %parallel_loop3A_392 : vector<16xf32>
        %parallel_loop3A_406 = arith.constant 5 : i32
        %parallel_loop3A_407 = arith.index_cast %parallel_loop3A_406 : i32 to index
        %parallel_loop3A_408 = arith.index_cast %parallel_loop3A_334 : i32 to index
        %parallel_loop3A_409 = tpu.vector_load %arg9[%parallel_loop3A_407, %parallel_loop3A_408] {strides = array<i32>} : memref<8x2048xf32, #tpu.memory_space<vmem>>, vector<1x16xf32>,
        %parallel_loop3A_410 = vector.shape_cast %parallel_loop3A_409 : vector<1x16xf32> to vector<16xf32>
        %parallel_loop3A_411 = vector.shape_cast %parallel_loop3A_405 : vector<16xf32> to vector<1x16xf32>
        tpu.vector_store %arg9[%parallel_loop3A_407, %parallel_loop3A_408], %parallel_loop3A_411 {strides = array<i32>} : memref<8x2048xf32, #tpu.memory_space<vmem>>, vector<1x16xf32>,
        %parallel_loop3A_412 = arith.constant 6 : i32
        %parallel_loop3A_413 = arith.index_cast %parallel_loop3A_412 : i32 to index
        %parallel_loop3A_414 = arith.index_cast %parallel_loop3A_334 : i32 to index
        %parallel_loop3A_415 = tpu.vector_load %arg7[%parallel_loop3A_413, %parallel_loop3A_414] {strides = array<i32>} : memref<8x2048xf32, #tpu.memory_space<vmem>>, vector<1x16xf32>,
        %parallel_loop3A_416 = vector.shape_cast %parallel_loop3A_415 : vector<1x16xf32> to vector<16xf32>
        %parallel_loop3A_417 = arith.subf %parallel_loop3A_416, %parallel_loop3A_404 : vector<16xf32>
        %parallel_loop3A_418 = arith.constant 6 : i32
        %parallel_loop3A_419 = arith.index_cast %parallel_loop3A_418 : i32 to index
        %parallel_loop3A_420 = arith.index_cast %parallel_loop3A_334 : i32 to index
        %parallel_loop3A_421 = tpu.vector_load %arg9[%parallel_loop3A_419, %parallel_loop3A_420] {strides = array<i32>} : memref<8x2048xf32, #tpu.memory_space<vmem>>, vector<1x16xf32>,
        %parallel_loop3A_422 = vector.shape_cast %parallel_loop3A_421 : vector<1x16xf32> to vector<16xf32>
        %parallel_loop3A_423 = vector.shape_cast %parallel_loop3A_417 : vector<16xf32> to vector<1x16xf32>
        tpu.vector_store %arg9[%parallel_loop3A_419, %parallel_loop3A_420], %parallel_loop3A_423 {strides = array<i32>} : memref<8x2048xf32, #tpu.memory_space<vmem>>, vector<1x16xf32>,
        %parallel_loop3A_424 = arith.constant 7 : i32
        %parallel_loop3A_425 = arith.index_cast %parallel_loop3A_424 : i32 to index
        %parallel_loop3A_426 = arith.index_cast %parallel_loop3A_334 : i32 to index
        %parallel_loop3A_427 = tpu.vector_load %arg7[%parallel_loop3A_425, %parallel_loop3A_426] {strides = array<i32>} : memref<8x2048xf32, #tpu.memory_space<vmem>>, vector<1x16xf32>,
        %parallel_loop3A_428 = vector.shape_cast %parallel_loop3A_427 : vector<1x16xf32> to vector<16xf32>
        %parallel_loop3A_429 = arith.subf %parallel_loop3A_428, %parallel_loop3A_416 : vector<16xf32>
        %parallel_loop3A_430 = arith.constant 7 : i32
        %parallel_loop3A_431 = arith.index_cast %parallel_loop3A_430 : i32 to index
        %parallel_loop3A_432 = arith.index_cast %parallel_loop3A_334 : i32 to index
        %parallel_loop3A_433 = tpu.vector_load %arg9[%parallel_loop3A_431, %parallel_loop3A_432] {strides = array<i32>} : memref<8x2048xf32, #tpu.memory_space<vmem>>, vector<1x16xf32>,
        %parallel_loop3A_434 = vector.shape_cast %parallel_loop3A_433 : vector<1x16xf32> to vector<16xf32>
        %parallel_loop3A_435 = vector.shape_cast %parallel_loop3A_429 : vector<16xf32> to vector<1x16xf32>
        tpu.vector_store %arg9[%parallel_loop3A_431, %parallel_loop3A_432], %parallel_loop3A_435 {strides = array<i32>} : memref<8x2048xf32, #tpu.memory_space<vmem>>, vector<1x16xf32>,
        %parallel_loop3A_436 = arith.constant 7 : i32
        %parallel_loop3A_437 = arith.index_cast %parallel_loop3A_436 : i32 to index
        %parallel_loop3A_438 = arith.index_cast %parallel_loop3A_334 : i32 to index
        %parallel_loop3A_439 = tpu.vector_load %arg10[%parallel_loop3A_437, %parallel_loop3A_438] {strides = array<i32>} : memref<8x2048xf32, #tpu.memory_space<vmem>>, vector<1x16xf32>,
        %parallel_loop3A_440 = vector.shape_cast %parallel_loop3A_439 : vector<1x16xf32> to vector<16xf32>
        %parallel_loop3A_441 = vector.shape_cast %parallel_loop3A_428 : vector<16xf32> to vector<1x16xf32>
        tpu.vector_store %arg10[%parallel_loop3A_437, %parallel_loop3A_438], %parallel_loop3A_441 {strides = array<i32>} : memref<8x2048xf32, #tpu.memory_space<vmem>>, vector<1x16xf32>,
      } {sc.loop_unroll_factor = 1 : i64, sc.parallel_access}
      %mul3A_317 = arith.constant 8 : i32
      %mul3A_318 = arith.muli %add3A_303, %mul3A_317 : i32
      %add3A_319 = arith.addi %add3A_35, %mul3A_318 : i32
      %multiple_of3A_320 = tpu.assume_multiple %add3A_319, 8 : i32
      %dma_start3A_321 = arith.constant 0 : i32
      %dma_start3A_322 = tpu.memref_slice %arg3[%multiple_of3A_320, %dma_start3A_321] : memref<16384x2048xf32, #tpu.memory_space<hbm>> -> memref<8x2048xf32, #tpu.memory_space<hbm>>
      %dma_start3A_323 = arith.constant 0 : i32
      %dma_start3A_324 = tpu.memref_slice %arg3[%multiple_of3A_320, %dma_start3A_323] : memref<16384x2048xf32, #tpu.memory_space<hbm>> -> memref<8x2048xf32, #tpu.memory_space<hbm>>
      tpu.enqueue_dma source(%arg9 : memref<8x2048xf32, #tpu.memory_space<vmem>>) target(%dma_start3A_324 : memref<8x2048xf32, #tpu.memory_space<hbm>>) target_semaphore(%arg16 : memref<!tpu.dma_semaphore, #tpu.memory_space<semaphore_mem>>)
      %add3A_325 = arith.constant 4 : i32
      %add3A_326 = arith.addi %add3A_303, %add3A_325 : i32
      %lt3A_327 = arith.constant 64 : i32
      %lt3A_328 = arith.cmpi slt, %add3A_326, %lt3A_327 : i32
      %convert_element_type3A_329 = arith.extui %lt3A_328 : i1 to i32
      %cond3A_330 = arith.constant 0 : i32
      %cond3A_331 = arith.cmpi ne, %convert_element_type3A_329, %cond3A_330 : i32
      scf.if %cond3A_331 {
        %add3A_332 = arith.constant 4 : i32
        %add3A_333 = arith.addi %add3A_303, %add3A_332 : i32
        %mul3A_334 = arith.constant 8 : i32
        %mul3A_335 = arith.muli %add3A_333, %mul3A_334 : i32
        %add3A_336 = arith.addi %add3A_35, %mul3A_335 : i32
        %multiple_of3A_337 = tpu.assume_multiple %add3A_336, 8 : i32
        %dma_start3A_338 = arith.constant 0 : i32
        %dma_start3A_339 = tpu.memref_slice %arg2[%multiple_of3A_337, %dma_start3A_338] : memref<16384x2048xf32, #tpu.memory_space<hbm>> -> memref<8x2048xf32, #tpu.memory_space<hbm>>
        %dma_start3A_340 = arith.constant 0 : i32
        %dma_start3A_341 = tpu.memref_slice %arg2[%multiple_of3A_337, %dma_start3A_340] : memref<16384x2048xf32, #tpu.memory_space<hbm>> -> memref<8x2048xf32, #tpu.memory_space<hbm>>
        tpu.enqueue_dma source(%dma_start3A_341 : memref<8x2048xf32, #tpu.memory_space<hbm>>) target(%arg7 : memref<8x2048xf32, #tpu.memory_space<vmem>>) target_semaphore(%arg14 : memref<!tpu.dma_semaphore, #tpu.memory_space<semaphore_mem>>)
      } else {
      }
    }
    %scan3A_202 = arith.constant 15 : i32
    %dma_wait3A_203 = arith.constant 0 : i32
    %dma_wait3A_204 = tpu.memref_slice %arg3[%add3A_35, %dma_wait3A_203] : memref<16384x2048xf32, #tpu.memory_space<hbm>> -> memref<8x2048xf32, #tpu.memory_space<hbm>>
    %dma_wait3A_205 = arith.constant 0 : i32
    %dma_wait3A_206 = tpu.memref_slice %arg3[%add3A_35, %dma_wait3A_205] : memref<16384x2048xf32, #tpu.memory_space<hbm>> -> memref<8x2048xf32, #tpu.memory_space<hbm>>
    tpu.wait_dma2 semaphore(%arg15 : memref<!tpu.dma_semaphore, #tpu.memory_space<semaphore_mem>>) src(%arg8 : memref<8x2048xf32, #tpu.memory_space<vmem>>) dst(%dma_wait3A_206 : memref<8x2048xf32, #tpu.memory_space<hbm>>)
    %dma_wait3A_207 = arith.constant 0 : i32
    %dma_wait3A_208 = tpu.memref_slice %arg3[%add3A_35, %dma_wait3A_207] : memref<16384x2048xf32, #tpu.memory_space<hbm>> -> memref<8x2048xf32, #tpu.memory_space<hbm>>
    %dma_wait3A_209 = arith.constant 0 : i32
    %dma_wait3A_210 = tpu.memref_slice %arg3[%add3A_35, %dma_wait3A_209] : memref<16384x2048xf32, #tpu.memory_space<hbm>> -> memref<8x2048xf32, #tpu.memory_space<hbm>>
    tpu.wait_dma2 semaphore(%arg16 : memref<!tpu.dma_semaphore, #tpu.memory_space<semaphore_mem>>) src(%arg9 : memref<8x2048xf32, #tpu.memory_space<vmem>>) dst(%dma_wait3A_210 : memref<8x2048xf32, #tpu.memory_space<hbm>>)
    return
  }
}

</mosaic_0001>

<sc_bundles>
// kernel: kernel.3.cloned.1.call-start
scs
__scs_entry_jumppad:
0x0: {  	(pc) =	sbr.rel $0x88, $3  }
0x1: {  	(tag) =	ssettag $0x0;
	lr =	simm.s32 $0x1  }
0x2: {  	[smem:$0x3FA0] =	sst lr;
	_ =	strace $0xD0000000  }
0x3: {  	_ = 	snop  }
0x4: {  	_ = 	snop  }
0x5: {  	_ = 	snop  }
0x6: {  	_ = 	snop  }
0x7: {  	_ = 	snop  }
__scs_overlays_trampoline_lowered:
0x8: {  	[smem:$0x3FAF] =	sst s0  }
0x9: {  	[smem:$0x3FB0] =	sst s1  }
0xa: {  	[smem:$0x3FB1] =	sst s2  }
0xb: {  	[smem:$0x3FB2] =	sst s3  }
0xc: {  	[smem:$0x3FB3] =	sst s4  }
0xd: {  	[smem:$0x3FB4] =	sst s5  }
0xe: {  	[smem:$0x3FB5] =	sst s6  }
0xf: {  	[smem:$0x3FB6] =	sst s7  }
0x10: {  	[smem:$0x3FB7] =	sst s8  }
0x11: {  	[smem:$0x3FB8] =	sst s9;
	s0 =	simm.s32 @!p0 $0x0  }
0x12: {  	s1 =	sld [smem:$0x3F9E];
	s0 =	simm.s32 @p0 $0x1  }
0x13: {  	[smem:$0x3FB9] =	sst s0;
	s0 =	simm.s32 @!p1 $0x0  }
0x14: {  	s2 =	sld [smem:$0x3F9D];
	s0 =	simm.s32 @p1 $0x1  }
0x15: {  	[smem:$0x3FBA] =	sst s0;
	s0 =	simm.s32 @!p2 $0x0  }
0x16: {  	s3 =	sld [smem:$0x3FDB];
	s0 =	simm.s32 @p2 $0x1  }
0x17: {  	s4 =	simm.s32 $0x1BF5;
	[smem:$0x3FBC] =	sst s0  }
0x18: {  	s0 =	sld [smem:$0x3F9F];
	_ =	swait.ge [sflag:s4], $0x0  }
0x19: {  	s7 =	sld [smem:$0x3FA0]  }
0x1a: {  	s8 =	sadd.s32 $0xFFFFE003, lr  }
0x1b: {  	s9 =	sadd.s32 $0xFFFFFEF7, lr;
	s5 =	simm.s32 $0xFFFFFFFF;
	p2 =	slt.u32 s8, $0xFFFFF086  }
0x1c: {  	p1 =	slt.u32 s9, $0xF7A;
	s5 =	simm.s32 @!p2 $0x0  }
0x1d: {  	s5 =	simm.s32 @p1 $0x1;
	p0 =	seq.s32 s7, s2  }
0x1e: {  	s7 =	smul.u32 @!p0 $0xF7A, s2;
	p2 =	seq.s32 @!p0 s5, $0x0  }
0x1f: {  	s9 =	smul.u32 $0xF7A, s1;
	s8 =	simm.s32 @!p0 $0x1BF5;
	p2 =	por !p2, p0  }
0x20: {  	[sflag:s8] =	ssyncset.s32 @!p0 $0xFFFFF086;
	s6 =	sadd.s32 @!p0 s3, s7;
	s7 =	simm.s32 @!p0 $0x108  }
0x21: {  	s3 =	sadd.s32 s3, s9;
	s6 =	sadd.s32 @!p0 $0x88, s6;
	s7 =	simm.s32 @p2 $0x1082  }
0x22: {  	[simem:s7], [sflag:s8] =	dma.local @!p0 [hbm:s6], $0xF7A  }
0x23: {  	s9 =	sor.u32 $0xD0000000, s2;
	s6 =	simm.s32 $0x108;
	_ =	swait.ge @!p0 [sflag:s8], $0x0  }
0x24: {  	s3 =	sadd.s32 $0x88, s3;
	s6 =	simm.s32 @!p1 $0x1082;
	[sflag:s4] =	ssyncset.s32 $0xFFFFF086  }
0x25: {  	[simem:s6], [sflag:s4] =	dma.local [hbm:s3], $0xF7A  }
0x26: {  	[smem:$0x3FA0] =	sst s1;
	(tag) =	ssettag s2;
	_ =	strace s9  }
0x27: {  	s1 =	sld [smem:$0x3FB0]  }
0x28: {  	s2 =	sld [smem:$0x3FB1]  }
0x29: {  	s4 =	sld [smem:$0x3FB3]  }
0x2a: {  	p0 =	seq.s32 s5, $0x0;
	s5 =	sld [smem:$0x3FB4]  }
0x2b: {  	s6 =	sld [smem:$0x3FB5]  }
0x2c: {  	s7 =	sld [smem:$0x3FB6]  }
0x2d: {  	s3 =	simm.s32 $0x108;
	s8 =	sld [smem:$0x3FB7]  }
0x2e: {  	s3 =	simm.s32 @!p0 $0x1082;
	s9 =	sld [smem:$0x3FB8]  }
0x2f: {  	lr =	sadd.s32 s0, s3;
	s0 =	sld [smem:$0x3FAF]  }
0x30: {  	s3 =	sld [smem:$0x3FB2]  }
0x31: {  	[smem:$0x3FBB] =	sst s10  }
0x32: {  	s10 =	sld [smem:$0x3FB9];
	_ =	sdelay $0x3  }
0x33: {  	p0 =	seq.s32 s10, $0x1;
	s10 =	sld [smem:$0x3FBB];
	_ =	sdelay $0x3  }
0x34: {  	[smem:$0x3FBB] =	sst s10  }
0x35: {  	s10 =	sld [smem:$0x3FBA];
	_ =	sdelay $0x3  }
0x36: {  	p1 =	seq.s32 s10, $0x1;
	s10 =	sld [smem:$0x3FBB];
	_ =	sdelay $0x3  }
0x37: {  	[smem:$0x3FBB] =	sst s10  }
0x38: {  	s10 =	sld [smem:$0x3FBC]  }
0x39: {  	_ = 	snop;
	(pc) =	sbr.ind lr, $3  }
0x3a: {  	_ = 	snop  }
0x3b: {  	_ = 	snop  }
0x3c: {  	p2 =	seq.s32 s10, $0x1;
	s10 =	sld [smem:$0x3FBB]  }
0x3d: {  	_ =	shalt  }
0x3e: {  	_ =	shalt  }
0x3f: {  	_ =	shalt  }
0x40: {  	_ =	shalt  }
0x41: {  	_ =	shalt  }
0x42: {  	_ =	shalt  }
0x43: {  	_ =	shalt  }
0x44: {  	_ =	shalt  }
0x45: {  	_ =	shalt  }
0x46: {  	_ =	shalt  }
0x47: {  	_ =	shalt  }
0x48: {  	_ =	shalt  }
0x49: {  	_ =	shalt  }
0x4a: {  	_ =	shalt  }
0x4b: {  	_ =	shalt  }
0x4c: {  	_ =	shalt  }
0x4d: {  	_ =	shalt  }
0x4e: {  	_ =	shalt  }
0x4f: {  	_ =	shalt  }
0x50: {  	_ =	shalt  }
0x51: {  	_ =	shalt  }
0x52: {  	_ =	shalt  }
0x53: {  	_ =	shalt  }
0x54: {  	_ =	shalt  }
0x55: {  	_ =	shalt  }
0x56: {  	_ =	shalt  }
0x57: {  	_ =	shalt  }
0x58: {  	_ =	shalt  }
0x59: {  	_ =	shalt  }
0x5a: {  	_ =	shalt  }
0x5b: {  	_ =	shalt  }
0x5c: {  	_ =	shalt  }
0x5d: {  	_ =	shalt  }
0x5e: {  	_ =	shalt  }
0x5f: {  	_ =	shalt  }
0x60: {  	_ =	shalt  }
0x61: {  	_ =	shalt  }
0x62: {  	_ =	shalt  }
0x63: {  	_ =	shalt  }
0x64: {  	_ =	shalt  }
0x65: {  	_ =	shalt  }
0x66: {  	_ =	shalt  }
0x67: {  	_ =	shalt  }
0x68: {  	_ =	shalt  }
0x69: {  	_ =	shalt  }
0x6a: {  	_ =	shalt  }
0x6b: {  	_ =	shalt  }
0x6c: {  	_ =	shalt  }
0x6d: {  	_ =	shalt  }
0x6e: {  	_ =	shalt  }
0x6f: {  	_ =	shalt  }
0x70: {  	_ =	shalt  }
0x71: {  	_ =	shalt  }
0x72: {  	_ =	shalt  }
0x73: {  	_ =	shalt  }
0x74: {  	_ =	shalt  }
0x75: {  	_ =	shalt  }
0x76: {  	_ =	shalt  }
0x77: {  	_ =	shalt  }
0x78: {  	_ =	shalt  }
0x79: {  	_ =	shalt  }
0x7a: {  	_ =	shalt  }
0x7b: {  	_ =	shalt  }
0x7c: {  	_ =	shalt  }
0x7d: {  	_ =	shalt  }
0x7e: {  	_ =	shalt  }
0x7f: {  	_ =	shalt  }
0x80: {  	_ =	shalt  }
0x81: {  	_ =	shalt  }
0x82: {  	_ =	shalt  }
0x83: {  	_ =	shalt  }
0x84: {  	_ =	shalt  }
0x85: {  	_ =	shalt  }
0x86: {  	_ =	shalt  }
0x87: {  	_ =	shalt  }
.Lfunc_end0:
.L_simem_size_0:
called_computation_lowered:
.L_overlay_start_0:
0x88: {  	s2 =	sld [smem:$0x3FD9]  }
0x89: {  	s3 =	sld [smem:$0x3FFE];
	_ =	sdelay $0x1  }
0x8a: {  	s1 =	srdreg.scid  }
0x8b: {  	s0 =	sand.u32 $0x1, s1  }
0x8c: {  	s18 =	sshll.u32 s0, $0xA;
	s2 =	sadd.s32 s3, s2  }
0x8d: {  	s2 =	sadd.s32 s2, s18  }
0x8e: {  	[smem:$0x3FC7] =	sst s2  }
0x8f: {  	_ = 	snop  }
0x90: {  	s2 =	sld [smem:$0x3FC9]  }
0x91: {  	s19 =	sld [smem:$0x3FD0];
	(tm) =	ssettm $0x1  }
0x92: {  	s4 =	sld [smem:$0x3FFB];
	_ =	sdelay $0x3  }
0x93: {  	_ =	strace s4  }
0x94: {  	s4 =	sld [smem:$0x3FFC];
	_ =	sdelay $0x3  }
0x95: {  	_ =	strace s4  }
0x96: {  	s4 =	sld [smem:$0x3FFD];
	_ =	sdelay $0x3  }
0x97: {  	_ =	strace s4  }
0x98: {  	_ =	strace $0x8FFFFFFF  }
0x99: {  	s20 =	sld [smem:$0x3FDB];
	_ =	sdelay $0x1  }
0x9a: {  	s5 =	simm.s32 $_scs_section_size  }
0x9b: {  	s6 =	simm.s32 $_size__tile_overlayer_lowered;
	s7 =	simm.s32 $_tile_overlayer_lowered  }
0x9c: {  	s23 =	simm.s32 $0x1BFF;
	s22 =	sshll.u32 s7, $0x1;
	s4 =	sadd.s32 s5, s20  }
0x9d: {  	s8 =	simm.s32 $0x0;
	s21 =	sshll.u32 s6, $0x1;
	s6 =	sadd.s32 s22, s4  }
0x9e: {  	[timem:s8], [sflag:s23] =	dma.local [hbm:s6], s21  }
0x9f: {  	_ =	swait.ge [sflag:s23], s21  }
0xa0: {  	s5 =	ssub.s32 $0x0, s21;
	[sflag:s23] =	ssyncset.done $0x0  }
0xa1: {  	[sflag:s23] =	ssyncadd.s32 s5;
	_ =	sdelay $0x1  }
0xa2: {  	s24 =	simm.s32 $0x1B8B  }
0xa3: {  	_ =	swait.ge [sflag:s24], $0x1  }
0xa4: {  	[sflag:s24] =	ssyncset.done $0x0  }
0xa5: {  	s25 =	simm.s32 $0x1B8E;
	[sflag:s24] =	ssyncadd.s32 $0xFFFFFFFF  }
0xa6: {  	s26 =	simm.s32 $execute0_lowered;
	[smem:$0x3FD2] =	sst s25  }
0xa7: {  	s5 =	sshll.u32 s26, $0x1;
	_ =	strace $0x80000046;
	[dreg:$0x1] =	wrdreg $0xFFFFFFFF  }
0xa8: {  	s28 =	simm.s32 $_size_execute0_lowered;
	s4 =	sadd.s32 s4, s5;
	[dreg:$0x0] =	wrdreg $0x0  }
0xa9: {  	s5 =	sshll.u32 s28, $0x1;
	[dreg:$0x2] =	wrdreg s4  }
0xaa: {  	[dreg:$0x3] =	wrdreg s5  }
0xab: {  	[dreg:$0x4] =	wrdreg $0xC0  }
0xac: {  	_ =	task [dreg:s8], $0x5FFFF  }
0xad: {  	[dreg:$0x1] =	wrdreg $0xFFFFFFFF  }
0xae: {  	[dreg:$0x0] =	wrdreg $0x60  }
0xaf: {  	[dreg:$0x2] =	wrdreg s2  }
0xb0: {  	[dreg:$0x3] =	wrdreg s19  }
0xb1: {  	[dreg:$0x4] =	wrdreg $0x9  }
0xb2: {  	_ =	task.clear_ibuf [dreg:s8], $0x5FFFF;
	_ =	strace $0x90000046  }
0xb3: {  	s29 =	simm.s32 $0x9;
	_ =	strace $0x80000048  }
0xb4: {  	_ =	swait.ge [sflag:s29], $0x1  }
0xb5: {  	[sflag:s29] =	ssyncadd.s32 $0xFFFFFFFF  }
0xb6: {  	_ =	strace $0x90000048  }
0xb7: {  	_ =	sfence  }
0xb8: {  	s30 =	sld [smem:$0x0];
	_ =	sdelay $0x2  }
0xb9: {  	s31 =	sshll.u32 s1, $0xD;
	s1 =	sshrl.u32 s1, $0x2  }
0xba: {  	s3 =	sand.u32 $0x4000, s31;
	s1 =	sadd.s32 s1, s30  }
0xbb: {  	s0 =	sor.u32 s3, s0;
	s1 =	sshll.u32 s1, $0x11  }
0xbc: {  	s0 =	sor.u32 s1, s0  }
0xbd: {  	s0 =	sadd.s32 $0x8F2B, s0  }
0xbe: {  	[sflag:s0] =	ssyncadd.remote.s32 $0x1  }
0xbf: {  	_ =	sfence.sel $0xFFFF  }
0xc0: {  	[dreg:$0x0] =	wrdreg $0xFFFFFFFF;
	(pc) =	sbr.abs _section_cstart, $3  }
0xc1: {  	[dreg:$0x1] =	wrdreg $0xFFFFFFFF  }
0xc2: {  	_ =	task.clear_ibuf [dreg:s8], $0x2FFFF;
	_ =	strace $0x9FFFFFFF  }
0xc3: {  	(tm) =	ssettm $0x7FFFFFFF  }
tec
execute0_lowered:
.L_overlay_start_1:
0x0: {  	(tag) =	ssettag $0x1  }
0x1: {  	s4 =	stileid.u32  }
0x2: {  	s0 =	srdreg.scid;
	s2 =	rddreg [dreg:$0x0]  }
0x3: {  	s3 =	rddreg [dreg:$0x1];
	s28 =	simm.s32 $0xC000;
	s1 =	sshll.u32 s4, $0x1  }
0x4: {  	s30 =	simm.s32 $0x1;
	s0 =	sand.u32 $0x1, s0;
	s1 =	sand.u32 $0x6, s1  }
0x5: {  	s31 =	simm.s32 $0x10000;
	s5 =	sshll.u32 s4, $0xA;
	s1 =	sor.u32 s0, s1  }
0x6: {  	s4 =	simm.s32 $0x0;
	s0 =	ssub.s32 $0x2, s0;
	s1 =	sshll.u32 s1, $0x9  }
0x7: {  	s5 =	sand.u32 $0x3000, s5;
	s7 =	sshrl.u32 s0, $0x1;
	s6 =	sadd.s32 $0xFFFFFFFF, s1  }
0x8: {  	[smem:$0x7FF] =	sst s4;
	s0 =	ssub.s32 s0, s7;
	s6 =	sand.u32 $0xFFF, s6  }
0x9: {  	_ =	strace $0x80000047;
	s0 =	smax.u32 s0, $0x1;
	s6 =	sor.u32 s5, s6  }
0xa: {  	s5 =	sor.u32 s5, s1;
	[dreg:$0xf] =	wrdreg s0;
	s0 =	simm.s32 $0x14000  }
0xb: {  	s6 =	sshll.u32 s6, $0xB;
	s16 =	sshll.u32 s5, $0x8;
	s25 =	sshrl.u32 s5, $0x3  }
0xc: {  	s15 =	sadd.s32 $0xFFFFC800, s6;
	s9 =	sadd.s32 s2, s16;
	s17 =	sor.u32 $0x800, s16  }
0xd: {  	s19 =	sor.u32 $0x1000, s16;
	s18 =	sadd.s32 s2, s17;
	[dreg:$0x4] =	wrdreg s9  }
0xe: {  	s8 =	sor.u32 $0x1800, s16;
	s10 =	sadd.s32 s2, s19;
	[dreg:$0x5] =	wrdreg s18  }
0xf: {  	s11 =	sadd.s32 s3, s16;
	s20 =	sadd.s32 s2, s8;
	[dreg:$0x6] =	wrdreg s10  }
0x10: {  	s6 =	simm.s32 $0x5;
	s21 =	sadd.s32 $0x2000, s9;
	[dreg:$0x7] =	wrdreg s20  }
0x11: {  	s1 =	sshrl.u32 s15, $0x3;
	s22 =	sadd.s32 $0x2800, s9;
	[dreg:$0x8] =	wrdreg s21  }
0x12: {  	s23 =	sadd.s32 s3, s19;
	s24 =	sadd.s32 $0x3000, s9;
	[dreg:$0xa] =	wrdreg s22  }
0x13: {  	s26 =	sadd.s32 s3, s8;
	s29 =	sadd.s32 $0x3800, s9;
	[dreg:$0xb] =	wrdreg s23  }
0x14: {  	s19 =	sor.u32 $0x4, s25;
	s8 =	simm.s32 $0x0;
	[dreg:$0xc] =	wrdreg s24  }
.Ltmp0:
0x15: {  	s1 =	sadd.s32 s2, s1;
	[dreg:$0xd] =	wrdreg s26;
	(pc) =	sbr.rel .LBB2_1-.Ltmp0, $4  }
0x16: {  	[dreg:$0xe] =	wrdreg s29;
	s20 =	sor.u32 $0x5, s25;
	s21 =	sor.u32 $0x6, s25  }
0x17: {  	s22 =	sor.u32 $0x7, s25;
	s18 =	simm.s32 $0x4000;
	s24 =	simm.s32 $0x3  }
0x18: {  	s25 =	simm.s32 $0x4;
	[dreg:$0x3] =	wrdreg s1;
	s1 =	sadd.s32 s3, s17  }
0x19: {  	s26 =	simm.s32 $0x6;
	[dreg:$0x9] =	wrdreg s1;
	s1 =	simm.s32 $0x2  }
.LBB2_20:
0x1a: {  	_ =	swait.ge [sflag:s6], $0x4000  }
0x1b: {  	[sflag:s6] =	ssyncset.done $0x0  }
0x1c: {  	[sflag:s6] =	ssyncadd.s32 $0xFFFFC000  }
0x1d: {  	_ =	swait.ge [sflag:s26], $0x4000  }
0x1e: {  	s8 =	sadd.s32 $0x1, s8;
	s7 =	rddreg [dreg:$0xf]  }
0x1f: {  	p0 =	sne.s32 s8, s7  }
.Ltmp1:
0x20: {  	_ = 	snop;
	(pc) =	sbr.rel @!p0 .LBB2_21-.Ltmp1, $3  }
0x21: {  	_ =	sdelay $0x1  }
0x22: {  	[sflag:s26] =	ssyncset.done $0x0  }
0x23: {  	s18 =	simm.s32 $0x4000;
	[sflag:s26] =	ssyncadd.s32 $0xFFFFC000  }
.LBB2_1:
0x24: {  	s7 =	rddreg [dreg:$0x3];
	s9 =	simm.s32 $0x18000  }
0x25: {  	[tilespmem:s9], [sflag:$0x7] =	stream.linear.gather [hbm4b:s7+s4], $0x4000, $0x38;
	[tilespmem:$0x1C000] =	vst v63  }
0x26: {  	s23 =	rddreg [dreg:$0x4]  }
0x27: {  	[tilespmem:s4], [sflag:$0x1] =	stream.linear.gather [hbm4b:s23+s4], $0x4000, $0x38;
	[tilespmem:$0x1C000] =	vst v63  }
0x28: {  	s29 =	rddreg [dreg:$0x5]  }
0x29: {  	[tilespmem:s18], [sflag:$0x2] =	stream.linear.gather [hbm4b:s29+s4], $0x4000, $0x38;
	[tilespmem:$0x1C000] =	vst v63  }
0x2a: {  	s10 =	simm.s32 $0x8000;
	s9 =	rddreg [dreg:$0x6]  }
0x2b: {  	[tilespmem:s10], [sflag:$0x3] =	stream.linear.gather [hbm4b:s9+s4], $0x4000, $0x38;
	[tilespmem:$0x1C000] =	vst v63  }
0x2c: {  	s12 =	rddreg [dreg:$0x7];
	s13 =	simm.s32 $0x7  }
0x2d: {  	[tilespmem:s28], [sflag:$0x4] =	stream.linear.gather [hbm4b:s12+s4], $0x4000, $0x38;
	[tilespmem:$0x1C000] =	vst v63  }
0x2e: {  	_ =	swait.ge [sflag:s13], $0x4000  }
0x2f: {  	[sflag:s13] =	ssyncset.done $0x0  }
0x30: {  	[sflag:s13] =	ssyncadd.s32 $0xFFFFC000  }
0x31: {  	_ =	swait.ge [sflag:s30], $0x4000  }
0x32: {  	s14 =	sand.u32 $0x70, s4;
	s15 =	sand.u32 $0x3C00, s4;
	[sflag:s30] =	ssyncset.done $0x0  }
0x33: {  	s7 =	sor.u32 s14, s15;
	[sflag:s30] =	ssyncadd.s32 $0xFFFFC000  }
0x34: {  	v0 =	vld [tilespmem:s7+$0x0]  }
0x35: {  	v1 =	vld [tilespmem:s7+$0x80]  }
0x36: {  	v2 =	vld [tilespmem:s7+$0x100]  }
0x37: {  	s16 =	sand.u32 $0x7, s4;
	v3 =	vld [tilespmem:s7+$0x180]  }
0x38: {  	s9 =	sshll.u32 s16, $0x4;
	v4 =	vld [tilespmem:s7+$0x200]  }
0x39: {  	s10 =	simm.s32 $0x10;
	s9 =	sadd.s32 $0x0, s9;
	s12 =	simm.s32 $0x80;
	v5 =	vld [tilespmem:s7+$0x280]  }
0x3a: {  	s10 =	sand.u32 $0x70, s10;
	s9 =	sor.u32 $0x380, s9;
	s12 =	sand.u32 $0x3C00, s12;
	v6 =	vld [tilespmem:s7+$0x300];
	v7 =	vsub.f32 v1, v0  }
0x3b: {  	s10 =	sor.u32 s10, s12;
	v8 =	vld [tilespmem:s9+$0x18000];
	v1 =	vsub.f32 v2, v1  }
0x3c: {  	v9 =	vld [tilespmem:s10+$0x0];
	v2 =	vsub.f32 v3, v2;
	[tilespmem:s7+$0x10080] =	vst v7  }
0x3d: {  	v7 =	vld [tilespmem:s10+$0x80];
	[tilespmem:s7+$0x10100] =	vst v1;
	v1 =	vsub.f32 v4, v3  }
0x3e: {  	v3 =	vld [tilespmem:s10+$0x100];
	[tilespmem:s7+$0x10180] =	vst v2;
	v2 =	vsub.f32 v5, v4  }
0x3f: {  	s17 =	simm.s32 $0x1;
	v4 =	vld [tilespmem:s10+$0x180];
	[tilespmem:s7+$0x10200] =	vst v1;
	v1 =	vsub.f32 v6, v5  }
0x40: {  	s12 =	sand.u32 $0x7, s17;
	v10 =	vld [tilespmem:s10+$0x200];
	[tilespmem:s7+$0x10280] =	vst v2;
	v2 =	vsub.f32 v0, v8  }
0x41: {  	s12 =	sshll.u32 s12, $0x4;
	v8 =	vld [tilespmem:s10+$0x280];
	[tilespmem:s7+$0x10300] =	vst v1  }
0x42: {  	s14 =	simm.s32 $0x100;
	s13 =	simm.s32 $0x20;
	s12 =	sadd.s32 $0x80, s12;
	v0 =	vld [tilespmem:s10+$0x300];
	[tilespmem:s7+$0x10000] =	vst v2;
	v5 =	vsub.f32 v7, v9  }
0x43: {  	s29 =	sand.u32 $0x3C00, s14;
	s23 =	sand.u32 $0x70, s13;
	s12 =	sor.u32 $0x380, s12;
	v7 =	vsub.f32 v3, v7;
	v1 =	vld [tilespmem:s9+$0x0]  }
0x44: {  	s13 =	sor.u32 s23, s29;
	v11 =	vld [tilespmem:s12+$0x18000];
	v3 =	vsub.f32 v4, v3;
	[tilespmem:s10+$0x10080] =	vst v5  }
0x45: {  	v2 =	vld [tilespmem:s13+$0x0];
	[tilespmem:s10+$0x10100] =	vst v7;
	v7 =	vsub.f32 v10, v4  }
0x46: {  	v5 =	vld [tilespmem:s13+$0x80];
	[tilespmem:s10+$0x10180] =	vst v3;
	v10 =	vsub.f32 v8, v10  }
0x47: {  	v4 =	vld [tilespmem:s13+$0x100];
	v12 =	vsub.f32 v0, v8;
	[tilespmem:s10+$0x10200] =	vst v7  }
0x48: {  	s15 =	simm.s32 $0x2;
	v3 =	vld [tilespmem:s13+$0x180];
	[tilespmem:s10+$0x10280] =	vst v10;
	v7 =	vsub.f32 v1, v6  }
0x49: {  	s16 =	simm.s32 $0x30;
	s17 =	sand.u32 $0x7, s15;
	v8 =	vsub.f32 v9, v11;
	[tilespmem:s10+$0x10300] =	vst v12;
	v6 =	vld [tilespmem:s13+$0x200]  }
.LBB2_2:
0x4a: {  	p0 =	sne.s32 s16, $0x7F0;
	s7 =	sshll.u32 s17, $0x4;
	v9 =	vld [tilespmem:s13+$0x280];
	[tilespmem:s9+$0x10000] =	vst v7;
	v10 =	vmov v2  }
0x4b: {  	s7 =	sadd.s32 s7, s14;
	v2 =	vsub.f32 v5, v10;
	v11 =	vld [tilespmem:s13+$0x300];
	s14 =	sadd.s32 $0x80, s14;
	[tilespmem:s10+$0x10000] =	vst v8;
	s10 =	smov.u32 s13  }
0x4c: {  	s13 =	sand.u32 $0x70, s16;
	s17 =	sand.u32 $0x3C00, s14;
	s7 =	sor.u32 $0x380, s7;
	v5 =	vsub.f32 v4, v5;
	[tilespmem:s9+$0x18000] =	vst v1;
	v1 =	vld [tilespmem:s12+$0x0]  }
0x4d: {  	s9 =	smov.u32 s12;
	s13 =	sor.u32 s13, s17;
	v8 =	vld [tilespmem:s7+$0x18000];
	[tilespmem:s10+$0x10080] =	vst v2;
	v4 =	vsub.f32 v3, v4;
	s12 =	smov.u32 s7  }
.Ltmp2:
0x4e: {  	v2 =	vld [tilespmem:s13+$0x0];
	[tilespmem:s10+$0x10100] =	vst v5;
	v3 =	vsub.f32 v6, v3;
	(pc) =	sbr.rel @p0 .LBB2_2-.Ltmp2, $4  }
0x4f: {  	v5 =	vld [tilespmem:s13+$0x80];
	[tilespmem:s10+$0x10180] =	vst v4;
	v6 =	vsub.f32 v9, v6  }
0x50: {  	v4 =	vld [tilespmem:s13+$0x100];
	[tilespmem:s10+$0x10200] =	vst v3;
	v9 =	vsub.f32 v11, v9  }
0x51: {  	s15 =	sadd.s32 $0x1, s15;
	v3 =	vld [tilespmem:s13+$0x180];
	[tilespmem:s10+$0x10280] =	vst v6;
	v7 =	vsub.f32 v1, v0;
	v0 =	vmov v11  }
0x52: {  	s16 =	sadd.s32 $0x10, s16;
	s17 =	sand.u32 $0x7, s15;
	v6 =	vld [tilespmem:s13+$0x200];
	v8 =	vsub.f32 v10, v8;
	[tilespmem:s10+$0x10300] =	vst v9  }
0x53: {  	s7 =	sshll.u32 s17, $0x4  }
0x54: {  	v9 =	vld [tilespmem:s13+$0x280];
	s7 =	sadd.s32 s7, s14  }
0x55: {  	v11 =	vld [tilespmem:s13+$0x300];
	v10 =	vsub.f32 v5, v2;
	s7 =	sor.u32 $0x380, s7  }
0x56: {  	[tilespmem:s10+$0x10000] =	vst v8;
	v5 =	vsub.f32 v4, v5;
	v8 =	vld [tilespmem:s7+$0x18000]  }
0x57: {  	[tilespmem:s13+$0x10080] =	vst v10;
	v4 =	vsub.f32 v3, v4  }
0x58: {  	[tilespmem:s13+$0x10100] =	vst v5;
	v3 =	vsub.f32 v6, v3  }
0x59: {  	[tilespmem:s13+$0x10180] =	vst v4;
	v4 =	vsub.f32 v9, v6  }
0x5a: {  	[tilespmem:s13+$0x10200] =	vst v3;
	v3 =	vsub.f32 v11, v9  }
0x5b: {  	[tilespmem:s13+$0x10280] =	vst v4;
	v2 =	vsub.f32 v2, v8  }
0x5c: {  	v4 =	vld [tilespmem:s12+$0x0];
	[tilespmem:s13+$0x10300] =	vst v3  }
0x5d: {  	[tilespmem:s13+$0x10000] =	vst v2  }
0x5e: {  	v2 =	vld [tilespmem:s7+$0x0];
	_ =	sdelay $0x1  }
0x5f: {  	[tilespmem:s9+$0x10000] =	vst v7  }
0x60: {  	[tilespmem:s9+$0x18000] =	vst v1;
	v0 =	vsub.f32 v4, v0  }
0x61: {  	[tilespmem:s12+$0x18000] =	vst v4  }
0x62: {  	[tilespmem:s12+$0x10000] =	vst v0;
	v0 =	vsub.f32 v2, v11  }
0x63: {  	[tilespmem:s7+$0x18000] =	vst v2  }
0x64: {  	s16 =	simm.s32 $0x0;
	[tilespmem:s7+$0x10000] =	vst v0  }
0x65: {  	[hbm4b:s11+s16] =	stream.linear.scatter [tilespmem:s31], [sflag:$0x5], $0x4000, $0x38;
	[tilespmem:$0x1C000] =	vst v63  }
0x66: {  	s9 =	rddreg [dreg:$0x8]  }
0x67: {  	[tilespmem:s16], [sflag:$0x1] =	stream.linear.gather [hbm4b:s9+s16], $0x4000, $0x38;
	[tilespmem:$0x1C000] =	vst v63  }
0x68: {  	_ =	swait.ge [sflag:s1], $0x4000  }
0x69: {  	s17 =	sand.u32 $0x70, s16;
	s23 =	sand.u32 $0x3C00, s16;
	[sflag:s1] =	ssyncset.done $0x0  }
0x6a: {  	s29 =	sor.u32 s17, s23;
	[sflag:s1] =	ssyncadd.s32 $0xFFFFC000  }
0x6b: {  	v0 =	vld [tilespmem:s29+$0x4000]  }
0x6c: {  	v1 =	vld [tilespmem:s29+$0x4080]  }
0x6d: {  	v2 =	vld [tilespmem:s29+$0x4100]  }
0x6e: {  	s7 =	sand.u32 $0x7, s16;
	v3 =	vld [tilespmem:s29+$0x4180]  }
0x6f: {  	s7 =	sshll.u32 s7, $0x4;
	v4 =	vld [tilespmem:s29+$0x4200]  }
0x70: {  	s15 =	simm.s32 $0x80;
	s14 =	simm.s32 $0x10;
	s7 =	sadd.s32 $0x0, s7;
	v5 =	vld [tilespmem:s29+$0x4280]  }
0x71: {  	s10 =	sand.u32 $0x3C00, s15;
	s16 =	sand.u32 $0x70, s14;
	s9 =	sor.u32 $0x380, s7;
	v6 =	vld [tilespmem:s29+$0x4300];
	v7 =	vsub.f32 v1, v0  }
0x72: {  	s10 =	sor.u32 s16, s10;
	v8 =	vld [tilespmem:s9+$0x18000];
	v1 =	vsub.f32 v2, v1  }
0x73: {  	v9 =	vld [tilespmem:s10+$0x4000];
	v2 =	vsub.f32 v3, v2;
	[tilespmem:s29+$0x14080] =	vst v7  }
0x74: {  	v7 =	vld [tilespmem:s10+$0x4080];
	[tilespmem:s29+$0x14100] =	vst v1;
	v1 =	vsub.f32 v4, v3  }
0x75: {  	v3 =	vld [tilespmem:s10+$0x4100];
	[tilespmem:s29+$0x14180] =	vst v2;
	v2 =	vsub.f32 v5, v4  }
0x76: {  	s17 =	simm.s32 $0x1;
	v4 =	vld [tilespmem:s10+$0x4180];
	[tilespmem:s29+$0x14200] =	vst v1;
	v1 =	vsub.f32 v6, v5  }
0x77: {  	s7 =	sand.u32 $0x7, s17;
	v10 =	vld [tilespmem:s10+$0x4200];
	[tilespmem:s29+$0x14280] =	vst v2;
	v2 =	vsub.f32 v0, v8  }
0x78: {  	s7 =	sshll.u32 s7, $0x4;
	v8 =	vld [tilespmem:s10+$0x4280];
	[tilespmem:s29+$0x14300] =	vst v1  }
0x79: {  	s15 =	simm.s32 $0x20;
	s14 =	simm.s32 $0x100;
	s7 =	sadd.s32 $0x80, s7;
	v0 =	vld [tilespmem:s10+$0x4300];
	[tilespmem:s29+$0x14000] =	vst v2;
	v5 =	vsub.f32 v7, v9  }
0x7a: {  	s23 =	sand.u32 $0x70, s15;
	s12 =	sor.u32 $0x380, s7;
	s29 =	sand.u32 $0x3C00, s14;
	v7 =	vsub.f32 v3, v7;
	v1 =	vld [tilespmem:s9+$0x4000]  }
0x7b: {  	v11 =	vld [tilespmem:s12+$0x18000];
	s13 =	sor.u32 s23, s29;
	v3 =	vsub.f32 v4, v3;
	[tilespmem:s10+$0x14080] =	vst v5  }
0x7c: {  	v2 =	vld [tilespmem:s13+$0x4000];
	[tilespmem:s10+$0x14100] =	vst v7;
	v7 =	vsub.f32 v10, v4  }
0x7d: {  	v5 =	vld [tilespmem:s13+$0x4080];
	[tilespmem:s10+$0x14180] =	vst v3;
	v10 =	vsub.f32 v8, v10  }
0x7e: {  	v4 =	vld [tilespmem:s13+$0x4100];
	v12 =	vsub.f32 v0, v8;
	[tilespmem:s10+$0x14200] =	vst v7  }
0x7f: {  	s15 =	simm.s32 $0x2;
	v3 =	vld [tilespmem:s13+$0x4180];
	[tilespmem:s10+$0x14280] =	vst v10;
	v7 =	vsub.f32 v1, v6  }
0x80: {  	s17 =	sand.u32 $0x7, s15;
	s16 =	simm.s32 $0x30;
	v8 =	vsub.f32 v9, v11;
	[tilespmem:s10+$0x14300] =	vst v12;
	v6 =	vld [tilespmem:s13+$0x4200]  }
.LBB2_4:
0x81: {  	p0 =	sne.s32 s16, $0x7F0;
	s7 =	sshll.u32 s17, $0x4;
	v9 =	vld [tilespmem:s13+$0x4280];
	[tilespmem:s9+$0x14000] =	vst v7;
	v10 =	vmov v2  }
0x82: {  	s7 =	sadd.s32 s7, s14;
	v2 =	vsub.f32 v5, v10;
	v11 =	vld [tilespmem:s13+$0x4300];
	s14 =	sadd.s32 $0x80, s14;
	[tilespmem:s10+$0x14000] =	vst v8;
	s10 =	smov.u32 s13  }
0x83: {  	s13 =	sand.u32 $0x70, s16;
	s17 =	sand.u32 $0x3C00, s14;
	s7 =	sor.u32 $0x380, s7;
	v5 =	vsub.f32 v4, v5;
	[tilespmem:s9+$0x18000] =	vst v1;
	v1 =	vld [tilespmem:s12+$0x4000]  }
0x84: {  	s9 =	smov.u32 s12;
	s13 =	sor.u32 s13, s17;
	v8 =	vld [tilespmem:s7+$0x18000];
	[tilespmem:s10+$0x14080] =	vst v2;
	v4 =	vsub.f32 v3, v4;
	s12 =	smov.u32 s7  }
.Ltmp3:
0x85: {  	v2 =	vld [tilespmem:s13+$0x4000];
	[tilespmem:s10+$0x14100] =	vst v5;
	v3 =	vsub.f32 v6, v3;
	(pc) =	sbr.rel @p0 .LBB2_4-.Ltmp3, $4  }
0x86: {  	v5 =	vld [tilespmem:s13+$0x4080];
	[tilespmem:s10+$0x14180] =	vst v4;
	v6 =	vsub.f32 v9, v6  }
0x87: {  	v4 =	vld [tilespmem:s13+$0x4100];
	[tilespmem:s10+$0x14200] =	vst v3;
	v9 =	vsub.f32 v11, v9  }
0x88: {  	s15 =	sadd.s32 $0x1, s15;
	v3 =	vld [tilespmem:s13+$0x4180];
	[tilespmem:s10+$0x14280] =	vst v6;
	v7 =	vsub.f32 v1, v0;
	v0 =	vmov v11  }
0x89: {  	s16 =	sadd.s32 $0x10, s16;
	s17 =	sand.u32 $0x7, s15;
	v6 =	vld [tilespmem:s13+$0x4200];
	v8 =	vsub.f32 v10, v8;
	[tilespmem:s10+$0x14300] =	vst v9  }
0x8a: {  	s7 =	sshll.u32 s17, $0x4  }
0x8b: {  	v9 =	vld [tilespmem:s13+$0x4280];
	s7 =	sadd.s32 s7, s14  }
0x8c: {  	v11 =	vld [tilespmem:s13+$0x4300];
	v10 =	vsub.f32 v5, v2;
	s7 =	sor.u32 $0x380, s7  }
0x8d: {  	[tilespmem:s10+$0x14000] =	vst v8;
	v5 =	vsub.f32 v4, v5;
	v8 =	vld [tilespmem:s7+$0x18000]  }
0x8e: {  	[tilespmem:s13+$0x14080] =	vst v10;
	v4 =	vsub.f32 v3, v4  }
0x8f: {  	[tilespmem:s13+$0x14100] =	vst v5;
	v3 =	vsub.f32 v6, v3  }
0x90: {  	[tilespmem:s13+$0x14180] =	vst v4;
	v4 =	vsub.f32 v9, v6  }
0x91: {  	[tilespmem:s13+$0x14200] =	vst v3;
	v3 =	vsub.f32 v11, v9  }
0x92: {  	[tilespmem:s13+$0x14280] =	vst v4;
	v2 =	vsub.f32 v2, v8  }
0x93: {  	v4 =	vld [tilespmem:s12+$0x4000];
	[tilespmem:s13+$0x14300] =	vst v3  }
0x94: {  	[tilespmem:s13+$0x14000] =	vst v2  }
0x95: {  	v2 =	vld [tilespmem:s7+$0x4000];
	_ =	sdelay $0x1  }
0x96: {  	[tilespmem:s9+$0x14000] =	vst v7  }
0x97: {  	[tilespmem:s9+$0x18000] =	vst v1;
	v0 =	vsub.f32 v4, v0  }
0x98: {  	[tilespmem:s12+$0x18000] =	vst v4  }
0x99: {  	[tilespmem:s12+$0x14000] =	vst v0;
	v0 =	vsub.f32 v2, v11  }
0x9a: {  	[tilespmem:s7+$0x18000] =	vst v2  }
0x9b: {  	[tilespmem:s7+$0x14000] =	vst v0  }
0x9c: {  	s16 =	simm.s32 $0x0;
	s9 =	rddreg [dreg:$0x9]  }
0x9d: {  	[hbm4b:s9+s16] =	stream.linear.scatter [tilespmem:s0], [sflag:$0x6], $0x4000, $0x38;
	[tilespmem:$0x1C000] =	vst v63  }
0x9e: {  	s17 =	rddreg [dreg:$0xa]  }
0x9f: {  	[tilespmem:s18], [sflag:$0x2] =	stream.linear.gather [hbm4b:s17+s16], $0x4000, $0x38;
	[tilespmem:$0x1C000] =	vst v63  }
0xa0: {  	_ =	swait.ge [sflag:s24], $0x4000  }
0xa1: {  	[sflag:s24] =	ssyncset.done $0x0  }
0xa2: {  	[sflag:s24] =	ssyncadd.s32 $0xFFFFC000  }
0xa3: {  	_ =	swait.ge [sflag:s6], $0x4000  }
0xa4: {  	s23 =	sand.u32 $0x3C00, s16;
	s18 =	sand.u32 $0x70, s16;
	[sflag:s6] =	ssyncset.done $0x0  }
0xa5: {  	s29 =	sor.u32 s18, s23;
	[sflag:s6] =	ssyncadd.s32 $0xFFFFC000  }
0xa6: {  	v0 =	vld [tilespmem:s29+$0x8000]  }
0xa7: {  	v1 =	vld [tilespmem:s29+$0x8080]  }
0xa8: {  	v2 =	vld [tilespmem:s29+$0x8100]  }
0xa9: {  	s7 =	sand.u32 $0x7, s16;
	v3 =	vld [tilespmem:s29+$0x8180]  }
0xaa: {  	s7 =	sshll.u32 s7, $0x4;
	v4 =	vld [tilespmem:s29+$0x8200]  }
0xab: {  	s15 =	simm.s32 $0x10;
	s7 =	sadd.s32 $0x0, s7;
	s16 =	simm.s32 $0x80;
	v5 =	vld [tilespmem:s29+$0x8280]  }
0xac: {  	s9 =	sor.u32 $0x380, s7;
	s17 =	sand.u32 $0x70, s15;
	s10 =	sand.u32 $0x3C00, s16;
	v6 =	vld [tilespmem:s29+$0x8300];
	v7 =	vsub.f32 v1, v0  }
0xad: {  	s10 =	sor.u32 s17, s10;
	v8 =	vld [tilespmem:s9+$0x18000];
	v1 =	vsub.f32 v2, v1  }
0xae: {  	v9 =	vld [tilespmem:s10+$0x8000];
	v2 =	vsub.f32 v3, v2;
	[tilespmem:s29+$0x10080] =	vst v7  }
0xaf: {  	v7 =	vld [tilespmem:s10+$0x8080];
	[tilespmem:s29+$0x10100] =	vst v1;
	v1 =	vsub.f32 v4, v3  }
0xb0: {  	v3 =	vld [tilespmem:s10+$0x8100];
	[tilespmem:s29+$0x10180] =	vst v2;
	v2 =	vsub.f32 v5, v4  }
0xb1: {  	s18 =	simm.s32 $0x1;
	v4 =	vld [tilespmem:s10+$0x8180];
	[tilespmem:s29+$0x10200] =	vst v1;
	v1 =	vsub.f32 v6, v5  }
0xb2: {  	s7 =	sand.u32 $0x7, s18;
	v10 =	vld [tilespmem:s10+$0x8200];
	[tilespmem:s29+$0x10280] =	vst v2;
	v2 =	vsub.f32 v0, v8  }
0xb3: {  	s7 =	sshll.u32 s7, $0x4;
	v8 =	vld [tilespmem:s10+$0x8280];
	[tilespmem:s29+$0x10300] =	vst v1  }
0xb4: {  	s14 =	simm.s32 $0x100;
	s15 =	simm.s32 $0x20;
	s7 =	sadd.s32 $0x80, s7;
	v0 =	vld [tilespmem:s10+$0x8300];
	[tilespmem:s29+$0x10000] =	vst v2;
	v5 =	vsub.f32 v7, v9  }
0xb5: {  	s23 =	sand.u32 $0x70, s15;
	s12 =	sor.u32 $0x380, s7;
	s29 =	sand.u32 $0x3C00, s14;
	v7 =	vsub.f32 v3, v7;
	v1 =	vld [tilespmem:s9+$0x8000]  }
0xb6: {  	v11 =	vld [tilespmem:s12+$0x18000];
	s13 =	sor.u32 s23, s29;
	v3 =	vsub.f32 v4, v3;
	[tilespmem:s10+$0x10080] =	vst v5  }
0xb7: {  	v2 =	vld [tilespmem:s13+$0x8000];
	[tilespmem:s10+$0x10100] =	vst v7;
	v7 =	vsub.f32 v10, v4  }
0xb8: {  	v5 =	vld [tilespmem:s13+$0x8080];
	[tilespmem:s10+$0x10180] =	vst v3;
	v10 =	vsub.f32 v8, v10  }
0xb9: {  	v4 =	vld [tilespmem:s13+$0x8100];
	v12 =	vsub.f32 v0, v8;
	[tilespmem:s10+$0x10200] =	vst v7  }
0xba: {  	s15 =	simm.s32 $0x2;
	v3 =	vld [tilespmem:s13+$0x8180];
	[tilespmem:s10+$0x10280] =	vst v10;
	v7 =	vsub.f32 v1, v6  }
0xbb: {  	s16 =	simm.s32 $0x30;
	s17 =	sand.u32 $0x7, s15;
	v8 =	vsub.f32 v9, v11;
	[tilespmem:s10+$0x10300] =	vst v12;
	v6 =	vld [tilespmem:s13+$0x8200]  }
.LBB2_6:
0xbc: {  	p0 =	sne.s32 s16, $0x7F0;
	s7 =	sshll.u32 s17, $0x4;
	v9 =	vld [tilespmem:s13+$0x8280];
	[tilespmem:s9+$0x10000] =	vst v7;
	v10 =	vmov v2  }
0xbd: {  	s7 =	sadd.s32 s7, s14;
	v2 =	vsub.f32 v5, v10;
	v11 =	vld [tilespmem:s13+$0x8300];
	s14 =	sadd.s32 $0x80, s14;
	[tilespmem:s10+$0x10000] =	vst v8;
	s10 =	smov.u32 s13  }
0xbe: {  	s13 =	sand.u32 $0x70, s16;
	s17 =	sand.u32 $0x3C00, s14;
	s7 =	sor.u32 $0x380, s7;
	v5 =	vsub.f32 v4, v5;
	[tilespmem:s9+$0x18000] =	vst v1;
	v1 =	vld [tilespmem:s12+$0x8000]  }
0xbf: {  	s9 =	smov.u32 s12;
	s13 =	sor.u32 s13, s17;
	v8 =	vld [tilespmem:s7+$0x18000];
	[tilespmem:s10+$0x10080] =	vst v2;
	v4 =	vsub.f32 v3, v4;
	s12 =	smov.u32 s7  }
.Ltmp4:
0xc0: {  	v2 =	vld [tilespmem:s13+$0x8000];
	[tilespmem:s10+$0x10100] =	vst v5;
	v3 =	vsub.f32 v6, v3;
	(pc) =	sbr.rel @p0 .LBB2_6-.Ltmp4, $4  }
0xc1: {  	v5 =	vld [tilespmem:s13+$0x8080];
	[tilespmem:s10+$0x10180] =	vst v4;
	v6 =	vsub.f32 v9, v6  }
0xc2: {  	v4 =	vld [tilespmem:s13+$0x8100];
	[tilespmem:s10+$0x10200] =	vst v3;
	v9 =	vsub.f32 v11, v9  }
0xc3: {  	s15 =	sadd.s32 $0x1, s15;
	v3 =	vld [tilespmem:s13+$0x8180];
	[tilespmem:s10+$0x10280] =	vst v6;
	v7 =	vsub.f32 v1, v0;
	v0 =	vmov v11  }
0xc4: {  	s16 =	sadd.s32 $0x10, s16;
	s17 =	sand.u32 $0x7, s15;
	v6 =	vld [tilespmem:s13+$0x8200];
	v8 =	vsub.f32 v10, v8;
	[tilespmem:s10+$0x10300] =	vst v9  }
0xc5: {  	s7 =	sshll.u32 s17, $0x4  }
0xc6: {  	v9 =	vld [tilespmem:s13+$0x8280];
	s7 =	sadd.s32 s7, s14  }
0xc7: {  	v11 =	vld [tilespmem:s13+$0x8300];
	v10 =	vsub.f32 v5, v2;
	s7 =	sor.u32 $0x380, s7  }
0xc8: {  	[tilespmem:s10+$0x10000] =	vst v8;
	v5 =	vsub.f32 v4, v5;
	v8 =	vld [tilespmem:s7+$0x18000]  }
0xc9: {  	[tilespmem:s13+$0x10080] =	vst v10;
	v4 =	vsub.f32 v3, v4  }
0xca: {  	[tilespmem:s13+$0x10100] =	vst v5;
	v3 =	vsub.f32 v6, v3  }
0xcb: {  	[tilespmem:s13+$0x10180] =	vst v4;
	v4 =	vsub.f32 v9, v6  }
0xcc: {  	[tilespmem:s13+$0x10200] =	vst v3;
	v3 =	vsub.f32 v11, v9  }
0xcd: {  	[tilespmem:s13+$0x10280] =	vst v4;
	v2 =	vsub.f32 v2, v8  }
0xce: {  	v4 =	vld [tilespmem:s12+$0x8000];
	[tilespmem:s13+$0x10300] =	vst v3  }
0xcf: {  	[tilespmem:s13+$0x10000] =	vst v2  }
0xd0: {  	v2 =	vld [tilespmem:s7+$0x8000];
	_ =	sdelay $0x1  }
0xd1: {  	[tilespmem:s9+$0x10000] =	vst v7  }
0xd2: {  	[tilespmem:s9+$0x18000] =	vst v1;
	v0 =	vsub.f32 v4, v0  }
0xd3: {  	[tilespmem:s12+$0x18000] =	vst v4  }
0xd4: {  	[tilespmem:s12+$0x10000] =	vst v0;
	v0 =	vsub.f32 v2, v11  }
0xd5: {  	[tilespmem:s7+$0x18000] =	vst v2  }
0xd6: {  	[tilespmem:s7+$0x10000] =	vst v0  }
0xd7: {  	s15 =	simm.s32 $0x0;
	s9 =	rddreg [dreg:$0xb]  }
0xd8: {  	[hbm4b:s9+s15] =	stream.linear.scatter [tilespmem:s31], [sflag:$0x5], $0x4000, $0x38;
	[tilespmem:$0x1C000] =	vst v63  }
0xd9: {  	s17 =	simm.s32 $0x8000;
	s16 =	rddreg [dreg:$0xc]  }
0xda: {  	[tilespmem:s17], [sflag:$0x3] =	stream.linear.gather [hbm4b:s16+s15], $0x4000, $0x38;
	[tilespmem:$0x1C000] =	vst v63  }
0xdb: {  	_ =	swait.ge [sflag:s25], $0x4000  }
0xdc: {  	[sflag:s25] =	ssyncset.done $0x0  }
0xdd: {  	[sflag:s25] =	ssyncadd.s32 $0xFFFFC000  }
0xde: {  	_ =	swait.ge [sflag:s26], $0x4000  }
0xdf: {  	s18 =	sand.u32 $0x70, s15;
	s23 =	sand.u32 $0x3C00, s15;
	[sflag:s26] =	ssyncset.done $0x0  }
0xe0: {  	s29 =	sor.u32 s18, s23;
	[sflag:s26] =	ssyncadd.s32 $0xFFFFC000  }
0xe1: {  	v0 =	vld [tilespmem:s29+$0xC000]  }
0xe2: {  	v1 =	vld [tilespmem:s29+$0xC080]  }
0xe3: {  	v2 =	vld [tilespmem:s29+$0xC100]  }
0xe4: {  	s7 =	sand.u32 $0x7, s15;
	v3 =	vld [tilespmem:s29+$0xC180]  }
0xe5: {  	s7 =	sshll.u32 s7, $0x4;
	v4 =	vld [tilespmem:s29+$0xC200]  }
0xe6: {  	s7 =	sadd.s32 $0x0, s7;
	s15 =	simm.s32 $0x10;
	s16 =	simm.s32 $0x80;
	v5 =	vld [tilespmem:s29+$0xC280]  }
0xe7: {  	s9 =	sor.u32 $0x380, s7;
	s17 =	sand.u32 $0x70, s15;
	s10 =	sand.u32 $0x3C00, s16;
	v6 =	vld [tilespmem:s29+$0xC300];
	v7 =	vsub.f32 v1, v0  }
0xe8: {  	s10 =	sor.u32 s17, s10;
	v8 =	vld [tilespmem:s9+$0x18000];
	v1 =	vsub.f32 v2, v1  }
0xe9: {  	v9 =	vld [tilespmem:s10+$0xC000];
	v2 =	vsub.f32 v3, v2;
	[tilespmem:s29+$0x14080] =	vst v7  }
0xea: {  	v7 =	vld [tilespmem:s10+$0xC080];
	[tilespmem:s29+$0x14100] =	vst v1;
	v1 =	vsub.f32 v4, v3  }
0xeb: {  	v3 =	vld [tilespmem:s10+$0xC100];
	[tilespmem:s29+$0x14180] =	vst v2;
	v2 =	vsub.f32 v5, v4  }
0xec: {  	s18 =	simm.s32 $0x1;
	v4 =	vld [tilespmem:s10+$0xC180];
	[tilespmem:s29+$0x14200] =	vst v1;
	v1 =	vsub.f32 v6, v5  }
0xed: {  	s7 =	sand.u32 $0x7, s18;
	v10 =	vld [tilespmem:s10+$0xC200];
	[tilespmem:s29+$0x14280] =	vst v2;
	v2 =	vsub.f32 v0, v8  }
0xee: {  	s7 =	sshll.u32 s7, $0x4;
	v8 =	vld [tilespmem:s10+$0xC280];
	[tilespmem:s29+$0x14300] =	vst v1  }
0xef: {  	s14 =	simm.s32 $0x100;
	s7 =	sadd.s32 $0x80, s7;
	s15 =	simm.s32 $0x20;
	v0 =	vld [tilespmem:s10+$0xC300];
	[tilespmem:s29+$0x14000] =	vst v2;
	v5 =	vsub.f32 v7, v9  }
0xf0: {  	s12 =	sor.u32 $0x380, s7;
	s23 =	sand.u32 $0x70, s15;
	s29 =	sand.u32 $0x3C00, s14;
	v7 =	vsub.f32 v3, v7;
	v1 =	vld [tilespmem:s9+$0xC000]  }
0xf1: {  	v11 =	vld [tilespmem:s12+$0x18000];
	s13 =	sor.u32 s23, s29;
	v3 =	vsub.f32 v4, v3;
	[tilespmem:s10+$0x14080] =	vst v5  }
0xf2: {  	v2 =	vld [tilespmem:s13+$0xC000];
	[tilespmem:s10+$0x14100] =	vst v7;
	v7 =	vsub.f32 v10, v4  }
0xf3: {  	v5 =	vld [tilespmem:s13+$0xC080];
	[tilespmem:s10+$0x14180] =	vst v3;
	v10 =	vsub.f32 v8, v10  }
0xf4: {  	v4 =	vld [tilespmem:s13+$0xC100];
	v12 =	vsub.f32 v0, v8;
	[tilespmem:s10+$0x14200] =	vst v7  }
0xf5: {  	s15 =	simm.s32 $0x2;
	v3 =	vld [tilespmem:s13+$0xC180];
	[tilespmem:s10+$0x14280] =	vst v10;
	v7 =	vsub.f32 v1, v6  }
0xf6: {  	s16 =	simm.s32 $0x30;
	s17 =	sand.u32 $0x7, s15;
	v8 =	vsub.f32 v9, v11;
	[tilespmem:s10+$0x14300] =	vst v12;
	v6 =	vld [tilespmem:s13+$0xC200]  }
.LBB2_8:
0xf7: {  	p0 =	sne.s32 s16, $0x7F0;
	s7 =	sshll.u32 s17, $0x4;
	v9 =	vld [tilespmem:s13+$0xC280];
	[tilespmem:s9+$0x14000] =	vst v7;
	v10 =	vmov v2  }
0xf8: {  	s7 =	sadd.s32 s7, s14;
	v2 =	vsub.f32 v5, v10;
	v11 =	vld [tilespmem:s13+$0xC300];
	s14 =	sadd.s32 $0x80, s14;
	[tilespmem:s10+$0x14000] =	vst v8;
	s10 =	smov.u32 s13  }
0xf9: {  	s13 =	sand.u32 $0x70, s16;
	s17 =	sand.u32 $0x3C00, s14;
	s7 =	sor.u32 $0x380, s7;
	v5 =	vsub.f32 v4, v5;
	[tilespmem:s9+$0x18000] =	vst v1;
	v1 =	vld [tilespmem:s12+$0xC000]  }
0xfa: {  	s9 =	smov.u32 s12;
	s13 =	sor.u32 s13, s17;
	v8 =	vld [tilespmem:s7+$0x18000];
	[tilespmem:s10+$0x14080] =	vst v2;
	v4 =	vsub.f32 v3, v4;
	s12 =	smov.u32 s7  }
.Ltmp5:
0xfb: {  	v2 =	vld [tilespmem:s13+$0xC000];
	[tilespmem:s10+$0x14100] =	vst v5;
	v3 =	vsub.f32 v6, v3;
	(pc) =	sbr.rel @p0 .LBB2_8-.Ltmp5, $4  }
0xfc: {  	v5 =	vld [tilespmem:s13+$0xC080];
	[tilespmem:s10+$0x14180] =	vst v4;
	v6 =	vsub.f32 v9, v6  }
0xfd: {  	v4 =	vld [tilespmem:s13+$0xC100];
	[tilespmem:s10+$0x14200] =	vst v3;
	v9 =	vsub.f32 v11, v9  }
0xfe: {  	s15 =	sadd.s32 $0x1, s15;
	v3 =	vld [tilespmem:s13+$0xC180];
	[tilespmem:s10+$0x14280] =	vst v6;
	v7 =	vsub.f32 v1, v0;
	v0 =	vmov v11  }
0xff: {  	s16 =	sadd.s32 $0x10, s16;
	s17 =	sand.u32 $0x7, s15;
	v6 =	vld [tilespmem:s13+$0xC200];
	v8 =	vsub.f32 v10, v8;
	[tilespmem:s10+$0x14300] =	vst v9  }
0x100: {  	s7 =	sshll.u32 s17, $0x4  }
0x101: {  	v9 =	vld [tilespmem:s13+$0xC280];
	s7 =	sadd.s32 s7, s14  }
0x102: {  	v11 =	vld [tilespmem:s13+$0xC300];
	v10 =	vsub.f32 v5, v2;
	s7 =	sor.u32 $0x380, s7  }
0x103: {  	[tilespmem:s10+$0x14000] =	vst v8;
	v55 =	vsub.f32 v4, v5;
	v56 =	vld [tilespmem:s7+$0x18000]  }
0x104: {  	[tilespmem:s13+$0x14080] =	vst v10;
	v57 =	vsub.f32 v3, v4  }
0x105: {  	[tilespmem:s13+$0x14100] =	vst v55;
	v58 =	vsub.f32 v6, v3  }
0x106: {  	[tilespmem:s13+$0x14180] =	vst v57;
	v59 =	vsub.f32 v9, v6  }
0x107: {  	v60 =	vsub.f32 v11, v9;
	[tilespmem:s13+$0x14200] =	vst v58  }
0x108: {  	[tilespmem:s13+$0x14280] =	vst v59;
	v61 =	vsub.f32 v2, v56  }
0x109: {  	v62 =	vld [tilespmem:s12+$0xC000];
	[tilespmem:s13+$0x14300] =	vst v60  }
0x10a: {  	[tilespmem:s13+$0x14000] =	vst v61  }
0x10b: {  	v2 =	vld [tilespmem:s7+$0xC000];
	_ =	sdelay $0x1  }
0x10c: {  	[tilespmem:s9+$0x14000] =	vst v7  }
0x10d: {  	[tilespmem:s9+$0x18000] =	vst v1;
	v0 =	vsub.f32 v62, v0  }
0x10e: {  	[tilespmem:s12+$0x18000] =	vst v62  }
0x10f: {  	[tilespmem:s12+$0x14000] =	vst v0;
	v63 =	vsub.f32 v2, v11  }
0x110: {  	[tilespmem:s7+$0x18000] =	vst v2  }
0x111: {  	[tilespmem:s7+$0x14000] =	vst v63  }
0x112: {  	s7 =	rddreg [dreg:$0xd]  }
0x113: {  	[hbm4b:s7+s4] =	stream.linear.scatter [tilespmem:s0], [sflag:$0x6], $0x4000, $0x38;
	[tilespmem:$0x1C000] =	vst v63  }
0x114: {  	s9 =	simm.s32 $0x1;
	s29 =	rddreg [dreg:$0xe]  }
0x115: {  	[tilespmem:s28], [sflag:$0x4] =	stream.linear.gather [hbm4b:s29+s4], $0x4000, $0x38;
	[tilespmem:$0x1C000] =	vst v63  }
.LBB2_10:
0x116: {  	_ =	swait.ge [sflag:s30], $0x4000  }
0x117: {  	[sflag:s30] =	ssyncset.done $0x0  }
0x118: {  	[sflag:s30] =	ssyncadd.s32 $0xFFFFC000  }
0x119: {  	s7 =	simm.s32 $0x0;
	_ =	swait.ge [sflag:s6], $0x4000  }
0x11a: {  	s10 =	sand.u32 $0x70, s7;
	s12 =	sand.u32 $0x3C00, s7;
	[sflag:s6] =	ssyncset.done $0x0  }
0x11b: {  	s14 =	sor.u32 s10, s12;
	[sflag:s6] =	ssyncadd.s32 $0xFFFFC000  }
0x11c: {  	v0 =	vld [tilespmem:s14+$0x0]  }
0x11d: {  	v1 =	vld [tilespmem:s14+$0x80]  }
0x11e: {  	v2 =	vld [tilespmem:s14+$0x100]  }
0x11f: {  	s7 =	sand.u32 $0x7, s7;
	v3 =	vld [tilespmem:s14+$0x180]  }
0x120: {  	s7 =	sshll.u32 s7, $0x4;
	v4 =	vld [tilespmem:s14+$0x200]  }
0x121: {  	s16 =	simm.s32 $0x10;
	s17 =	simm.s32 $0x80;
	s7 =	sadd.s32 $0x0, s7;
	v5 =	vld [tilespmem:s14+$0x280]  }
0x122: {  	s13 =	sand.u32 $0x70, s16;
	s12 =	sand.u32 $0x3C00, s17;
	s10 =	sor.u32 $0x380, s7;
	v6 =	vld [tilespmem:s14+$0x300];
	v7 =	vsub.f32 v1, v0  }
0x123: {  	s12 =	sor.u32 s13, s12;
	v8 =	vld [tilespmem:s10+$0x18000];
	v1 =	vsub.f32 v2, v1  }
0x124: {  	v9 =	vld [tilespmem:s12+$0x0];
	v2 =	vsub.f32 v3, v2;
	[tilespmem:s14+$0x10080] =	vst v7  }
0x125: {  	v7 =	vld [tilespmem:s12+$0x80];
	[tilespmem:s14+$0x10100] =	vst v1;
	v1 =	vsub.f32 v4, v3  }
0x126: {  	v3 =	vld [tilespmem:s12+$0x100];
	[tilespmem:s14+$0x10180] =	vst v2;
	v2 =	vsub.f32 v5, v4  }
0x127: {  	s18 =	simm.s32 $0x1;
	v4 =	vld [tilespmem:s12+$0x180];
	[tilespmem:s14+$0x10200] =	vst v1;
	v1 =	vsub.f32 v6, v5  }
0x128: {  	s7 =	sand.u32 $0x7, s18;
	v10 =	vld [tilespmem:s12+$0x200];
	[tilespmem:s14+$0x10280] =	vst v2;
	v2 =	vsub.f32 v0, v8  }
0x129: {  	s7 =	sshll.u32 s7, $0x4;
	v8 =	vld [tilespmem:s12+$0x280];
	[tilespmem:s14+$0x10300] =	vst v1  }
0x12a: {  	s15 =	simm.s32 $0x100;
	s16 =	simm.s32 $0x20;
	s7 =	sadd.s32 $0x80, s7;
	v0 =	vld [tilespmem:s12+$0x300];
	[tilespmem:s14+$0x10000] =	vst v2;
	v5 =	vsub.f32 v7, v9  }
0x12b: {  	s29 =	sand.u32 $0x3C00, s15;
	s23 =	sand.u32 $0x70, s16;
	s13 =	sor.u32 $0x380, s7;
	v7 =	vsub.f32 v3, v7;
	v1 =	vld [tilespmem:s10+$0x0]  }
0x12c: {  	v11 =	vld [tilespmem:s13+$0x18000];
	s14 =	sor.u32 s23, s29;
	v3 =	vsub.f32 v4, v3;
	[tilespmem:s12+$0x10080] =	vst v5  }
0x12d: {  	v2 =	vld [tilespmem:s14+$0x0];
	[tilespmem:s12+$0x10100] =	vst v7;
	v7 =	vsub.f32 v10, v4  }
0x12e: {  	v5 =	vld [tilespmem:s14+$0x80];
	[tilespmem:s12+$0x10180] =	vst v3;
	v10 =	vsub.f32 v8, v10  }
0x12f: {  	v4 =	vld [tilespmem:s14+$0x100];
	v12 =	vsub.f32 v0, v8;
	[tilespmem:s12+$0x10200] =	vst v7  }
0x130: {  	s16 =	simm.s32 $0x2;
	v3 =	vld [tilespmem:s14+$0x180];
	[tilespmem:s12+$0x10280] =	vst v10;
	v7 =	vsub.f32 v1, v6  }
0x131: {  	s17 =	simm.s32 $0x30;
	s18 =	sand.u32 $0x7, s16;
	v8 =	vsub.f32 v9, v11;
	[tilespmem:s12+$0x10300] =	vst v12;
	v6 =	vld [tilespmem:s14+$0x200]  }
.LBB2_11:
0x132: {  	p0 =	sne.s32 s17, $0x7F0;
	s7 =	sshll.u32 s18, $0x4;
	v9 =	vld [tilespmem:s14+$0x280];
	[tilespmem:s10+$0x10000] =	vst v7;
	v10 =	vmov v2  }
0x133: {  	s7 =	sadd.s32 s7, s15;
	v2 =	vsub.f32 v5, v10;
	v11 =	vld [tilespmem:s14+$0x300];
	s15 =	sadd.s32 $0x80, s15;
	[tilespmem:s12+$0x10000] =	vst v8;
	s12 =	smov.u32 s14  }
0x134: {  	s14 =	sand.u32 $0x70, s17;
	s18 =	sand.u32 $0x3C00, s15;
	s7 =	sor.u32 $0x380, s7;
	v5 =	vsub.f32 v4, v5;
	[tilespmem:s10+$0x18000] =	vst v1;
	v1 =	vld [tilespmem:s13+$0x0]  }
0x135: {  	s10 =	smov.u32 s13;
	s14 =	sor.u32 s14, s18;
	v8 =	vld [tilespmem:s7+$0x18000];
	[tilespmem:s12+$0x10080] =	vst v2;
	v4 =	vsub.f32 v3, v4;
	s13 =	smov.u32 s7  }
.Ltmp6:
0x136: {  	v2 =	vld [tilespmem:s14+$0x0];
	[tilespmem:s12+$0x10100] =	vst v5;
	v3 =	vsub.f32 v6, v3;
	(pc) =	sbr.rel @p0 .LBB2_11-.Ltmp6, $4  }
0x137: {  	v5 =	vld [tilespmem:s14+$0x80];
	[tilespmem:s12+$0x10180] =	vst v4;
	v6 =	vsub.f32 v9, v6  }
0x138: {  	v4 =	vld [tilespmem:s14+$0x100];
	[tilespmem:s12+$0x10200] =	vst v3;
	v9 =	vsub.f32 v11, v9  }
0x139: {  	s16 =	sadd.s32 $0x1, s16;
	v3 =	vld [tilespmem:s14+$0x180];
	[tilespmem:s12+$0x10280] =	vst v6;
	v7 =	vsub.f32 v1, v0;
	v0 =	vmov v11  }
0x13a: {  	s17 =	sadd.s32 $0x10, s17;
	s18 =	sand.u32 $0x7, s16;
	v6 =	vld [tilespmem:s14+$0x200];
	v8 =	vsub.f32 v10, v8;
	[tilespmem:s12+$0x10300] =	vst v9  }
0x13b: {  	s7 =	sshll.u32 s18, $0x4  }
0x13c: {  	v9 =	vld [tilespmem:s14+$0x280];
	s7 =	sadd.s32 s7, s15  }
0x13d: {  	v11 =	vld [tilespmem:s14+$0x300];
	v10 =	vsub.f32 v5, v2;
	s7 =	sor.u32 $0x380, s7  }
0x13e: {  	[tilespmem:s12+$0x10000] =	vst v8;
	v5 =	vsub.f32 v4, v5;
	v8 =	vld [tilespmem:s7+$0x18000]  }
0x13f: {  	[tilespmem:s14+$0x10080] =	vst v10;
	v4 =	vsub.f32 v3, v4  }
0x140: {  	[tilespmem:s14+$0x10100] =	vst v5;
	v3 =	vsub.f32 v6, v3  }
0x141: {  	[tilespmem:s14+$0x10180] =	vst v4;
	v4 =	vsub.f32 v9, v6  }
0x142: {  	[tilespmem:s14+$0x10200] =	vst v3;
	v3 =	vsub.f32 v11, v9  }
0x143: {  	[tilespmem:s14+$0x10280] =	vst v4;
	v2 =	vsub.f32 v2, v8  }
0x144: {  	v4 =	vld [tilespmem:s13+$0x0];
	[tilespmem:s14+$0x10300] =	vst v3  }
0x145: {  	[tilespmem:s14+$0x10000] =	vst v2  }
0x146: {  	v2 =	vld [tilespmem:s7+$0x0];
	_ =	sdelay $0x1  }
0x147: {  	[tilespmem:s10+$0x10000] =	vst v7  }
0x148: {  	[tilespmem:s10+$0x18000] =	vst v1;
	v0 =	vsub.f32 v4, v0  }
0x149: {  	[tilespmem:s13+$0x18000] =	vst v4  }
0x14a: {  	[tilespmem:s13+$0x10000] =	vst v0;
	v0 =	vsub.f32 v2, v11  }
0x14b: {  	s10 =	sshll.u32 s9, $0x2;
	p0 =	seq.s32 s9, $0xF;
	s15 =	sshll.u32 s9, $0xD;
	[tilespmem:s7+$0x18000] =	vst v2  }
0x14c: {  	s16 =	sadd.s32 s15, s11;
	[tilespmem:s7+$0x10000] =	vst v0;
	s7 =	sadd.s32 @!p0 s10, s19  }
0x14d: {  	[hbm4b:s16+s4] =	stream.linear.scatter [tilespmem:s31], [sflag:$0x5], $0x4000, $0x38;
	[tilespmem:$0x1C000] =	vst v63  }
0x14e: {  	s7 =	sshll.u32 @!p0 s7, $0xB  }
0x14f: {  	s7 =	sand.u32 @!p0 $0x1FFFE000, s7  }
0x150: {  	s12 =	simm.s32 @!p0 $0x0;
	s7 =	sadd.s32 @!p0 s2, s7  }
0x151: {  	[tilespmem:s12], [sflag:$0x1] =	stream.linear.gather @!p0 [hbm4b:s7+s12], $0x4000, $0x38;
	[tilespmem:$0x1C000] =	vst v63  }
0x152: {  	_ =	swait.ge [sflag:s1], $0x4000  }
0x153: {  	[sflag:s1] =	ssyncset.done $0x0  }
0x154: {  	[sflag:s1] =	ssyncadd.s32 $0xFFFFC000  }
0x155: {  	s17 =	simm.s32 $0x0;
	_ =	swait.ge [sflag:s26], $0x4000  }
0x156: {  	s18 =	sand.u32 $0x70, s17;
	s23 =	sand.u32 $0x3C00, s17;
	[sflag:s26] =	ssyncset.done $0x0  }
0x157: {  	s29 =	sor.u32 s18, s23;
	[sflag:s26] =	ssyncadd.s32 $0xFFFFC000  }
0x158: {  	v0 =	vld [tilespmem:s29+$0x4000]  }
0x159: {  	v1 =	vld [tilespmem:s29+$0x4080]  }
0x15a: {  	v2 =	vld [tilespmem:s29+$0x4100]  }
0x15b: {  	s7 =	sand.u32 $0x7, s17;
	v3 =	vld [tilespmem:s29+$0x4180]  }
0x15c: {  	s7 =	sshll.u32 s7, $0x4;
	v4 =	vld [tilespmem:s29+$0x4200]  }
0x15d: {  	s14 =	simm.s32 $0x10;
	s16 =	simm.s32 $0x80;
	s7 =	sadd.s32 $0x0, s7;
	v5 =	vld [tilespmem:s29+$0x4280]  }
0x15e: {  	s13 =	sand.u32 $0x3C00, s16;
	s17 =	sand.u32 $0x70, s14;
	s12 =	sor.u32 $0x380, s7;
	v6 =	vld [tilespmem:s29+$0x4300];
	v7 =	vsub.f32 v1, v0  }
0x15f: {  	s13 =	sor.u32 s17, s13;
	v8 =	vld [tilespmem:s12+$0x18000];
	v1 =	vsub.f32 v2, v1  }
0x160: {  	v9 =	vld [tilespmem:s13+$0x4000];
	v2 =	vsub.f32 v3, v2;
	[tilespmem:s29+$0x14080] =	vst v7  }
0x161: {  	v7 =	vld [tilespmem:s13+$0x4080];
	[tilespmem:s29+$0x14100] =	vst v1;
	v1 =	vsub.f32 v4, v3  }
0x162: {  	v3 =	vld [tilespmem:s13+$0x4100];
	[tilespmem:s29+$0x14180] =	vst v2;
	v2 =	vsub.f32 v5, v4  }
0x163: {  	s18 =	simm.s32 $0x1;
	v4 =	vld [tilespmem:s13+$0x4180];
	[tilespmem:s29+$0x14200] =	vst v1;
	v1 =	vsub.f32 v6, v5  }
0x164: {  	s7 =	sand.u32 $0x7, s18;
	v10 =	vld [tilespmem:s13+$0x4200];
	[tilespmem:s29+$0x14280] =	vst v2;
	v2 =	vsub.f32 v0, v8  }
0x165: {  	s7 =	sshll.u32 s7, $0x4;
	v8 =	vld [tilespmem:s13+$0x4280];
	[tilespmem:s29+$0x14300] =	vst v1  }
0x166: {  	s16 =	simm.s32 $0x100;
	s17 =	simm.s32 $0x20;
	s7 =	sadd.s32 $0x80, s7;
	v0 =	vld [tilespmem:s13+$0x4300];
	[tilespmem:s29+$0x14000] =	vst v2;
	v5 =	vsub.f32 v7, v9  }
0x167: {  	s23 =	sand.u32 $0x70, s17;
	s14 =	sor.u32 $0x380, s7;
	s29 =	sand.u32 $0x3C00, s16;
	v7 =	vsub.f32 v3, v7;
	v1 =	vld [tilespmem:s12+$0x4000]  }
0x168: {  	v11 =	vld [tilespmem:s14+$0x18000];
	s15 =	sor.u32 s23, s29;
	v3 =	vsub.f32 v4, v3;
	[tilespmem:s13+$0x14080] =	vst v5  }
0x169: {  	v2 =	vld [tilespmem:s15+$0x4000];
	[tilespmem:s13+$0x14100] =	vst v7;
	v7 =	vsub.f32 v10, v4  }
0x16a: {  	v5 =	vld [tilespmem:s15+$0x4080];
	[tilespmem:s13+$0x14180] =	vst v3;
	v10 =	vsub.f32 v8, v10  }
0x16b: {  	v4 =	vld [tilespmem:s15+$0x4100];
	v12 =	vsub.f32 v0, v8;
	[tilespmem:s13+$0x14200] =	vst v7  }
0x16c: {  	s17 =	simm.s32 $0x2;
	v3 =	vld [tilespmem:s15+$0x4180];
	[tilespmem:s13+$0x14280] =	vst v10;
	v7 =	vsub.f32 v1, v6  }
0x16d: {  	s18 =	simm.s32 $0x30;
	s23 =	sand.u32 $0x7, s17;
	v8 =	vsub.f32 v9, v11;
	[tilespmem:s13+$0x14300] =	vst v12;
	v6 =	vld [tilespmem:s15+$0x4200]  }
.LBB2_13:
0x16e: {  	p1 =	sne.s32 s18, $0x7F0;
	s7 =	sshll.u32 s23, $0x4;
	v9 =	vld [tilespmem:s15+$0x4280];
	[tilespmem:s12+$0x14000] =	vst v7;
	v10 =	vmov v2  }
0x16f: {  	s7 =	sadd.s32 s7, s16;
	v2 =	vsub.f32 v5, v10;
	v11 =	vld [tilespmem:s15+$0x4300];
	s16 =	sadd.s32 $0x80, s16;
	[tilespmem:s13+$0x14000] =	vst v8;
	s13 =	smov.u32 s15  }
0x170: {  	s15 =	sand.u32 $0x70, s18;
	s23 =	sand.u32 $0x3C00, s16;
	s7 =	sor.u32 $0x380, s7;
	v5 =	vsub.f32 v4, v5;
	[tilespmem:s12+$0x18000] =	vst v1;
	v1 =	vld [tilespmem:s14+$0x4000]  }
0x171: {  	s12 =	smov.u32 s14;
	s15 =	sor.u32 s15, s23;
	v8 =	vld [tilespmem:s7+$0x18000];
	[tilespmem:s13+$0x14080] =	vst v2;
	v4 =	vsub.f32 v3, v4;
	s14 =	smov.u32 s7  }
.Ltmp7:
0x172: {  	v2 =	vld [tilespmem:s15+$0x4000];
	[tilespmem:s13+$0x14100] =	vst v5;
	v3 =	vsub.f32 v6, v3;
	(pc) =	sbr.rel @p1 .LBB2_13-.Ltmp7, $4  }
0x173: {  	v5 =	vld [tilespmem:s15+$0x4080];
	[tilespmem:s13+$0x14180] =	vst v4;
	v6 =	vsub.f32 v9, v6  }
0x174: {  	v4 =	vld [tilespmem:s15+$0x4100];
	[tilespmem:s13+$0x14200] =	vst v3;
	v9 =	vsub.f32 v11, v9  }
0x175: {  	s17 =	sadd.s32 $0x1, s17;
	v3 =	vld [tilespmem:s15+$0x4180];
	[tilespmem:s13+$0x14280] =	vst v6;
	v7 =	vsub.f32 v1, v0;
	v0 =	vmov v11  }
0x176: {  	s18 =	sadd.s32 $0x10, s18;
	s23 =	sand.u32 $0x7, s17;
	v6 =	vld [tilespmem:s15+$0x4200];
	v8 =	vsub.f32 v10, v8;
	[tilespmem:s13+$0x14300] =	vst v9  }
0x177: {  	s7 =	sshll.u32 s23, $0x4  }
0x178: {  	v9 =	vld [tilespmem:s15+$0x4280];
	s7 =	sadd.s32 s7, s16  }
0x179: {  	v11 =	vld [tilespmem:s15+$0x4300];
	v10 =	vsub.f32 v5, v2;
	s7 =	sor.u32 $0x380, s7  }
0x17a: {  	[tilespmem:s13+$0x14000] =	vst v8;
	v5 =	vsub.f32 v4, v5;
	v8 =	vld [tilespmem:s7+$0x18000]  }
0x17b: {  	[tilespmem:s15+$0x14080] =	vst v10;
	v4 =	vsub.f32 v3, v4  }
0x17c: {  	[tilespmem:s15+$0x14100] =	vst v5;
	v3 =	vsub.f32 v6, v3  }
0x17d: {  	[tilespmem:s15+$0x14180] =	vst v4;
	v4 =	vsub.f32 v9, v6  }
0x17e: {  	[tilespmem:s15+$0x14200] =	vst v3;
	v3 =	vsub.f32 v11, v9  }
0x17f: {  	[tilespmem:s15+$0x14280] =	vst v4;
	v2 =	vsub.f32 v2, v8  }
0x180: {  	v4 =	vld [tilespmem:s14+$0x4000];
	[tilespmem:s15+$0x14300] =	vst v3  }
0x181: {  	[tilespmem:s15+$0x14000] =	vst v2  }
0x182: {  	v2 =	vld [tilespmem:s7+$0x4000];
	_ =	sdelay $0x1  }
0x183: {  	[tilespmem:s12+$0x14000] =	vst v7  }
0x184: {  	[tilespmem:s12+$0x18000] =	vst v1;
	s15 =	sshll.u32 s9, $0x5;
	v0 =	vsub.f32 v4, v0  }
0x185: {  	s12 =	sadd.s32 s15, s5;
	[tilespmem:s14+$0x18000] =	vst v4  }
0x186: {  	s12 =	sshll.u32 s12, $0x8;
	[tilespmem:s14+$0x14000] =	vst v0;
	v0 =	vsub.f32 v2, v11  }
0x187: {  	s12 =	sadd.s32 s3, s12;
	[tilespmem:s7+$0x18000] =	vst v2  }
0x188: {  	s16 =	sadd.s32 $0x800, s12;
	[tilespmem:s7+$0x14000] =	vst v0;
	s7 =	sadd.s32 @!p0 s10, s20  }
0x189: {  	[hbm4b:s16+s4] =	stream.linear.scatter [tilespmem:s0], [sflag:$0x6], $0x4000, $0x38;
	[tilespmem:$0x1C000] =	vst v63  }
0x18a: {  	s7 =	sshll.u32 @!p0 s7, $0xB  }
0x18b: {  	s13 =	simm.s32 @!p0 $0x0;
	s14 =	simm.s32 @!p0 $0x4000;
	s7 =	sadd.s32 @!p0 s2, s7  }
0x18c: {  	[tilespmem:s14], [sflag:$0x2] =	stream.linear.gather @!p0 [hbm4b:s7+s13], $0x4000, $0x38;
	[tilespmem:$0x1C000] =	vst v63  }
0x18d: {  	_ =	swait.ge [sflag:s24], $0x4000  }
0x18e: {  	[sflag:s24] =	ssyncset.done $0x0  }
0x18f: {  	[sflag:s24] =	ssyncadd.s32 $0xFFFFC000  }
0x190: {  	s17 =	simm.s32 $0x0;
	_ =	swait.ge [sflag:s6], $0x4000  }
0x191: {  	s18 =	sand.u32 $0x70, s17;
	s23 =	sand.u32 $0x3C00, s17;
	[sflag:s6] =	ssyncset.done $0x0  }
0x192: {  	s29 =	sor.u32 s18, s23;
	[sflag:s6] =	ssyncadd.s32 $0xFFFFC000  }
0x193: {  	v0 =	vld [tilespmem:s29+$0x8000]  }
0x194: {  	v1 =	vld [tilespmem:s29+$0x8080]  }
0x195: {  	v2 =	vld [tilespmem:s29+$0x8100]  }
0x196: {  	s7 =	sand.u32 $0x7, s17;
	v3 =	vld [tilespmem:s29+$0x8180]  }
0x197: {  	s7 =	sshll.u32 s7, $0x4;
	v4 =	vld [tilespmem:s29+$0x8200]  }
0x198: {  	s15 =	simm.s32 $0x80;
	s14 =	simm.s32 $0x10;
	s7 =	sadd.s32 $0x0, s7;
	v5 =	vld [tilespmem:s29+$0x8280]  }
0x199: {  	s17 =	sand.u32 $0x70, s14;
	s14 =	sand.u32 $0x3C00, s15;
	s13 =	sor.u32 $0x380, s7;
	v6 =	vld [tilespmem:s29+$0x8300];
	v7 =	vsub.f32 v1, v0  }
0x19a: {  	s14 =	sor.u32 s17, s14;
	v8 =	vld [tilespmem:s13+$0x18000];
	v1 =	vsub.f32 v2, v1  }
0x19b: {  	v9 =	vld [tilespmem:s14+$0x8000];
	v2 =	vsub.f32 v3, v2;
	[tilespmem:s29+$0x10080] =	vst v7  }
0x19c: {  	v7 =	vld [tilespmem:s14+$0x8080];
	[tilespmem:s29+$0x10100] =	vst v1;
	v1 =	vsub.f32 v4, v3  }
0x19d: {  	v3 =	vld [tilespmem:s14+$0x8100];
	[tilespmem:s29+$0x10180] =	vst v2;
	v2 =	vsub.f32 v5, v4  }
0x19e: {  	s18 =	simm.s32 $0x1;
	v4 =	vld [tilespmem:s14+$0x8180];
	[tilespmem:s29+$0x10200] =	vst v1;
	v1 =	vsub.f32 v6, v5  }
0x19f: {  	s7 =	sand.u32 $0x7, s18;
	v10 =	vld [tilespmem:s14+$0x8200];
	[tilespmem:s29+$0x10280] =	vst v2;
	v2 =	vsub.f32 v0, v8  }
0x1a0: {  	s7 =	sshll.u32 s7, $0x4;
	v8 =	vld [tilespmem:s14+$0x8280];
	[tilespmem:s29+$0x10300] =	vst v1  }
0x1a1: {  	s17 =	simm.s32 $0x100;
	s18 =	simm.s32 $0x20;
	s7 =	sadd.s32 $0x80, s7;
	v0 =	vld [tilespmem:s14+$0x8300];
	[tilespmem:s29+$0x10000] =	vst v2;
	v5 =	vsub.f32 v7, v9  }
0x1a2: {  	s23 =	sand.u32 $0x70, s18;
	s15 =	sor.u32 $0x380, s7;
	s29 =	sand.u32 $0x3C00, s17;
	v7 =	vsub.f32 v3, v7;
	v1 =	vld [tilespmem:s13+$0x8000]  }
0x1a3: {  	v11 =	vld [tilespmem:s15+$0x18000];
	s16 =	sor.u32 s23, s29;
	v3 =	vsub.f32 v4, v3;
	[tilespmem:s14+$0x10080] =	vst v5  }
0x1a4: {  	v2 =	vld [tilespmem:s16+$0x8000];
	[tilespmem:s14+$0x10100] =	vst v7;
	v7 =	vsub.f32 v10, v4  }
0x1a5: {  	v5 =	vld [tilespmem:s16+$0x8080];
	[tilespmem:s14+$0x10180] =	vst v3;
	v10 =	vsub.f32 v8, v10  }
0x1a6: {  	v4 =	vld [tilespmem:s16+$0x8100];
	v12 =	vsub.f32 v0, v8;
	[tilespmem:s14+$0x10200] =	vst v7  }
0x1a7: {  	s18 =	simm.s32 $0x2;
	v3 =	vld [tilespmem:s16+$0x8180];
	[tilespmem:s14+$0x10280] =	vst v10;
	v7 =	vsub.f32 v1, v6  }
0x1a8: {  	s7 =	sand.u32 $0x7, s18;
	s23 =	simm.s32 $0x30;
	v8 =	vsub.f32 v9, v11;
	[tilespmem:s14+$0x10300] =	vst v12;
	v6 =	vld [tilespmem:s16+$0x8200]  }
.LBB2_15:
0x1a9: {  	p1 =	sne.s32 s23, $0x7F0;
	s7 =	sshll.u32 s7, $0x4;
	v9 =	vld [tilespmem:s16+$0x8280];
	[tilespmem:s13+$0x10000] =	vst v7;
	v10 =	vmov v2  }
0x1aa: {  	s7 =	sadd.s32 s7, s17;
	v2 =	vsub.f32 v5, v10;
	v11 =	vld [tilespmem:s16+$0x8300];
	s17 =	sadd.s32 $0x80, s17;
	[tilespmem:s14+$0x10000] =	vst v8;
	s14 =	smov.u32 s16  }
0x1ab: {  	s16 =	sand.u32 $0x70, s23;
	s29 =	sand.u32 $0x3C00, s17;
	s7 =	sor.u32 $0x380, s7;
	v5 =	vsub.f32 v4, v5;
	[tilespmem:s13+$0x18000] =	vst v1;
	v1 =	vld [tilespmem:s15+$0x8000]  }
0x1ac: {  	s13 =	smov.u32 s15;
	s16 =	sor.u32 s16, s29;
	v8 =	vld [tilespmem:s7+$0x18000];
	[tilespmem:s14+$0x10080] =	vst v2;
	v4 =	vsub.f32 v3, v4;
	s15 =	smov.u32 s7  }
.Ltmp8:
0x1ad: {  	v2 =	vld [tilespmem:s16+$0x8000];
	[tilespmem:s14+$0x10100] =	vst v5;
	v3 =	vsub.f32 v6, v3;
	(pc) =	sbr.rel @p1 .LBB2_15-.Ltmp8, $4  }
0x1ae: {  	v5 =	vld [tilespmem:s16+$0x8080];
	[tilespmem:s14+$0x10180] =	vst v4;
	v6 =	vsub.f32 v9, v6  }
0x1af: {  	v4 =	vld [tilespmem:s16+$0x8100];
	[tilespmem:s14+$0x10200] =	vst v3;
	v9 =	vsub.f32 v11, v9  }
0x1b0: {  	s18 =	sadd.s32 $0x1, s18;
	v3 =	vld [tilespmem:s16+$0x8180];
	[tilespmem:s14+$0x10280] =	vst v6;
	v7 =	vsub.f32 v1, v0;
	v0 =	vmov v11  }
0x1b1: {  	s23 =	sadd.s32 $0x10, s23;
	s7 =	sand.u32 $0x7, s18;
	v6 =	vld [tilespmem:s16+$0x8200];
	v8 =	vsub.f32 v10, v8;
	[tilespmem:s14+$0x10300] =	vst v9  }
0x1b2: {  	s7 =	sshll.u32 s7, $0x4  }
0x1b3: {  	v9 =	vld [tilespmem:s16+$0x8280];
	s7 =	sadd.s32 s7, s17  }
0x1b4: {  	v11 =	vld [tilespmem:s16+$0x8300];
	v10 =	vsub.f32 v5, v2;
	s7 =	sor.u32 $0x380, s7  }
0x1b5: {  	[tilespmem:s14+$0x10000] =	vst v8;
	v5 =	vsub.f32 v4, v5;
	v8 =	vld [tilespmem:s7+$0x18000]  }
0x1b6: {  	[tilespmem:s16+$0x10080] =	vst v10;
	v4 =	vsub.f32 v3, v4  }
0x1b7: {  	[tilespmem:s16+$0x10100] =	vst v5;
	v3 =	vsub.f32 v6, v3  }
0x1b8: {  	[tilespmem:s16+$0x10180] =	vst v4;
	v4 =	vsub.f32 v9, v6  }
0x1b9: {  	[tilespmem:s16+$0x10200] =	vst v3;
	v3 =	vsub.f32 v11, v9  }
0x1ba: {  	[tilespmem:s16+$0x10280] =	vst v4;
	v2 =	vsub.f32 v2, v8  }
0x1bb: {  	v4 =	vld [tilespmem:s15+$0x8000];
	[tilespmem:s16+$0x10300] =	vst v3  }
0x1bc: {  	[tilespmem:s16+$0x10000] =	vst v2  }
0x1bd: {  	v2 =	vld [tilespmem:s7+$0x8000];
	_ =	sdelay $0x1  }
0x1be: {  	[tilespmem:s13+$0x10000] =	vst v7  }
0x1bf: {  	[tilespmem:s13+$0x18000] =	vst v1;
	v0 =	vsub.f32 v4, v0  }
0x1c0: {  	[tilespmem:s15+$0x18000] =	vst v4  }
0x1c1: {  	[tilespmem:s15+$0x10000] =	vst v0;
	v0 =	vsub.f32 v2, v11  }
0x1c2: {  	[tilespmem:s7+$0x18000] =	vst v2  }
0x1c3: {  	s16 =	sadd.s32 $0x1000, s12;
	[tilespmem:s7+$0x10000] =	vst v0;
	s7 =	sadd.s32 @!p0 s10, s21  }
0x1c4: {  	[hbm4b:s16+s4] =	stream.linear.scatter [tilespmem:s31], [sflag:$0x5], $0x4000, $0x38;
	[tilespmem:$0x1C000] =	vst v63  }
0x1c5: {  	s7 =	sshll.u32 @!p0 s7, $0xB  }
0x1c6: {  	s7 =	sand.u32 @!p0 $0x1FFFF000, s7  }
0x1c7: {  	s13 =	simm.s32 @!p0 $0x0;
	s14 =	simm.s32 @!p0 $0x8000;
	s7 =	sadd.s32 @!p0 s2, s7  }
0x1c8: {  	[tilespmem:s14], [sflag:$0x3] =	stream.linear.gather @!p0 [hbm4b:s7+s13], $0x4000, $0x38;
	[tilespmem:$0x1C000] =	vst v63  }
0x1c9: {  	_ =	swait.ge [sflag:s25], $0x4000  }
0x1ca: {  	[sflag:s25] =	ssyncset.done $0x0  }
0x1cb: {  	[sflag:s25] =	ssyncadd.s32 $0xFFFFC000  }
0x1cc: {  	s17 =	simm.s32 $0x0;
	_ =	swait.ge [sflag:s26], $0x4000  }
0x1cd: {  	s18 =	sand.u32 $0x70, s17;
	s23 =	sand.u32 $0x3C00, s17;
	[sflag:s26] =	ssyncset.done $0x0  }
0x1ce: {  	s29 =	sor.u32 s18, s23;
	[sflag:s26] =	ssyncadd.s32 $0xFFFFC000  }
0x1cf: {  	v0 =	vld [tilespmem:s29+$0xC000]  }
0x1d0: {  	v1 =	vld [tilespmem:s29+$0xC080]  }
0x1d1: {  	v2 =	vld [tilespmem:s29+$0xC100]  }
0x1d2: {  	s7 =	sand.u32 $0x7, s17;
	v3 =	vld [tilespmem:s29+$0xC180]  }
0x1d3: {  	s7 =	sshll.u32 s7, $0x4;
	v4 =	vld [tilespmem:s29+$0xC200]  }
0x1d4: {  	s15 =	simm.s32 $0x80;
	s14 =	simm.s32 $0x10;
	s7 =	sadd.s32 $0x0, s7;
	v5 =	vld [tilespmem:s29+$0xC280]  }
0x1d5: {  	s17 =	sand.u32 $0x70, s14;
	s14 =	sand.u32 $0x3C00, s15;
	s13 =	sor.u32 $0x380, s7;
	v6 =	vld [tilespmem:s29+$0xC300];
	v7 =	vsub.f32 v1, v0  }
0x1d6: {  	s14 =	sor.u32 s17, s14;
	v8 =	vld [tilespmem:s13+$0x18000];
	v1 =	vsub.f32 v2, v1  }
0x1d7: {  	v9 =	vld [tilespmem:s14+$0xC000];
	v2 =	vsub.f32 v3, v2;
	[tilespmem:s29+$0x14080] =	vst v7  }
0x1d8: {  	v7 =	vld [tilespmem:s14+$0xC080];
	[tilespmem:s29+$0x14100] =	vst v1;
	v1 =	vsub.f32 v4, v3  }
0x1d9: {  	v3 =	vld [tilespmem:s14+$0xC100];
	[tilespmem:s29+$0x14180] =	vst v2;
	v2 =	vsub.f32 v5, v4  }
0x1da: {  	s18 =	simm.s32 $0x1;
	v4 =	vld [tilespmem:s14+$0xC180];
	[tilespmem:s29+$0x14200] =	vst v1;
	v1 =	vsub.f32 v6, v5  }
0x1db: {  	s7 =	sand.u32 $0x7, s18;
	v10 =	vld [tilespmem:s14+$0xC200];
	[tilespmem:s29+$0x14280] =	vst v2;
	v2 =	vsub.f32 v0, v8  }
0x1dc: {  	s7 =	sshll.u32 s7, $0x4;
	v8 =	vld [tilespmem:s14+$0xC280];
	[tilespmem:s29+$0x14300] =	vst v1  }
0x1dd: {  	s17 =	simm.s32 $0x100;
	s18 =	simm.s32 $0x20;
	s7 =	sadd.s32 $0x80, s7;
	v0 =	vld [tilespmem:s14+$0xC300];
	[tilespmem:s29+$0x14000] =	vst v2;
	v5 =	vsub.f32 v7, v9  }
0x1de: {  	s23 =	sand.u32 $0x70, s18;
	s15 =	sor.u32 $0x380, s7;
	s29 =	sand.u32 $0x3C00, s17;
	v7 =	vsub.f32 v3, v7;
	v1 =	vld [tilespmem:s13+$0xC000]  }
0x1df: {  	v11 =	vld [tilespmem:s15+$0x18000];
	s16 =	sor.u32 s23, s29;
	v3 =	vsub.f32 v4, v3;
	[tilespmem:s14+$0x14080] =	vst v5  }
0x1e0: {  	v2 =	vld [tilespmem:s16+$0xC000];
	[tilespmem:s14+$0x14100] =	vst v7;
	v7 =	vsub.f32 v10, v4  }
0x1e1: {  	v5 =	vld [tilespmem:s16+$0xC080];
	[tilespmem:s14+$0x14180] =	vst v3;
	v10 =	vsub.f32 v8, v10  }
0x1e2: {  	v4 =	vld [tilespmem:s16+$0xC100];
	v12 =	vsub.f32 v0, v8;
	[tilespmem:s14+$0x14200] =	vst v7  }
0x1e3: {  	s18 =	simm.s32 $0x2;
	v3 =	vld [tilespmem:s16+$0xC180];
	[tilespmem:s14+$0x14280] =	vst v10;
	v7 =	vsub.f32 v1, v6  }
0x1e4: {  	s7 =	sand.u32 $0x7, s18;
	s23 =	simm.s32 $0x30;
	v8 =	vsub.f32 v9, v11;
	[tilespmem:s14+$0x14300] =	vst v12;
	v6 =	vld [tilespmem:s16+$0xC200]  }
.LBB2_17:
0x1e5: {  	p1 =	sne.s32 s23, $0x7F0;
	s7 =	sshll.u32 s7, $0x4;
	v9 =	vld [tilespmem:s16+$0xC280];
	[tilespmem:s13+$0x14000] =	vst v7;
	v10 =	vmov v2  }
0x1e6: {  	s7 =	sadd.s32 s7, s17;
	v2 =	vsub.f32 v5, v10;
	v11 =	vld [tilespmem:s16+$0xC300];
	s17 =	sadd.s32 $0x80, s17;
	[tilespmem:s14+$0x14000] =	vst v8;
	s14 =	smov.u32 s16  }
0x1e7: {  	s16 =	sand.u32 $0x70, s23;
	s29 =	sand.u32 $0x3C00, s17;
	s7 =	sor.u32 $0x380, s7;
	v5 =	vsub.f32 v4, v5;
	[tilespmem:s13+$0x18000] =	vst v1;
	v1 =	vld [tilespmem:s15+$0xC000]  }
0x1e8: {  	s13 =	smov.u32 s15;
	s16 =	sor.u32 s16, s29;
	v8 =	vld [tilespmem:s7+$0x18000];
	[tilespmem:s14+$0x14080] =	vst v2;
	v4 =	vsub.f32 v3, v4;
	s15 =	smov.u32 s7  }
.Ltmp9:
0x1e9: {  	v2 =	vld [tilespmem:s16+$0xC000];
	[tilespmem:s14+$0x14100] =	vst v5;
	v3 =	vsub.f32 v6, v3;
	(pc) =	sbr.rel @p1 .LBB2_17-.Ltmp9, $4  }
0x1ea: {  	v5 =	vld [tilespmem:s16+$0xC080];
	[tilespmem:s14+$0x14180] =	vst v4;
	v6 =	vsub.f32 v9, v6  }
0x1eb: {  	v4 =	vld [tilespmem:s16+$0xC100];
	[tilespmem:s14+$0x14200] =	vst v3;
	v9 =	vsub.f32 v11, v9  }
0x1ec: {  	s18 =	sadd.s32 $0x1, s18;
	v3 =	vld [tilespmem:s16+$0xC180];
	[tilespmem:s14+$0x14280] =	vst v6;
	v7 =	vsub.f32 v1, v0;
	v0 =	vmov v11  }
0x1ed: {  	s23 =	sadd.s32 $0x10, s23;
	s7 =	sand.u32 $0x7, s18;
	v6 =	vld [tilespmem:s16+$0xC200];
	v8 =	vsub.f32 v10, v8;
	[tilespmem:s14+$0x14300] =	vst v9  }
0x1ee: {  	s7 =	sshll.u32 s7, $0x4  }
0x1ef: {  	v9 =	vld [tilespmem:s16+$0xC280];
	s7 =	sadd.s32 s7, s17  }
0x1f0: {  	v11 =	vld [tilespmem:s16+$0xC300];
	v10 =	vsub.f32 v5, v2;
	s7 =	sor.u32 $0x380, s7  }
0x1f1: {  	[tilespmem:s14+$0x14000] =	vst v8;
	v55 =	vsub.f32 v4, v5;
	v56 =	vld [tilespmem:s7+$0x18000]  }
0x1f2: {  	[tilespmem:s16+$0x14080] =	vst v10;
	v57 =	vsub.f32 v3, v4  }
0x1f3: {  	[tilespmem:s16+$0x14100] =	vst v55;
	v58 =	vsub.f32 v6, v3  }
0x1f4: {  	[tilespmem:s16+$0x14180] =	vst v57;
	v59 =	vsub.f32 v9, v6  }
0x1f5: {  	v60 =	vsub.f32 v11, v9;
	[tilespmem:s16+$0x14200] =	vst v58  }
0x1f6: {  	[tilespmem:s16+$0x14280] =	vst v59;
	v61 =	vsub.f32 v2, v56  }
0x1f7: {  	v62 =	vld [tilespmem:s15+$0xC000];
	[tilespmem:s16+$0x14300] =	vst v60  }
0x1f8: {  	[tilespmem:s16+$0x14000] =	vst v61  }
0x1f9: {  	v2 =	vld [tilespmem:s7+$0xC000];
	_ =	sdelay $0x1  }
0x1fa: {  	[tilespmem:s13+$0x14000] =	vst v7  }
0x1fb: {  	[tilespmem:s13+$0x18000] =	vst v1;
	v0 =	vsub.f32 v62, v0  }
.Ltmp10:
0x1fc: {  	[tilespmem:s15+$0x18000] =	vst v62;
	(pc) =	sbr.rel @p0 .LBB2_20-.Ltmp10, $4  }
0x1fd: {  	[tilespmem:s15+$0x14000] =	vst v0;
	v63 =	vsub.f32 v2, v11  }
0x1fe: {  	[tilespmem:s7+$0x18000] =	vst v2  }
0x1ff: {  	s29 =	sadd.s32 $0x1800, s12;
	[tilespmem:s7+$0x14000] =	vst v63  }
0x200: {  	[hbm4b:s29+s4] =	stream.linear.scatter [tilespmem:s0], [sflag:$0x6], $0x4000, $0x38;
	[tilespmem:$0x1C000] =	vst v63  }
.Ltmp11:
0x201: {  	(pc) =	sbr.rel .LBB2_10-.Ltmp11, $4  }
0x202: {  	s7 =	sadd.s32 s10, s22  }
0x203: {  	s7 =	sshll.u32 s7, $0xB  }
0x204: {  	s9 =	sadd.s32 $0x1, s9;
	s7 =	sadd.s32 s2, s7  }
0x205: {  	[tilespmem:s28], [sflag:$0x4] =	stream.linear.gather [hbm4b:s7+s4], $0x4000, $0x38;
	[tilespmem:$0x1C000] =	vst v63  }
.LBB2_21:
0x206: {  	_ =	sfence.sel $0x180000  }
0x207: {  	[bflag:$0x0] =	sbarrier.arrive $0xFFFF  }
0x208: {  	_ =	strace $0x90000047  }
0x209: {  	s0 =	stileid.u32;
	[bflag:$0x2] =	sbarrier.arrive $0xFFFF  }
0x20a: {  	p0 =	sne.s32 s0, $0x0;
	s0 =	rddreg [dreg:$0x2]  }
0x20b: {  	s0 =	sadd.s32 @!p0 $0x100000, s0  }
0x20c: {  	[sflag:s0] =	ssyncadd.tile.s32 @!p0 $0x1;
	_ =	shalt  }
.Lfunc_end2:
_tile_overlayer_lowered:
.L_overlay_start_2:
0x20d: {  	(tag) =	ssettag $0x2  }
0x20e: {  	s0 =	rddreg [dreg:$0x0];
	s2 =	stileid.u32  }
0x20f: {  	s1 =	rddreg [dreg:$0x1];
	p0 =	sne.s32 s2, $0x0  }
0x210: {  	s3 =	rddreg [dreg:$0x2];
	[bflag:$0x3] =	sbarrier.arrive $0xFFFF;
	s2 =	simm.s32 @!p0 $0x1C08  }
0x211: {  	[timem:s3], [sflag:s2] =	dma.local @!p0 [hbm:s0], s1  }
0x212: {  	s0 =	simm.s32 @!p0 $0x8  }
0x213: {  	_ =	swait.ge @!p0 [sflag:s0], s1  }
0x214: {  	s1 =	ssub.s32 @!p0 $0x0, s1;
	[sflag:s0] =	ssyncset.done @!p0 $0x0  }
0x215: {  	[sflag:s0] =	ssyncadd.s32 @!p0 s1  }
0x216: {  	[bflag:$0x3] =	sbarrier.arrive $0xFFFF  }
0x217: {  	_ =	shalt  }

</sc_bundles>
